<compile_context>
chip_gen: v7x
topology: tpu7x:2x2x1
jax: 0.10.2.dev20260603
libtpu: 0.0.44.dev20260713+nightly
codegen_flags: <defaults>
</compile_context>

<pallas_src>
import functools
import math

import jax
import jax.numpy as jnp
from jax import lax
from jax.experimental import pallas as pl
from jax.experimental.pallas import tpu as pltpu
from jax.experimental.pallas import tpu_sc as plsc

B, N, C_IN, C_OUT = 2, 3136, 128, 256
H = W = 56
K = 5
NS = int(math.ceil(N * 0.25))
BM = 448
NB = N // BM
_INV_SQRT_C = 0.0625


def _dist_block(xr, xf, r2, c2):
    dot = lax.dot_general(xr, xf, (((1,), (1,)), ((), ())),
                          preferred_element_type=jnp.float32)
    d2 = r2 + c2 - 2.0 * dot
    return jnp.sqrt(jnp.maximum(d2, 0.0)) * _INV_SQRT_C


def _density_kernel(xr_ref, xf_ref, r2_ref, c2_ref, out_ref):
    dist = _dist_block(xr_ref[0], xf_ref[0], r2_ref[0], c2_ref[0])
    cols = lax.broadcasted_iota(jnp.int32, (BM, N), 1)
    mins = []
    for _ in range(K):
        m = jnp.min(dist, axis=1, keepdims=True)
        mins.append(m)
        first = jnp.min(jnp.where(dist == m, cols, N), axis=1, keepdims=True)
        dist = jnp.where(cols == first, jnp.inf, dist)
    out_ref[0] = jnp.concatenate(mins, axis=1)


def _parent_kernel(xr_ref, xf_ref, r2_ref, c2_ref, dr_ref, df_ref,
                   parent_ref, rowmax_ref):
    dist = _dist_block(xr_ref[0], xf_ref[0], r2_ref[0], c2_ref[0])
    mask = df_ref[0] > dr_ref[0]
    parent_ref[0] = jnp.min(jnp.where(mask, dist, jnp.inf), axis=1, keepdims=True)
    rowmax_ref[0] = jnp.max(dist, axis=1, keepdims=True)


def _assign_kernel(xt_ref, xc_ref, r2_ref, c2_ref, out_ref):
    dist = _dist_block(xt_ref[0], xc_ref[0], r2_ref[0], c2_ref[0])
    cols = lax.broadcasted_iota(jnp.int32, (BM, NS), 1)
    m = jnp.min(dist, axis=1, keepdims=True)
    out_ref[0] = jnp.min(jnp.where(dist == m, cols, NS), axis=1, keepdims=True)


def _density(xs, a2):
    out = pl.pallas_call(
        _density_kernel,
        grid=(B, NB),
        in_specs=[
            pl.BlockSpec((1, BM, C_OUT), lambda b, i: (b, i, 0)),
            pl.BlockSpec((1, N, C_OUT), lambda b, i: (b, 0, 0)),
            pl.BlockSpec((1, BM, 1), lambda b, i: (b, i, 0)),
            pl.BlockSpec((1, 1, N), lambda b, i: (b, 0, 0)),
        ],
        out_specs=pl.BlockSpec((1, BM, K), lambda b, i: (b, i, 0)),
        out_shape=jax.ShapeDtypeStruct((B, N, K), jnp.float32),
    )(xs, xs, a2.reshape(B, N, 1), a2.reshape(B, 1, N))
    return out


def _parent(xs, a2, density):
    parent, rowmax = pl.pallas_call(
        _parent_kernel,
        grid=(B, NB),
        in_specs=[
            pl.BlockSpec((1, BM, C_OUT), lambda b, i: (b, i, 0)),
            pl.BlockSpec((1, N, C_OUT), lambda b, i: (b, 0, 0)),
            pl.BlockSpec((1, BM, 1), lambda b, i: (b, i, 0)),
            pl.BlockSpec((1, 1, N), lambda b, i: (b, 0, 0)),
            pl.BlockSpec((1, BM, 1), lambda b, i: (b, i, 0)),
            pl.BlockSpec((1, 1, N), lambda b, i: (b, 0, 0)),
        ],
        out_specs=[
            pl.BlockSpec((1, BM, 1), lambda b, i: (b, i, 0)),
            pl.BlockSpec((1, BM, 1), lambda b, i: (b, i, 0)),
        ],
        out_shape=[
            jax.ShapeDtypeStruct((B, N, 1), jnp.float32),
            jax.ShapeDtypeStruct((B, N, 1), jnp.float32),
        ],
    )(xs, xs, a2.reshape(B, N, 1), a2.reshape(B, 1, N),
      density.reshape(B, N, 1), density.reshape(B, 1, N))
    return parent.reshape(B, N), rowmax.reshape(B, N)


def _assign(xs, centers, a2, c2g):
    out = pl.pallas_call(
        _assign_kernel,
        grid=(B, NB),
        in_specs=[
            pl.BlockSpec((1, BM, C_OUT), lambda b, i: (b, i, 0)),
            pl.BlockSpec((1, NS, C_OUT), lambda b, i: (b, 0, 0)),
            pl.BlockSpec((1, BM, 1), lambda b, i: (b, i, 0)),
            pl.BlockSpec((1, 1, NS), lambda b, i: (b, 0, 0)),
        ],
        out_specs=pl.BlockSpec((1, BM, 1), lambda b, i: (b, i, 0)),
        out_shape=jax.ShapeDtypeStruct((B, N, 1), jnp.int32),
    )(xs, centers, a2.reshape(B, N, 1), c2g.reshape(B, 1, NS))
    return out.reshape(B, N)



NT = 224
NCH = NT // 16
ACT = 14
CR = NS // ACT


def _sums_kernel(ic_ref, w_ref, xn_ref, y_ref, aw_ref):
    i = pl.program_id(1)
    cols = lax.broadcasted_iota(jnp.int32, (BM, NS), 1)
    ow = jnp.where(cols == ic_ref[0], w_ref[0], 0.0)
    y_part = lax.dot_general(ow, xn_ref[0], (((0,), (0,)), ((), ())),
                             precision=lax.Precision.HIGHEST,
                             preferred_element_type=jnp.float32)
    aw_part = jnp.sum(ow, axis=0, keepdims=True)

    @pl.when(i == 0)
    def _init():
        y_ref[0] = y_part
        aw_ref[0] = aw_part

    @pl.when(i > 0)
    def _acc():
        y_ref[0] = y_ref[0] + y_part
        aw_ref[0] = aw_ref[0] + aw_part


def _sums(idx_cluster, weight, xs):
    y, aw = pl.pallas_call(
        _sums_kernel,
        grid=(B, NB),
        in_specs=[
            pl.BlockSpec((1, BM, 1), lambda b, i: (b, i, 0)),
            pl.BlockSpec((1, BM, 1), lambda b, i: (b, i, 0)),
            pl.BlockSpec((1, BM, C_OUT), lambda b, i: (b, i, 0)),
        ],
        out_specs=[
            pl.BlockSpec((1, NS, C_OUT), lambda b, i: (b, 0, 0)),
            pl.BlockSpec((1, 1, NS), lambda b, i: (b, 0, 0)),
        ],
        out_shape=[
            jax.ShapeDtypeStruct((B, NS, C_OUT), jnp.float32),
            jax.ShapeDtypeStruct((B, 1, NS), jnp.float32),
        ],
    )(idx_cluster.reshape(B, N, 1), weight, xs)
    return y, aw.reshape(B, NS)


def _gather_kernel(aw_hbm, idxc_hbm, w_hbm, gidx_hbm, aggw_hbm,
                   iad_hbm, awd_hbm,
                   fidx_v, w_v, aw_local, nw_v,
                   nwtab, ictab, gidx_v, iad_v, awd_v, aggw_v,
                   nw_spmem):
    c = lax.axis_index("c")
    sid = lax.axis_index("s")
    base = c * N + sid * NT

    @pl.when(sid < ACT)
    def _phase_a():
        pltpu.sync_copy(idxc_hbm.at[pl.ds(base, NT)], fidx_v)
        pltpu.sync_copy(w_hbm.at[pl.ds(base, NT)], w_v)
        pltpu.sync_copy(aw_hbm.at[pl.ds(c * NS, NS)], aw_local)
        for i in range(NCH):
            idx16 = fidx_v[pl.ds(16 * i, 16)]
            awg = plsc.load_gather(aw_local, [idx16])
            nw_v[pl.ds(16 * i, 16)] = w_v[pl.ds(16 * i, 16)] / (awg + 1e-6)
        pltpu.sync_copy(nw_v, nw_spmem.at[pl.ds(sid * NT, NT)])
    plsc.subcore_barrier()

    @pl.when(sid < ACT)
    def _phase_b():
        pltpu.sync_copy(nw_spmem, nwtab)
        pltpu.sync_copy(idxc_hbm.at[pl.ds(c * N, N)], ictab)
        pltpu.sync_copy(gidx_hbm.at[pl.ds(base, NT)], gidx_v)
        pltpu.sync_copy(aggw_hbm.at[pl.ds(base, NT)], aggw_v)
        for i in range(NCH):
            g16 = gidx_v[pl.ds(16 * i, 16)]
            iad_v[pl.ds(16 * i, 16)] = plsc.load_gather(ictab, [g16])
            wt16 = plsc.load_gather(nwtab, [g16])
            awd_v[pl.ds(16 * i, 16)] = aggw_v[pl.ds(16 * i, 16)] * wt16
        pltpu.sync_copy(iad_v, iad_hbm.at[pl.ds(base, NT)])
        pltpu.sync_copy(awd_v, awd_hbm.at[pl.ds(base, NT)])


def _gathers(all_w, idx_cluster, weight, idx_agg, agg_weight):
    mesh = plsc.VectorSubcoreMesh(core_axis_name="c", subcore_axis_name="s")
    run = pl.kernel(
        _gather_kernel,
        mesh=mesh,
        compiler_params=pltpu.CompilerParams(needs_layout_passes=False),
        out_type=[
            jax.ShapeDtypeStruct((B * N,), jnp.int32),
            jax.ShapeDtypeStruct((B * N,), jnp.float32),
        ],
        scratch_types=[
            pltpu.VMEM((NT,), jnp.int32),
            pltpu.VMEM((NT,), jnp.float32),
            pltpu.VMEM((NS,), jnp.float32),
            pltpu.VMEM((NT,), jnp.float32),
            pltpu.VMEM((N,), jnp.float32),
            pltpu.VMEM((N,), jnp.int32),
            pltpu.VMEM((NT,), jnp.int32),
            pltpu.VMEM((NT,), jnp.int32),
            pltpu.VMEM((NT,), jnp.float32),
            pltpu.VMEM((NT,), jnp.float32),
            pltpu.VMEM_SHARED((N,), jnp.float32),
        ],
    )
    return run(all_w.reshape(B * NS), idx_cluster.reshape(B * N),
               weight.reshape(B * N), idx_agg.reshape(B * N),
               agg_weight.reshape(B * N))


def _copy_kernel(src_ref, dst_ref):
    dst_ref[...] = src_ref[...]


def _materialize(x):
    return pl.pallas_call(
        _copy_kernel,
        grid=(B,),
        in_specs=[pl.BlockSpec((1, N, C_OUT), lambda b: (b, 0, 0))],
        out_specs=pl.BlockSpec((1, N, C_OUT), lambda b: (b, 0, 0)),
        out_shape=jax.ShapeDtypeStruct((B, N, C_OUT), jnp.float32),
    )(x)


def _layernorm(x, g, b, eps=1e-5):
    m = jnp.mean(x, axis=-1, keepdims=True)
    v = jnp.mean((x - m) ** 2, axis=-1, keepdims=True)
    return (x - m) / jnp.sqrt(v + eps) * g + b


def kernel(x, loc_orig, idx_agg, agg_weight, conv_w, conv_b, skip_w, ln_g, ln_b, conf_w, conf_b):
    x_map = x.reshape(B, H, W, C_IN).transpose(0, 3, 1, 2)
    x_map = lax.conv_general_dilated(x_map, conv_w, (2, 2), ((1, 1), (1, 1)),
                                     dimension_numbers=('NCHW', 'OIHW', 'NCHW'))
    x_map = x_map + conv_b[None, :, None, None]
    Hd, Wd = x_map.shape[2], x_map.shape[3]
    loc = 0.5 * (loc_orig + 1.0) * jnp.array([Wd, Hd], dtype=jnp.float32) - 0.5
    xi = jnp.clip(jnp.round(loc[..., 0]).astype(jnp.int32), 0, Wd - 1)
    yi = jnp.clip(jnp.round(loc[..., 1]).astype(jnp.int32), 0, Hd - 1)
    idx_hw = yi * Wd + xi
    feat = x_map.reshape(B, C_OUT, Hd * Wd).transpose(0, 2, 1)
    gathered = jnp.take_along_axis(feat, idx_hw[..., None], axis=1)

    def agg_one(g, idx, w):
        num = jax.ops.segment_sum(g * w, idx, num_segments=N)
        den = jax.ops.segment_sum(w, idx, num_segments=N)
        return num / (den + 1e-6)

    tok = jax.vmap(agg_one)(gathered, idx_agg, agg_weight)
    xn = tok + jnp.einsum('bnc,dc->bnd', x, skip_w)
    xn = _layernorm(xn, ln_g, ln_b)
    xn = _materialize(xn)
    conf = jnp.einsum('bnd,od->bno', xn, conf_w) + conf_b
    weight = jnp.exp(conf)

    a2 = jnp.sum(xn * xn, axis=-1)
    dist_nearest = _density(xn, a2)
    density = jnp.exp(-jnp.mean(dist_nearest ** 2, axis=-1))
    density = density + jax.random.uniform(jax.random.key(1), density.shape,
                                           dtype=jnp.float32) * 1e-6
    parent_raw, rowmax = _parent(xn, a2, density)
    dist_max = jnp.max(rowmax, axis=-1, keepdims=True)
    dist_parent = jnp.where(jnp.isinf(parent_raw), dist_max, parent_raw)
    score = dist_parent * density
    _, index_down = lax.top_k(score, NS)
    centers = jnp.take_along_axis(xn, index_down[..., None], axis=1)
    c2g = jnp.take_along_axis(a2, index_down, axis=1)
    idx_cluster = _assign(xn, centers, a2, c2g)
    idx_cluster = idx_cluster.at[jnp.arange(B)[:, None], index_down].set(
        jnp.broadcast_to(jnp.arange(NS, dtype=jnp.int32)[None, :], (B, NS)))

    y, all_w = _sums(idx_cluster, weight, xn)
    iad, awd = _gathers(all_w, idx_cluster, weight, idx_agg, agg_weight)
    x_down = y / (all_w + 1e-6)[..., None]
    idx_agg_down = iad.reshape(B, N)
    agg_weight_down = awd.reshape(B, N, 1)
    agg_weight_down = agg_weight_down / jnp.max(agg_weight_down, axis=1, keepdims=True)
    return x_down, idx_agg_down, agg_weight_down

# --- scband reference (transcript-rebuilt; emitter-appended) ---
"""Pipeline reference for scband-down-layer-56418690400662 (READ-ONLY COPY).

The authoritative reference and input builder live on the scoring server;
editing this copy changes nothing except your own understanding.
"""

import jax, jax.numpy as jnp
import numpy as np
import math

B, N, C_IN, C_OUT = 2, 3136, 128, 256
H = W = 56
K = 5
SAMPLE_RATIO = 0.25


def setup_inputs(seed: int = 0):
    key = jax.random.key(seed)
    ks = jax.random.split(key, 10)
    x = jax.random.normal(ks[0], (B, N, C_IN), dtype=jnp.float32)
    loc_orig = jax.random.uniform(ks[1], (B, N, 2), dtype=jnp.float32) * 2.0 - 1.0
    idx_agg = jax.random.randint(ks[2], (B, N), 0, N, dtype=jnp.int32)
    agg_weight = jnp.ones((B, N, 1), dtype=jnp.float32)
    conv_w = jax.random.normal(ks[3], (C_OUT, C_IN, 3, 3), dtype=jnp.float32) * 0.02
    conv_b = jnp.zeros((C_OUT,), dtype=jnp.float32)
    skip_w = jax.random.normal(ks[4], (C_OUT, C_IN), dtype=jnp.float32) * 0.02
    ln_g = jnp.ones((C_OUT,), dtype=jnp.float32)
    ln_b = jnp.zeros((C_OUT,), dtype=jnp.float32)
    conf_w = jax.random.normal(ks[5], (1, C_OUT), dtype=jnp.float32) * 0.02
    conf_b = jnp.zeros((1,), dtype=jnp.float32)
    return {'x': x, 'loc_orig': loc_orig, 'idx_agg': idx_agg, 'agg_weight': agg_weight,
            'conv_w': conv_w, 'conv_b': conv_b, 'skip_w': skip_w,
            'ln_g': ln_g, 'ln_b': ln_b, 'conf_w': conf_w, 'conf_b': conf_b}


def _cdist(a):
    a2 = jnp.sum(a * a, axis=-1)
    d2 = a2[:, :, None] + a2[:, None, :] - 2.0 * jnp.einsum('bnc,bmc->bnm', a, a)
    return jnp.sqrt(jnp.maximum(d2, 0.0))


def _layernorm(x, g, b, eps=1e-5):
    m = jnp.mean(x, axis=-1, keepdims=True)
    v = jnp.mean((x - m) ** 2, axis=-1, keepdims=True)
    return (x - m) / jnp.sqrt(v + eps) * g + b


def reference(x, loc_orig, idx_agg, agg_weight, conv_w, conv_b, skip_w, ln_g, ln_b, conf_w, conf_b):
    Bc, Nc, Cc = x.shape
    # token2map: N0 == N == H*W fast path, then strided conv
    x_map = x.reshape(Bc, H, W, Cc).transpose(0, 3, 1, 2)
    x_map = jax.lax.conv_general_dilated(x_map, conv_w, (2, 2), ((1, 1), (1, 1)),
                                         dimension_numbers=('NCHW', 'OIHW', 'NCHW'))
    x_map = x_map + conv_b[None, :, None, None]
    Hd, Wd = x_map.shape[2], x_map.shape[3]
    # map2token_agg_fast_nearest: nearest grid-cell gather + weighted scatter-mean over idx_agg
    loc = 0.5 * (loc_orig + 1.0) * jnp.array([Wd, Hd], dtype=jnp.float32) - 0.5
    xi = jnp.clip(jnp.round(loc[..., 0]).astype(jnp.int32), 0, Wd - 1)
    yi = jnp.clip(jnp.round(loc[..., 1]).astype(jnp.int32), 0, Hd - 1)
    idx_hw = yi * Wd + xi
    feat = x_map.reshape(Bc, C_OUT, Hd * Wd).transpose(0, 2, 1)
    gathered = jnp.take_along_axis(feat, idx_hw[..., None], axis=1)

    def agg_one(g, idx, w):
        num = jax.ops.segment_sum(g * w, idx, num_segments=Nc)
        den = jax.ops.segment_sum(w, idx, num_segments=Nc)
        return num / (den + 1e-6)

    tok = jax.vmap(agg_one)(gathered, idx_agg, agg_weight)
    xn = tok + jnp.einsum('bnc,dc->bnd', x, skip_w)
    xn = _layernorm(xn, ln_g, ln_b)
    conf = jnp.einsum('bnd,od->bno', xn, conf_w) + conf_b
    weight = jnp.exp(conf)
    Ns = int(math.ceil(Nc * SAMPLE_RATIO))
    # token_cluster_density (DPC-kNN), computed without gradients as in torch no_grad
    xs = jax.lax.stop_gradient(xn)
    dist = _cdist(xs) / (C_OUT ** 0.5)
    dist_nearest = -jax.lax.top_k(-dist, K)[0]
    density = jnp.exp(-jnp.mean(dist_nearest ** 2, axis=-1))
    density = density + jax.random.uniform(jax.random.key(1), density.shape, dtype=jnp.float32) * 1e-6
    mask = density[:, None, :] > density[:, :, None]
    dist_max = jnp.max(dist.reshape(Bc, -1), axis=-1)[:, None, None]
    dist_parent = jnp.min(jnp.where(mask, dist, dist_max), axis=-1)
    score = dist_parent * density
    _, index_down = jax.lax.top_k(score, Ns)
    dist_c = jnp.take_along_axis(dist, index_down[:, :, None], axis=1)
    idx_cluster = jnp.argmin(dist_c, axis=1).astype(jnp.int32)
    idx_cluster = idx_cluster.at[jnp.arange(Bc)[:, None], index_down].set(
        jnp.broadcast_to(jnp.arange(Ns, dtype=jnp.int32)[None, :], (Bc, Ns)))
    # merge tokens: weighted average per cluster
    flat_idx = (idx_cluster + jnp.arange(Bc, dtype=jnp.int32)[:, None] * Ns).reshape(-1)
    w_flat = weight.reshape(Bc * Nc, 1)
    all_w = jax.ops.segment_sum(w_flat, flat_idx, num_segments=Bc * Ns) + 1e-6
    norm_w = w_flat / all_w[flat_idx]
    x_down = jax.ops.segment_sum(xn.reshape(Bc * Nc, C_OUT) * norm_w, flat_idx,
                                 num_segments=Bc * Ns).reshape(Bc, Ns, C_OUT)
    # propagate aggregation maps down
    idx_agg_down = jnp.take_along_axis(idx_cluster, idx_agg, axis=1)
    weight_t = jnp.take_along_axis(norm_w.reshape(Bc, Nc, 1), idx_agg[..., None], axis=1)
    agg_weight_down = agg_weight * weight_t
    agg_weight_down = agg_weight_down / jnp.max(agg_weight_down, axis=1, keepdims=True)
    # down_block is identity here (passed as None); return the down dict tensors
    return x_down, idx_agg_down, agg_weight_down

if __name__ == "__main__":
    import jax
    _d = setup_inputs()
    print(jax.jit(kernel)(*tuple(_d.values())))

</pallas_src>

<mosaic_0001>
#map = affine_map<(d0, d1) -> (0)>
module attributes {stable_mosaic.version = 14 : i64} {
  func.func @_gather_kernel(%arg0: i32, %arg1: i32, %arg2: memref<1568xf32, #tpu.memory_space<hbm>>, %arg3: memref<6272xi32, #tpu.memory_space<hbm>>, %arg4: memref<6272xf32, #tpu.memory_space<hbm>>, %arg5: memref<6272xi32, #tpu.memory_space<hbm>>, %arg6: memref<6272xf32, #tpu.memory_space<hbm>>, %arg7: memref<6272xi32, #tpu.memory_space<hbm>>, %arg8: memref<6272xf32, #tpu.memory_space<hbm>>, %arg9: memref<224xi32, #tpu.memory_space<vmem>>, %arg10: memref<224xf32, #tpu.memory_space<vmem>>, %arg11: memref<784xf32, #tpu.memory_space<vmem>>, %arg12: memref<224xf32, #tpu.memory_space<vmem>>, %arg13: memref<3136xf32, #tpu.memory_space<vmem>>, %arg14: memref<3136xi32, #tpu.memory_space<vmem>>, %arg15: memref<224xi32, #tpu.memory_space<vmem>>, %arg16: memref<224xi32, #tpu.memory_space<vmem>>, %arg17: memref<224xf32, #tpu.memory_space<vmem>>, %arg18: memref<224xf32, #tpu.memory_space<vmem>>, %arg19: memref<3136xf32, #tpu.memory_space<vmem_shared>>) attributes {dimension_semantics = [#tpu.dimension_semantics<core_parallel>, #tpu.dimension_semantics<subcore_parallel>], iteration_bounds = array<i64: 2, 16>, scalar_prefetch = 0 : i64, scratch_operands = 11 : i64, tpu.core_type = #tpu.core_type<sc_vector_subcore>, window_params = [{transform_indices = #map}, {transform_indices = #map}, {transform_indices = #map}, {transform_indices = #map}, {transform_indices = #map}, {transform_indices = #map}, {transform_indices = #map}]} {
    %mul3A = arith.constant 3136 : i32
    %mul3A_0 = arith.muli %arg0, %mul3A : i32
    %mul3A_1 = arith.constant 224 : i32
    %mul3A_2 = arith.muli %arg1, %mul3A_1 : i32
    %add3A = arith.addi %mul3A_0, %mul3A_2 : i32
    %lt3A = arith.constant 14 : i32
    %lt3A_3 = arith.cmpi slt, %arg1, %lt3A : i32
    %convert_element_type3A = arith.extui %lt3A_3 : i1 to i32
    %cond3A = arith.constant 0 : i32
    %cond3A_4 = arith.cmpi ne, %convert_element_type3A, %cond3A : i32
    scf.if %cond3A_4 {
      "tpu.region"() ({
        %run_scoped3A = tpu.sem_alloc : memref<!tpu.dma_semaphore, #tpu.memory_space<semaphore_mem>>
        %dma_start3A = tpu.memref_slice %arg3[%add3A] : memref<6272xi32, #tpu.memory_space<hbm>> -> memref<224xi32, #tpu.memory_space<hbm>>
        %dma_start3A_164 = tpu.memref_slice %arg3[%add3A] : memref<6272xi32, #tpu.memory_space<hbm>> -> memref<224xi32, #tpu.memory_space<hbm>>
        tpu.enqueue_dma source(%dma_start3A_164 : memref<224xi32, #tpu.memory_space<hbm>>) target(%arg9 : memref<224xi32, #tpu.memory_space<vmem>>) target_semaphore(%run_scoped3A : memref<!tpu.dma_semaphore, #tpu.memory_space<semaphore_mem>>)
        %dma_wait3A = tpu.memref_slice %arg3[%add3A] : memref<6272xi32, #tpu.memory_space<hbm>> -> memref<224xi32, #tpu.memory_space<hbm>>
        %dma_wait3A_165 = tpu.memref_slice %arg3[%add3A] : memref<6272xi32, #tpu.memory_space<hbm>> -> memref<224xi32, #tpu.memory_space<hbm>>
        tpu.wait_dma2 semaphore(%run_scoped3A : memref<!tpu.dma_semaphore, #tpu.memory_space<semaphore_mem>>) src(%dma_wait3A_165 : memref<224xi32, #tpu.memory_space<hbm>>) dst(%arg9 : memref<224xi32, #tpu.memory_space<vmem>>)
        tpu.yield
      }) : () -> ()
      "tpu.region"() ({
        %run_scoped3A = tpu.sem_alloc : memref<!tpu.dma_semaphore, #tpu.memory_space<semaphore_mem>>
        %dma_start3A = tpu.memref_slice %arg4[%add3A] : memref<6272xf32, #tpu.memory_space<hbm>> -> memref<224xf32, #tpu.memory_space<hbm>>
        %dma_start3A_164 = tpu.memref_slice %arg4[%add3A] : memref<6272xf32, #tpu.memory_space<hbm>> -> memref<224xf32, #tpu.memory_space<hbm>>
        tpu.enqueue_dma source(%dma_start3A_164 : memref<224xf32, #tpu.memory_space<hbm>>) target(%arg10 : memref<224xf32, #tpu.memory_space<vmem>>) target_semaphore(%run_scoped3A : memref<!tpu.dma_semaphore, #tpu.memory_space<semaphore_mem>>)
        %dma_wait3A = tpu.memref_slice %arg4[%add3A] : memref<6272xf32, #tpu.memory_space<hbm>> -> memref<224xf32, #tpu.memory_space<hbm>>
        %dma_wait3A_165 = tpu.memref_slice %arg4[%add3A] : memref<6272xf32, #tpu.memory_space<hbm>> -> memref<224xf32, #tpu.memory_space<hbm>>
        tpu.wait_dma2 semaphore(%run_scoped3A : memref<!tpu.dma_semaphore, #tpu.memory_space<semaphore_mem>>) src(%dma_wait3A_165 : memref<224xf32, #tpu.memory_space<hbm>>) dst(%arg10 : memref<224xf32, #tpu.memory_space<vmem>>)
        tpu.yield
      }) : () -> ()
      %mul3A_10 = arith.constant 784 : i32
      %mul3A_11 = arith.muli %arg0, %mul3A_10 : i32
      "tpu.region"() ({
        %run_scoped3A = tpu.sem_alloc : memref<!tpu.dma_semaphore, #tpu.memory_space<semaphore_mem>>
        %dma_start3A = tpu.memref_slice %arg2[%mul3A_11] : memref<1568xf32, #tpu.memory_space<hbm>> -> memref<784xf32, #tpu.memory_space<hbm>>
        %dma_start3A_164 = tpu.memref_slice %arg2[%mul3A_11] : memref<1568xf32, #tpu.memory_space<hbm>> -> memref<784xf32, #tpu.memory_space<hbm>>
        tpu.enqueue_dma source(%dma_start3A_164 : memref<784xf32, #tpu.memory_space<hbm>>) target(%arg11 : memref<784xf32, #tpu.memory_space<vmem>>) target_semaphore(%run_scoped3A : memref<!tpu.dma_semaphore, #tpu.memory_space<semaphore_mem>>)
        %dma_wait3A = tpu.memref_slice %arg2[%mul3A_11] : memref<1568xf32, #tpu.memory_space<hbm>> -> memref<784xf32, #tpu.memory_space<hbm>>
        %dma_wait3A_165 = tpu.memref_slice %arg2[%mul3A_11] : memref<1568xf32, #tpu.memory_space<hbm>> -> memref<784xf32, #tpu.memory_space<hbm>>
        tpu.wait_dma2 semaphore(%run_scoped3A : memref<!tpu.dma_semaphore, #tpu.memory_space<semaphore_mem>>) src(%dma_wait3A_165 : memref<784xf32, #tpu.memory_space<hbm>>) dst(%arg11 : memref<784xf32, #tpu.memory_space<vmem>>)
        tpu.yield
      }) : () -> ()
      %get3A = arith.constant 0 : index
      %get3A_12 = tpu.vector_load %arg9[%get3A] {strides = array<i32>} : memref<224xi32, #tpu.memory_space<vmem>>, vector<16xi32>,
      %gather3A = tpu.vector_load_idx %arg11[%get3A_12] : memref<784xf32, #tpu.memory_space<vmem>>[vector<16xi32>], vector<16xf32>,
      %get3A_13 = arith.constant 0 : index
      %get3A_14 = tpu.vector_load %arg10[%get3A_13] {strides = array<i32>} : memref<224xf32, #tpu.memory_space<vmem>>, vector<16xf32>,
      %add3A_15 = arith.constant 9.99999997E-7 : f32
      %add3A_16 = vector.broadcast %add3A_15 : f32 to vector<16xf32>
      %add3A_17 = arith.addf %gather3A, %add3A_16 : vector<16xf32>
      %div3A = arith.divf %get3A_14, %add3A_17 : vector<16xf32>
      %swap3A = arith.constant 0 : index
      %swap3A_18 = tpu.vector_load %arg12[%swap3A] {strides = array<i32>} : memref<224xf32, #tpu.memory_space<vmem>>, vector<16xf32>,
      tpu.vector_store %arg12[%swap3A], %div3A {strides = array<i32>} : memref<224xf32, #tpu.memory_space<vmem>>, vector<16xf32>,
      %get3A_19 = arith.constant 16 : index
      %get3A_20 = tpu.vector_load %arg9[%get3A_19] {strides = array<i32>} : memref<224xi32, #tpu.memory_space<vmem>>, vector<16xi32>,
      %gather3A_21 = tpu.vector_load_idx %arg11[%get3A_20] : memref<784xf32, #tpu.memory_space<vmem>>[vector<16xi32>], vector<16xf32>,
      %get3A_22 = arith.constant 16 : index
      %get3A_23 = tpu.vector_load %arg10[%get3A_22] {strides = array<i32>} : memref<224xf32, #tpu.memory_space<vmem>>, vector<16xf32>,
      %add3A_24 = arith.constant 9.99999997E-7 : f32
      %add3A_25 = vector.broadcast %add3A_24 : f32 to vector<16xf32>
      %add3A_26 = arith.addf %gather3A_21, %add3A_25 : vector<16xf32>
      %div3A_27 = arith.divf %get3A_23, %add3A_26 : vector<16xf32>
      %swap3A_28 = arith.constant 16 : index
      %swap3A_29 = tpu.vector_load %arg12[%swap3A_28] {strides = array<i32>} : memref<224xf32, #tpu.memory_space<vmem>>, vector<16xf32>,
      tpu.vector_store %arg12[%swap3A_28], %div3A_27 {strides = array<i32>} : memref<224xf32, #tpu.memory_space<vmem>>, vector<16xf32>,
      %get3A_30 = arith.constant 32 : index
      %get3A_31 = tpu.vector_load %arg9[%get3A_30] {strides = array<i32>} : memref<224xi32, #tpu.memory_space<vmem>>, vector<16xi32>,
      %gather3A_32 = tpu.vector_load_idx %arg11[%get3A_31] : memref<784xf32, #tpu.memory_space<vmem>>[vector<16xi32>], vector<16xf32>,
      %get3A_33 = arith.constant 32 : index
      %get3A_34 = tpu.vector_load %arg10[%get3A_33] {strides = array<i32>} : memref<224xf32, #tpu.memory_space<vmem>>, vector<16xf32>,
      %add3A_35 = arith.constant 9.99999997E-7 : f32
      %add3A_36 = vector.broadcast %add3A_35 : f32 to vector<16xf32>
      %add3A_37 = arith.addf %gather3A_32, %add3A_36 : vector<16xf32>
      %div3A_38 = arith.divf %get3A_34, %add3A_37 : vector<16xf32>
      %swap3A_39 = arith.constant 32 : index
      %swap3A_40 = tpu.vector_load %arg12[%swap3A_39] {strides = array<i32>} : memref<224xf32, #tpu.memory_space<vmem>>, vector<16xf32>,
      tpu.vector_store %arg12[%swap3A_39], %div3A_38 {strides = array<i32>} : memref<224xf32, #tpu.memory_space<vmem>>, vector<16xf32>,
      %get3A_41 = arith.constant 48 : index
      %get3A_42 = tpu.vector_load %arg9[%get3A_41] {strides = array<i32>} : memref<224xi32, #tpu.memory_space<vmem>>, vector<16xi32>,
      %gather3A_43 = tpu.vector_load_idx %arg11[%get3A_42] : memref<784xf32, #tpu.memory_space<vmem>>[vector<16xi32>], vector<16xf32>,
      %get3A_44 = arith.constant 48 : index
      %get3A_45 = tpu.vector_load %arg10[%get3A_44] {strides = array<i32>} : memref<224xf32, #tpu.memory_space<vmem>>, vector<16xf32>,
      %add3A_46 = arith.constant 9.99999997E-7 : f32
      %add3A_47 = vector.broadcast %add3A_46 : f32 to vector<16xf32>
      %add3A_48 = arith.addf %gather3A_43, %add3A_47 : vector<16xf32>
      %div3A_49 = arith.divf %get3A_45, %add3A_48 : vector<16xf32>
      %swap3A_50 = arith.constant 48 : index
      %swap3A_51 = tpu.vector_load %arg12[%swap3A_50] {strides = array<i32>} : memref<224xf32, #tpu.memory_space<vmem>>, vector<16xf32>,
      tpu.vector_store %arg12[%swap3A_50], %div3A_49 {strides = array<i32>} : memref<224xf32, #tpu.memory_space<vmem>>, vector<16xf32>,
      %get3A_52 = arith.constant 64 : index
      %get3A_53 = tpu.vector_load %arg9[%get3A_52] {strides = array<i32>} : memref<224xi32, #tpu.memory_space<vmem>>, vector<16xi32>,
      %gather3A_54 = tpu.vector_load_idx %arg11[%get3A_53] : memref<784xf32, #tpu.memory_space<vmem>>[vector<16xi32>], vector<16xf32>,
      %get3A_55 = arith.constant 64 : index
      %get3A_56 = tpu.vector_load %arg10[%get3A_55] {strides = array<i32>} : memref<224xf32, #tpu.memory_space<vmem>>, vector<16xf32>,
      %add3A_57 = arith.constant 9.99999997E-7 : f32
      %add3A_58 = vector.broadcast %add3A_57 : f32 to vector<16xf32>
      %add3A_59 = arith.addf %gather3A_54, %add3A_58 : vector<16xf32>
      %div3A_60 = arith.divf %get3A_56, %add3A_59 : vector<16xf32>
      %swap3A_61 = arith.constant 64 : index
      %swap3A_62 = tpu.vector_load %arg12[%swap3A_61] {strides = array<i32>} : memref<224xf32, #tpu.memory_space<vmem>>, vector<16xf32>,
      tpu.vector_store %arg12[%swap3A_61], %div3A_60 {strides = array<i32>} : memref<224xf32, #tpu.memory_space<vmem>>, vector<16xf32>,
      %get3A_63 = arith.constant 80 : index
      %get3A_64 = tpu.vector_load %arg9[%get3A_63] {strides = array<i32>} : memref<224xi32, #tpu.memory_space<vmem>>, vector<16xi32>,
      %gather3A_65 = tpu.vector_load_idx %arg11[%get3A_64] : memref<784xf32, #tpu.memory_space<vmem>>[vector<16xi32>], vector<16xf32>,
      %get3A_66 = arith.constant 80 : index
      %get3A_67 = tpu.vector_load %arg10[%get3A_66] {strides = array<i32>} : memref<224xf32, #tpu.memory_space<vmem>>, vector<16xf32>,
      %add3A_68 = arith.constant 9.99999997E-7 : f32
      %add3A_69 = vector.broadcast %add3A_68 : f32 to vector<16xf32>
      %add3A_70 = arith.addf %gather3A_65, %add3A_69 : vector<16xf32>
      %div3A_71 = arith.divf %get3A_67, %add3A_70 : vector<16xf32>
      %swap3A_72 = arith.constant 80 : index
      %swap3A_73 = tpu.vector_load %arg12[%swap3A_72] {strides = array<i32>} : memref<224xf32, #tpu.memory_space<vmem>>, vector<16xf32>,
      tpu.vector_store %arg12[%swap3A_72], %div3A_71 {strides = array<i32>} : memref<224xf32, #tpu.memory_space<vmem>>, vector<16xf32>,
      %get3A_74 = arith.constant 96 : index
      %get3A_75 = tpu.vector_load %arg9[%get3A_74] {strides = array<i32>} : memref<224xi32, #tpu.memory_space<vmem>>, vector<16xi32>,
      %gather3A_76 = tpu.vector_load_idx %arg11[%get3A_75] : memref<784xf32, #tpu.memory_space<vmem>>[vector<16xi32>], vector<16xf32>,
      %get3A_77 = arith.constant 96 : index
      %get3A_78 = tpu.vector_load %arg10[%get3A_77] {strides = array<i32>} : memref<224xf32, #tpu.memory_space<vmem>>, vector<16xf32>,
      %add3A_79 = arith.constant 9.99999997E-7 : f32
      %add3A_80 = vector.broadcast %add3A_79 : f32 to vector<16xf32>
      %add3A_81 = arith.addf %gather3A_76, %add3A_80 : vector<16xf32>
      %div3A_82 = arith.divf %get3A_78, %add3A_81 : vector<16xf32>
      %swap3A_83 = arith.constant 96 : index
      %swap3A_84 = tpu.vector_load %arg12[%swap3A_83] {strides = array<i32>} : memref<224xf32, #tpu.memory_space<vmem>>, vector<16xf32>,
      tpu.vector_store %arg12[%swap3A_83], %div3A_82 {strides = array<i32>} : memref<224xf32, #tpu.memory_space<vmem>>, vector<16xf32>,
      %get3A_85 = arith.constant 112 : index
      %get3A_86 = tpu.vector_load %arg9[%get3A_85] {strides = array<i32>} : memref<224xi32, #tpu.memory_space<vmem>>, vector<16xi32>,
      %gather3A_87 = tpu.vector_load_idx %arg11[%get3A_86] : memref<784xf32, #tpu.memory_space<vmem>>[vector<16xi32>], vector<16xf32>,
      %get3A_88 = arith.constant 112 : index
      %get3A_89 = tpu.vector_load %arg10[%get3A_88] {strides = array<i32>} : memref<224xf32, #tpu.memory_space<vmem>>, vector<16xf32>,
      %add3A_90 = arith.constant 9.99999997E-7 : f32
      %add3A_91 = vector.broadcast %add3A_90 : f32 to vector<16xf32>
      %add3A_92 = arith.addf %gather3A_87, %add3A_91 : vector<16xf32>
      %div3A_93 = arith.divf %get3A_89, %add3A_92 : vector<16xf32>
      %swap3A_94 = arith.constant 112 : index
      %swap3A_95 = tpu.vector_load %arg12[%swap3A_94] {strides = array<i32>} : memref<224xf32, #tpu.memory_space<vmem>>, vector<16xf32>,
      tpu.vector_store %arg12[%swap3A_94], %div3A_93 {strides = array<i32>} : memref<224xf32, #tpu.memory_space<vmem>>, vector<16xf32>,
      %get3A_96 = arith.constant 128 : index
      %get3A_97 = tpu.vector_load %arg9[%get3A_96] {strides = array<i32>} : memref<224xi32, #tpu.memory_space<vmem>>, vector<16xi32>,
      %gather3A_98 = tpu.vector_load_idx %arg11[%get3A_97] : memref<784xf32, #tpu.memory_space<vmem>>[vector<16xi32>], vector<16xf32>,
      %get3A_99 = arith.constant 128 : index
      %get3A_100 = tpu.vector_load %arg10[%get3A_99] {strides = array<i32>} : memref<224xf32, #tpu.memory_space<vmem>>, vector<16xf32>,
      %add3A_101 = arith.constant 9.99999997E-7 : f32
      %add3A_102 = vector.broadcast %add3A_101 : f32 to vector<16xf32>
      %add3A_103 = arith.addf %gather3A_98, %add3A_102 : vector<16xf32>
      %div3A_104 = arith.divf %get3A_100, %add3A_103 : vector<16xf32>
      %swap3A_105 = arith.constant 128 : index
      %swap3A_106 = tpu.vector_load %arg12[%swap3A_105] {strides = array<i32>} : memref<224xf32, #tpu.memory_space<vmem>>, vector<16xf32>,
      tpu.vector_store %arg12[%swap3A_105], %div3A_104 {strides = array<i32>} : memref<224xf32, #tpu.memory_space<vmem>>, vector<16xf32>,
      %get3A_107 = arith.constant 144 : index
      %get3A_108 = tpu.vector_load %arg9[%get3A_107] {strides = array<i32>} : memref<224xi32, #tpu.memory_space<vmem>>, vector<16xi32>,
      %gather3A_109 = tpu.vector_load_idx %arg11[%get3A_108] : memref<784xf32, #tpu.memory_space<vmem>>[vector<16xi32>], vector<16xf32>,
      %get3A_110 = arith.constant 144 : index
      %get3A_111 = tpu.vector_load %arg10[%get3A_110] {strides = array<i32>} : memref<224xf32, #tpu.memory_space<vmem>>, vector<16xf32>,
      %add3A_112 = arith.constant 9.99999997E-7 : f32
      %add3A_113 = vector.broadcast %add3A_112 : f32 to vector<16xf32>
      %add3A_114 = arith.addf %gather3A_109, %add3A_113 : vector<16xf32>
      %div3A_115 = arith.divf %get3A_111, %add3A_114 : vector<16xf32>
      %swap3A_116 = arith.constant 144 : index
      %swap3A_117 = tpu.vector_load %arg12[%swap3A_116] {strides = array<i32>} : memref<224xf32, #tpu.memory_space<vmem>>, vector<16xf32>,
      tpu.vector_store %arg12[%swap3A_116], %div3A_115 {strides = array<i32>} : memref<224xf32, #tpu.memory_space<vmem>>, vector<16xf32>,
      %get3A_118 = arith.constant 160 : index
      %get3A_119 = tpu.vector_load %arg9[%get3A_118] {strides = array<i32>} : memref<224xi32, #tpu.memory_space<vmem>>, vector<16xi32>,
      %gather3A_120 = tpu.vector_load_idx %arg11[%get3A_119] : memref<784xf32, #tpu.memory_space<vmem>>[vector<16xi32>], vector<16xf32>,
      %get3A_121 = arith.constant 160 : index
      %get3A_122 = tpu.vector_load %arg10[%get3A_121] {strides = array<i32>} : memref<224xf32, #tpu.memory_space<vmem>>, vector<16xf32>,
      %add3A_123 = arith.constant 9.99999997E-7 : f32
      %add3A_124 = vector.broadcast %add3A_123 : f32 to vector<16xf32>
      %add3A_125 = arith.addf %gather3A_120, %add3A_124 : vector<16xf32>
      %div3A_126 = arith.divf %get3A_122, %add3A_125 : vector<16xf32>
      %swap3A_127 = arith.constant 160 : index
      %swap3A_128 = tpu.vector_load %arg12[%swap3A_127] {strides = array<i32>} : memref<224xf32, #tpu.memory_space<vmem>>, vector<16xf32>,
      tpu.vector_store %arg12[%swap3A_127], %div3A_126 {strides = array<i32>} : memref<224xf32, #tpu.memory_space<vmem>>, vector<16xf32>,
      %get3A_129 = arith.constant 176 : index
      %get3A_130 = tpu.vector_load %arg9[%get3A_129] {strides = array<i32>} : memref<224xi32, #tpu.memory_space<vmem>>, vector<16xi32>,
      %gather3A_131 = tpu.vector_load_idx %arg11[%get3A_130] : memref<784xf32, #tpu.memory_space<vmem>>[vector<16xi32>], vector<16xf32>,
      %get3A_132 = arith.constant 176 : index
      %get3A_133 = tpu.vector_load %arg10[%get3A_132] {strides = array<i32>} : memref<224xf32, #tpu.memory_space<vmem>>, vector<16xf32>,
      %add3A_134 = arith.constant 9.99999997E-7 : f32
      %add3A_135 = vector.broadcast %add3A_134 : f32 to vector<16xf32>
      %add3A_136 = arith.addf %gather3A_131, %add3A_135 : vector<16xf32>
      %div3A_137 = arith.divf %get3A_133, %add3A_136 : vector<16xf32>
      %swap3A_138 = arith.constant 176 : index
      %swap3A_139 = tpu.vector_load %arg12[%swap3A_138] {strides = array<i32>} : memref<224xf32, #tpu.memory_space<vmem>>, vector<16xf32>,
      tpu.vector_store %arg12[%swap3A_138], %div3A_137 {strides = array<i32>} : memref<224xf32, #tpu.memory_space<vmem>>, vector<16xf32>,
      %get3A_140 = arith.constant 192 : index
      %get3A_141 = tpu.vector_load %arg9[%get3A_140] {strides = array<i32>} : memref<224xi32, #tpu.memory_space<vmem>>, vector<16xi32>,
      %gather3A_142 = tpu.vector_load_idx %arg11[%get3A_141] : memref<784xf32, #tpu.memory_space<vmem>>[vector<16xi32>], vector<16xf32>,
      %get3A_143 = arith.constant 192 : index
      %get3A_144 = tpu.vector_load %arg10[%get3A_143] {strides = array<i32>} : memref<224xf32, #tpu.memory_space<vmem>>, vector<16xf32>,
      %add3A_145 = arith.constant 9.99999997E-7 : f32
      %add3A_146 = vector.broadcast %add3A_145 : f32 to vector<16xf32>
      %add3A_147 = arith.addf %gather3A_142, %add3A_146 : vector<16xf32>
      %div3A_148 = arith.divf %get3A_144, %add3A_147 : vector<16xf32>
      %swap3A_149 = arith.constant 192 : index
      %swap3A_150 = tpu.vector_load %arg12[%swap3A_149] {strides = array<i32>} : memref<224xf32, #tpu.memory_space<vmem>>, vector<16xf32>,
      tpu.vector_store %arg12[%swap3A_149], %div3A_148 {strides = array<i32>} : memref<224xf32, #tpu.memory_space<vmem>>, vector<16xf32>,
      %get3A_151 = arith.constant 208 : index
      %get3A_152 = tpu.vector_load %arg9[%get3A_151] {strides = array<i32>} : memref<224xi32, #tpu.memory_space<vmem>>, vector<16xi32>,
      %gather3A_153 = tpu.vector_load_idx %arg11[%get3A_152] : memref<784xf32, #tpu.memory_space<vmem>>[vector<16xi32>], vector<16xf32>,
      %get3A_154 = arith.constant 208 : index
      %get3A_155 = tpu.vector_load %arg10[%get3A_154] {strides = array<i32>} : memref<224xf32, #tpu.memory_space<vmem>>, vector<16xf32>,
      %add3A_156 = arith.constant 9.99999997E-7 : f32
      %add3A_157 = vector.broadcast %add3A_156 : f32 to vector<16xf32>
      %add3A_158 = arith.addf %gather3A_153, %add3A_157 : vector<16xf32>
      %div3A_159 = arith.divf %get3A_155, %add3A_158 : vector<16xf32>
      %swap3A_160 = arith.constant 208 : index
      %swap3A_161 = tpu.vector_load %arg12[%swap3A_160] {strides = array<i32>} : memref<224xf32, #tpu.memory_space<vmem>>, vector<16xf32>,
      tpu.vector_store %arg12[%swap3A_160], %div3A_159 {strides = array<i32>} : memref<224xf32, #tpu.memory_space<vmem>>, vector<16xf32>,
      %mul3A_162 = arith.constant 224 : i32
      %mul3A_163 = arith.muli %arg1, %mul3A_162 : i32
      "tpu.region"() ({
        %run_scoped3A = tpu.sem_alloc : memref<!tpu.dma_semaphore, #tpu.memory_space<semaphore_mem>>
        %dma_start3A = tpu.memref_slice %arg19[%mul3A_163] : memref<3136xf32, #tpu.memory_space<vmem_shared>> -> memref<224xf32, #tpu.memory_space<vmem_shared>>
        %dma_start3A_164 = tpu.memref_slice %arg19[%mul3A_163] : memref<3136xf32, #tpu.memory_space<vmem_shared>> -> memref<224xf32, #tpu.memory_space<vmem_shared>>
        tpu.enqueue_dma source(%arg12 : memref<224xf32, #tpu.memory_space<vmem>>) target(%dma_start3A_164 : memref<224xf32, #tpu.memory_space<vmem_shared>>) target_semaphore(%run_scoped3A : memref<!tpu.dma_semaphore, #tpu.memory_space<semaphore_mem>>)
        %dma_wait3A = tpu.memref_slice %arg19[%mul3A_163] : memref<3136xf32, #tpu.memory_space<vmem_shared>> -> memref<224xf32, #tpu.memory_space<vmem_shared>>
        %dma_wait3A_165 = tpu.memref_slice %arg19[%mul3A_163] : memref<3136xf32, #tpu.memory_space<vmem_shared>> -> memref<224xf32, #tpu.memory_space<vmem_shared>>
        tpu.wait_dma2 semaphore(%run_scoped3A : memref<!tpu.dma_semaphore, #tpu.memory_space<semaphore_mem>>) src(%arg12 : memref<224xf32, #tpu.memory_space<vmem>>) dst(%dma_wait3A_165 : memref<224xf32, #tpu.memory_space<vmem_shared>>)
        tpu.yield
      }) : () -> ()
    } else {
    }
    %barrier3A = arith.constant 0 : index
    tpu.barrier barrier_id(%barrier3A)
    %lt3A_5 = arith.constant 14 : i32
    %lt3A_6 = arith.cmpi slt, %arg1, %lt3A_5 : i32
    %convert_element_type3A_7 = arith.extui %lt3A_6 : i1 to i32
    %cond3A_8 = arith.constant 0 : i32
    %cond3A_9 = arith.cmpi ne, %convert_element_type3A_7, %cond3A_8 : i32
    scf.if %cond3A_9 {
      "tpu.region"() ({
        %run_scoped3A = tpu.sem_alloc : memref<!tpu.dma_semaphore, #tpu.memory_space<semaphore_mem>>
        tpu.enqueue_dma source(%arg19 : memref<3136xf32, #tpu.memory_space<vmem_shared>>) target(%arg13 : memref<3136xf32, #tpu.memory_space<vmem>>) target_semaphore(%run_scoped3A : memref<!tpu.dma_semaphore, #tpu.memory_space<semaphore_mem>>)
        tpu.wait_dma2 semaphore(%run_scoped3A : memref<!tpu.dma_semaphore, #tpu.memory_space<semaphore_mem>>) src(%arg19 : memref<3136xf32, #tpu.memory_space<vmem_shared>>) dst(%arg13 : memref<3136xf32, #tpu.memory_space<vmem>>)
        tpu.yield
      }) : () -> ()
      %mul3A_10 = arith.constant 3136 : i32
      %mul3A_11 = arith.muli %arg0, %mul3A_10 : i32
      "tpu.region"() ({
        %run_scoped3A = tpu.sem_alloc : memref<!tpu.dma_semaphore, #tpu.memory_space<semaphore_mem>>
        %dma_start3A = tpu.memref_slice %arg3[%mul3A_11] : memref<6272xi32, #tpu.memory_space<hbm>> -> memref<3136xi32, #tpu.memory_space<hbm>>
        %dma_start3A_163 = tpu.memref_slice %arg3[%mul3A_11] : memref<6272xi32, #tpu.memory_space<hbm>> -> memref<3136xi32, #tpu.memory_space<hbm>>
        tpu.enqueue_dma source(%dma_start3A_163 : memref<3136xi32, #tpu.memory_space<hbm>>) target(%arg14 : memref<3136xi32, #tpu.memory_space<vmem>>) target_semaphore(%run_scoped3A : memref<!tpu.dma_semaphore, #tpu.memory_space<semaphore_mem>>)
        %dma_wait3A = tpu.memref_slice %arg3[%mul3A_11] : memref<6272xi32, #tpu.memory_space<hbm>> -> memref<3136xi32, #tpu.memory_space<hbm>>
        %dma_wait3A_164 = tpu.memref_slice %arg3[%mul3A_11] : memref<6272xi32, #tpu.memory_space<hbm>> -> memref<3136xi32, #tpu.memory_space<hbm>>
        tpu.wait_dma2 semaphore(%run_scoped3A : memref<!tpu.dma_semaphore, #tpu.memory_space<semaphore_mem>>) src(%dma_wait3A_164 : memref<3136xi32, #tpu.memory_space<hbm>>) dst(%arg14 : memref<3136xi32, #tpu.memory_space<vmem>>)
        tpu.yield
      }) : () -> ()
      "tpu.region"() ({
        %run_scoped3A = tpu.sem_alloc : memref<!tpu.dma_semaphore, #tpu.memory_space<semaphore_mem>>
        %dma_start3A = tpu.memref_slice %arg5[%add3A] : memref<6272xi32, #tpu.memory_space<hbm>> -> memref<224xi32, #tpu.memory_space<hbm>>
        %dma_start3A_163 = tpu.memref_slice %arg5[%add3A] : memref<6272xi32, #tpu.memory_space<hbm>> -> memref<224xi32, #tpu.memory_space<hbm>>
        tpu.enqueue_dma source(%dma_start3A_163 : memref<224xi32, #tpu.memory_space<hbm>>) target(%arg15 : memref<224xi32, #tpu.memory_space<vmem>>) target_semaphore(%run_scoped3A : memref<!tpu.dma_semaphore, #tpu.memory_space<semaphore_mem>>)
        %dma_wait3A = tpu.memref_slice %arg5[%add3A] : memref<6272xi32, #tpu.memory_space<hbm>> -> memref<224xi32, #tpu.memory_space<hbm>>
        %dma_wait3A_164 = tpu.memref_slice %arg5[%add3A] : memref<6272xi32, #tpu.memory_space<hbm>> -> memref<224xi32, #tpu.memory_space<hbm>>
        tpu.wait_dma2 semaphore(%run_scoped3A : memref<!tpu.dma_semaphore, #tpu.memory_space<semaphore_mem>>) src(%dma_wait3A_164 : memref<224xi32, #tpu.memory_space<hbm>>) dst(%arg15 : memref<224xi32, #tpu.memory_space<vmem>>)
        tpu.yield
      }) : () -> ()
      "tpu.region"() ({
        %run_scoped3A = tpu.sem_alloc : memref<!tpu.dma_semaphore, #tpu.memory_space<semaphore_mem>>
        %dma_start3A = tpu.memref_slice %arg6[%add3A] : memref<6272xf32, #tpu.memory_space<hbm>> -> memref<224xf32, #tpu.memory_space<hbm>>
        %dma_start3A_163 = tpu.memref_slice %arg6[%add3A] : memref<6272xf32, #tpu.memory_space<hbm>> -> memref<224xf32, #tpu.memory_space<hbm>>
        tpu.enqueue_dma source(%dma_start3A_163 : memref<224xf32, #tpu.memory_space<hbm>>) target(%arg18 : memref<224xf32, #tpu.memory_space<vmem>>) target_semaphore(%run_scoped3A : memref<!tpu.dma_semaphore, #tpu.memory_space<semaphore_mem>>)
        %dma_wait3A = tpu.memref_slice %arg6[%add3A] : memref<6272xf32, #tpu.memory_space<hbm>> -> memref<224xf32, #tpu.memory_space<hbm>>
        %dma_wait3A_164 = tpu.memref_slice %arg6[%add3A] : memref<6272xf32, #tpu.memory_space<hbm>> -> memref<224xf32, #tpu.memory_space<hbm>>
        tpu.wait_dma2 semaphore(%run_scoped3A : memref<!tpu.dma_semaphore, #tpu.memory_space<semaphore_mem>>) src(%dma_wait3A_164 : memref<224xf32, #tpu.memory_space<hbm>>) dst(%arg18 : memref<224xf32, #tpu.memory_space<vmem>>)
        tpu.yield
      }) : () -> ()
      %get3A = arith.constant 0 : index
      %get3A_12 = tpu.vector_load %arg15[%get3A] {strides = array<i32>} : memref<224xi32, #tpu.memory_space<vmem>>, vector<16xi32>,
      %gather3A = tpu.vector_load_idx %arg14[%get3A_12] : memref<3136xi32, #tpu.memory_space<vmem>>[vector<16xi32>], vector<16xi32>,
      %swap3A = arith.constant 0 : index
      %swap3A_13 = tpu.vector_load %arg16[%swap3A] {strides = array<i32>} : memref<224xi32, #tpu.memory_space<vmem>>, vector<16xi32>,
      tpu.vector_store %arg16[%swap3A], %gather3A {strides = array<i32>} : memref<224xi32, #tpu.memory_space<vmem>>, vector<16xi32>,
      %gather3A_14 = tpu.vector_load_idx %arg13[%get3A_12] : memref<3136xf32, #tpu.memory_space<vmem>>[vector<16xi32>], vector<16xf32>,
      %get3A_15 = arith.constant 0 : index
      %get3A_16 = tpu.vector_load %arg18[%get3A_15] {strides = array<i32>} : memref<224xf32, #tpu.memory_space<vmem>>, vector<16xf32>,
      %mul3A_17 = arith.mulf %get3A_16, %gather3A_14 : vector<16xf32>
      %swap3A_18 = arith.constant 0 : index
      %swap3A_19 = tpu.vector_load %arg17[%swap3A_18] {strides = array<i32>} : memref<224xf32, #tpu.memory_space<vmem>>, vector<16xf32>,
      tpu.vector_store %arg17[%swap3A_18], %mul3A_17 {strides = array<i32>} : memref<224xf32, #tpu.memory_space<vmem>>, vector<16xf32>,
      %get3A_20 = arith.constant 16 : index
      %get3A_21 = tpu.vector_load %arg15[%get3A_20] {strides = array<i32>} : memref<224xi32, #tpu.memory_space<vmem>>, vector<16xi32>,
      %gather3A_22 = tpu.vector_load_idx %arg14[%get3A_21] : memref<3136xi32, #tpu.memory_space<vmem>>[vector<16xi32>], vector<16xi32>,
      %swap3A_23 = arith.constant 16 : index
      %swap3A_24 = tpu.vector_load %arg16[%swap3A_23] {strides = array<i32>} : memref<224xi32, #tpu.memory_space<vmem>>, vector<16xi32>,
      tpu.vector_store %arg16[%swap3A_23], %gather3A_22 {strides = array<i32>} : memref<224xi32, #tpu.memory_space<vmem>>, vector<16xi32>,
      %gather3A_25 = tpu.vector_load_idx %arg13[%get3A_21] : memref<3136xf32, #tpu.memory_space<vmem>>[vector<16xi32>], vector<16xf32>,
      %get3A_26 = arith.constant 16 : index
      %get3A_27 = tpu.vector_load %arg18[%get3A_26] {strides = array<i32>} : memref<224xf32, #tpu.memory_space<vmem>>, vector<16xf32>,
      %mul3A_28 = arith.mulf %get3A_27, %gather3A_25 : vector<16xf32>
      %swap3A_29 = arith.constant 16 : index
      %swap3A_30 = tpu.vector_load %arg17[%swap3A_29] {strides = array<i32>} : memref<224xf32, #tpu.memory_space<vmem>>, vector<16xf32>,
      tpu.vector_store %arg17[%swap3A_29], %mul3A_28 {strides = array<i32>} : memref<224xf32, #tpu.memory_space<vmem>>, vector<16xf32>,
      %get3A_31 = arith.constant 32 : index
      %get3A_32 = tpu.vector_load %arg15[%get3A_31] {strides = array<i32>} : memref<224xi32, #tpu.memory_space<vmem>>, vector<16xi32>,
      %gather3A_33 = tpu.vector_load_idx %arg14[%get3A_32] : memref<3136xi32, #tpu.memory_space<vmem>>[vector<16xi32>], vector<16xi32>,
      %swap3A_34 = arith.constant 32 : index
      %swap3A_35 = tpu.vector_load %arg16[%swap3A_34] {strides = array<i32>} : memref<224xi32, #tpu.memory_space<vmem>>, vector<16xi32>,
      tpu.vector_store %arg16[%swap3A_34], %gather3A_33 {strides = array<i32>} : memref<224xi32, #tpu.memory_space<vmem>>, vector<16xi32>,
      %gather3A_36 = tpu.vector_load_idx %arg13[%get3A_32] : memref<3136xf32, #tpu.memory_space<vmem>>[vector<16xi32>], vector<16xf32>,
      %get3A_37 = arith.constant 32 : index
      %get3A_38 = tpu.vector_load %arg18[%get3A_37] {strides = array<i32>} : memref<224xf32, #tpu.memory_space<vmem>>, vector<16xf32>,
      %mul3A_39 = arith.mulf %get3A_38, %gather3A_36 : vector<16xf32>
      %swap3A_40 = arith.constant 32 : index
      %swap3A_41 = tpu.vector_load %arg17[%swap3A_40] {strides = array<i32>} : memref<224xf32, #tpu.memory_space<vmem>>, vector<16xf32>,
      tpu.vector_store %arg17[%swap3A_40], %mul3A_39 {strides = array<i32>} : memref<224xf32, #tpu.memory_space<vmem>>, vector<16xf32>,
      %get3A_42 = arith.constant 48 : index
      %get3A_43 = tpu.vector_load %arg15[%get3A_42] {strides = array<i32>} : memref<224xi32, #tpu.memory_space<vmem>>, vector<16xi32>,
      %gather3A_44 = tpu.vector_load_idx %arg14[%get3A_43] : memref<3136xi32, #tpu.memory_space<vmem>>[vector<16xi32>], vector<16xi32>,
      %swap3A_45 = arith.constant 48 : index
      %swap3A_46 = tpu.vector_load %arg16[%swap3A_45] {strides = array<i32>} : memref<224xi32, #tpu.memory_space<vmem>>, vector<16xi32>,
      tpu.vector_store %arg16[%swap3A_45], %gather3A_44 {strides = array<i32>} : memref<224xi32, #tpu.memory_space<vmem>>, vector<16xi32>,
      %gather3A_47 = tpu.vector_load_idx %arg13[%get3A_43] : memref<3136xf32, #tpu.memory_space<vmem>>[vector<16xi32>], vector<16xf32>,
      %get3A_48 = arith.constant 48 : index
      %get3A_49 = tpu.vector_load %arg18[%get3A_48] {strides = array<i32>} : memref<224xf32, #tpu.memory_space<vmem>>, vector<16xf32>,
      %mul3A_50 = arith.mulf %get3A_49, %gather3A_47 : vector<16xf32>
      %swap3A_51 = arith.constant 48 : index
      %swap3A_52 = tpu.vector_load %arg17[%swap3A_51] {strides = array<i32>} : memref<224xf32, #tpu.memory_space<vmem>>, vector<16xf32>,
      tpu.vector_store %arg17[%swap3A_51], %mul3A_50 {strides = array<i32>} : memref<224xf32, #tpu.memory_space<vmem>>, vector<16xf32>,
      %get3A_53 = arith.constant 64 : index
      %get3A_54 = tpu.vector_load %arg15[%get3A_53] {strides = array<i32>} : memref<224xi32, #tpu.memory_space<vmem>>, vector<16xi32>,
      %gather3A_55 = tpu.vector_load_idx %arg14[%get3A_54] : memref<3136xi32, #tpu.memory_space<vmem>>[vector<16xi32>], vector<16xi32>,
      %swap3A_56 = arith.constant 64 : index
      %swap3A_57 = tpu.vector_load %arg16[%swap3A_56] {strides = array<i32>} : memref<224xi32, #tpu.memory_space<vmem>>, vector<16xi32>,
      tpu.vector_store %arg16[%swap3A_56], %gather3A_55 {strides = array<i32>} : memref<224xi32, #tpu.memory_space<vmem>>, vector<16xi32>,
      %gather3A_58 = tpu.vector_load_idx %arg13[%get3A_54] : memref<3136xf32, #tpu.memory_space<vmem>>[vector<16xi32>], vector<16xf32>,
      %get3A_59 = arith.constant 64 : index
      %get3A_60 = tpu.vector_load %arg18[%get3A_59] {strides = array<i32>} : memref<224xf32, #tpu.memory_space<vmem>>, vector<16xf32>,
      %mul3A_61 = arith.mulf %get3A_60, %gather3A_58 : vector<16xf32>
      %swap3A_62 = arith.constant 64 : index
      %swap3A_63 = tpu.vector_load %arg17[%swap3A_62] {strides = array<i32>} : memref<224xf32, #tpu.memory_space<vmem>>, vector<16xf32>,
      tpu.vector_store %arg17[%swap3A_62], %mul3A_61 {strides = array<i32>} : memref<224xf32, #tpu.memory_space<vmem>>, vector<16xf32>,
      %get3A_64 = arith.constant 80 : index
      %get3A_65 = tpu.vector_load %arg15[%get3A_64] {strides = array<i32>} : memref<224xi32, #tpu.memory_space<vmem>>, vector<16xi32>,
      %gather3A_66 = tpu.vector_load_idx %arg14[%get3A_65] : memref<3136xi32, #tpu.memory_space<vmem>>[vector<16xi32>], vector<16xi32>,
      %swap3A_67 = arith.constant 80 : index
      %swap3A_68 = tpu.vector_load %arg16[%swap3A_67] {strides = array<i32>} : memref<224xi32, #tpu.memory_space<vmem>>, vector<16xi32>,
      tpu.vector_store %arg16[%swap3A_67], %gather3A_66 {strides = array<i32>} : memref<224xi32, #tpu.memory_space<vmem>>, vector<16xi32>,
      %gather3A_69 = tpu.vector_load_idx %arg13[%get3A_65] : memref<3136xf32, #tpu.memory_space<vmem>>[vector<16xi32>], vector<16xf32>,
      %get3A_70 = arith.constant 80 : index
      %get3A_71 = tpu.vector_load %arg18[%get3A_70] {strides = array<i32>} : memref<224xf32, #tpu.memory_space<vmem>>, vector<16xf32>,
      %mul3A_72 = arith.mulf %get3A_71, %gather3A_69 : vector<16xf32>
      %swap3A_73 = arith.constant 80 : index
      %swap3A_74 = tpu.vector_load %arg17[%swap3A_73] {strides = array<i32>} : memref<224xf32, #tpu.memory_space<vmem>>, vector<16xf32>,
      tpu.vector_store %arg17[%swap3A_73], %mul3A_72 {strides = array<i32>} : memref<224xf32, #tpu.memory_space<vmem>>, vector<16xf32>,
      %get3A_75 = arith.constant 96 : index
      %get3A_76 = tpu.vector_load %arg15[%get3A_75] {strides = array<i32>} : memref<224xi32, #tpu.memory_space<vmem>>, vector<16xi32>,
      %gather3A_77 = tpu.vector_load_idx %arg14[%get3A_76] : memref<3136xi32, #tpu.memory_space<vmem>>[vector<16xi32>], vector<16xi32>,
      %swap3A_78 = arith.constant 96 : index
      %swap3A_79 = tpu.vector_load %arg16[%swap3A_78] {strides = array<i32>} : memref<224xi32, #tpu.memory_space<vmem>>, vector<16xi32>,
      tpu.vector_store %arg16[%swap3A_78], %gather3A_77 {strides = array<i32>} : memref<224xi32, #tpu.memory_space<vmem>>, vector<16xi32>,
      %gather3A_80 = tpu.vector_load_idx %arg13[%get3A_76] : memref<3136xf32, #tpu.memory_space<vmem>>[vector<16xi32>], vector<16xf32>,
      %get3A_81 = arith.constant 96 : index
      %get3A_82 = tpu.vector_load %arg18[%get3A_81] {strides = array<i32>} : memref<224xf32, #tpu.memory_space<vmem>>, vector<16xf32>,
      %mul3A_83 = arith.mulf %get3A_82, %gather3A_80 : vector<16xf32>
      %swap3A_84 = arith.constant 96 : index
      %swap3A_85 = tpu.vector_load %arg17[%swap3A_84] {strides = array<i32>} : memref<224xf32, #tpu.memory_space<vmem>>, vector<16xf32>,
      tpu.vector_store %arg17[%swap3A_84], %mul3A_83 {strides = array<i32>} : memref<224xf32, #tpu.memory_space<vmem>>, vector<16xf32>,
      %get3A_86 = arith.constant 112 : index
      %get3A_87 = tpu.vector_load %arg15[%get3A_86] {strides = array<i32>} : memref<224xi32, #tpu.memory_space<vmem>>, vector<16xi32>,
      %gather3A_88 = tpu.vector_load_idx %arg14[%get3A_87] : memref<3136xi32, #tpu.memory_space<vmem>>[vector<16xi32>], vector<16xi32>,
      %swap3A_89 = arith.constant 112 : index
      %swap3A_90 = tpu.vector_load %arg16[%swap3A_89] {strides = array<i32>} : memref<224xi32, #tpu.memory_space<vmem>>, vector<16xi32>,
      tpu.vector_store %arg16[%swap3A_89], %gather3A_88 {strides = array<i32>} : memref<224xi32, #tpu.memory_space<vmem>>, vector<16xi32>,
      %gather3A_91 = tpu.vector_load_idx %arg13[%get3A_87] : memref<3136xf32, #tpu.memory_space<vmem>>[vector<16xi32>], vector<16xf32>,
      %get3A_92 = arith.constant 112 : index
      %get3A_93 = tpu.vector_load %arg18[%get3A_92] {strides = array<i32>} : memref<224xf32, #tpu.memory_space<vmem>>, vector<16xf32>,
      %mul3A_94 = arith.mulf %get3A_93, %gather3A_91 : vector<16xf32>
      %swap3A_95 = arith.constant 112 : index
      %swap3A_96 = tpu.vector_load %arg17[%swap3A_95] {strides = array<i32>} : memref<224xf32, #tpu.memory_space<vmem>>, vector<16xf32>,
      tpu.vector_store %arg17[%swap3A_95], %mul3A_94 {strides = array<i32>} : memref<224xf32, #tpu.memory_space<vmem>>, vector<16xf32>,
      %get3A_97 = arith.constant 128 : index
      %get3A_98 = tpu.vector_load %arg15[%get3A_97] {strides = array<i32>} : memref<224xi32, #tpu.memory_space<vmem>>, vector<16xi32>,
      %gather3A_99 = tpu.vector_load_idx %arg14[%get3A_98] : memref<3136xi32, #tpu.memory_space<vmem>>[vector<16xi32>], vector<16xi32>,
      %swap3A_100 = arith.constant 128 : index
      %swap3A_101 = tpu.vector_load %arg16[%swap3A_100] {strides = array<i32>} : memref<224xi32, #tpu.memory_space<vmem>>, vector<16xi32>,
      tpu.vector_store %arg16[%swap3A_100], %gather3A_99 {strides = array<i32>} : memref<224xi32, #tpu.memory_space<vmem>>, vector<16xi32>,
      %gather3A_102 = tpu.vector_load_idx %arg13[%get3A_98] : memref<3136xf32, #tpu.memory_space<vmem>>[vector<16xi32>], vector<16xf32>,
      %get3A_103 = arith.constant 128 : index
      %get3A_104 = tpu.vector_load %arg18[%get3A_103] {strides = array<i32>} : memref<224xf32, #tpu.memory_space<vmem>>, vector<16xf32>,
      %mul3A_105 = arith.mulf %get3A_104, %gather3A_102 : vector<16xf32>
      %swap3A_106 = arith.constant 128 : index
      %swap3A_107 = tpu.vector_load %arg17[%swap3A_106] {strides = array<i32>} : memref<224xf32, #tpu.memory_space<vmem>>, vector<16xf32>,
      tpu.vector_store %arg17[%swap3A_106], %mul3A_105 {strides = array<i32>} : memref<224xf32, #tpu.memory_space<vmem>>, vector<16xf32>,
      %get3A_108 = arith.constant 144 : index
      %get3A_109 = tpu.vector_load %arg15[%get3A_108] {strides = array<i32>} : memref<224xi32, #tpu.memory_space<vmem>>, vector<16xi32>,
      %gather3A_110 = tpu.vector_load_idx %arg14[%get3A_109] : memref<3136xi32, #tpu.memory_space<vmem>>[vector<16xi32>], vector<16xi32>,
      %swap3A_111 = arith.constant 144 : index
      %swap3A_112 = tpu.vector_load %arg16[%swap3A_111] {strides = array<i32>} : memref<224xi32, #tpu.memory_space<vmem>>, vector<16xi32>,
      tpu.vector_store %arg16[%swap3A_111], %gather3A_110 {strides = array<i32>} : memref<224xi32, #tpu.memory_space<vmem>>, vector<16xi32>,
      %gather3A_113 = tpu.vector_load_idx %arg13[%get3A_109] : memref<3136xf32, #tpu.memory_space<vmem>>[vector<16xi32>], vector<16xf32>,
      %get3A_114 = arith.constant 144 : index
      %get3A_115 = tpu.vector_load %arg18[%get3A_114] {strides = array<i32>} : memref<224xf32, #tpu.memory_space<vmem>>, vector<16xf32>,
      %mul3A_116 = arith.mulf %get3A_115, %gather3A_113 : vector<16xf32>
      %swap3A_117 = arith.constant 144 : index
      %swap3A_118 = tpu.vector_load %arg17[%swap3A_117] {strides = array<i32>} : memref<224xf32, #tpu.memory_space<vmem>>, vector<16xf32>,
      tpu.vector_store %arg17[%swap3A_117], %mul3A_116 {strides = array<i32>} : memref<224xf32, #tpu.memory_space<vmem>>, vector<16xf32>,
      %get3A_119 = arith.constant 160 : index
      %get3A_120 = tpu.vector_load %arg15[%get3A_119] {strides = array<i32>} : memref<224xi32, #tpu.memory_space<vmem>>, vector<16xi32>,
      %gather3A_121 = tpu.vector_load_idx %arg14[%get3A_120] : memref<3136xi32, #tpu.memory_space<vmem>>[vector<16xi32>], vector<16xi32>,
      %swap3A_122 = arith.constant 160 : index
      %swap3A_123 = tpu.vector_load %arg16[%swap3A_122] {strides = array<i32>} : memref<224xi32, #tpu.memory_space<vmem>>, vector<16xi32>,
      tpu.vector_store %arg16[%swap3A_122], %gather3A_121 {strides = array<i32>} : memref<224xi32, #tpu.memory_space<vmem>>, vector<16xi32>,
      %gather3A_124 = tpu.vector_load_idx %arg13[%get3A_120] : memref<3136xf32, #tpu.memory_space<vmem>>[vector<16xi32>], vector<16xf32>,
      %get3A_125 = arith.constant 160 : index
      %get3A_126 = tpu.vector_load %arg18[%get3A_125] {strides = array<i32>} : memref<224xf32, #tpu.memory_space<vmem>>, vector<16xf32>,
      %mul3A_127 = arith.mulf %get3A_126, %gather3A_124 : vector<16xf32>
      %swap3A_128 = arith.constant 160 : index
      %swap3A_129 = tpu.vector_load %arg17[%swap3A_128] {strides = array<i32>} : memref<224xf32, #tpu.memory_space<vmem>>, vector<16xf32>,
      tpu.vector_store %arg17[%swap3A_128], %mul3A_127 {strides = array<i32>} : memref<224xf32, #tpu.memory_space<vmem>>, vector<16xf32>,
      %get3A_130 = arith.constant 176 : index
      %get3A_131 = tpu.vector_load %arg15[%get3A_130] {strides = array<i32>} : memref<224xi32, #tpu.memory_space<vmem>>, vector<16xi32>,
      %gather3A_132 = tpu.vector_load_idx %arg14[%get3A_131] : memref<3136xi32, #tpu.memory_space<vmem>>[vector<16xi32>], vector<16xi32>,
      %swap3A_133 = arith.constant 176 : index
      %swap3A_134 = tpu.vector_load %arg16[%swap3A_133] {strides = array<i32>} : memref<224xi32, #tpu.memory_space<vmem>>, vector<16xi32>,
      tpu.vector_store %arg16[%swap3A_133], %gather3A_132 {strides = array<i32>} : memref<224xi32, #tpu.memory_space<vmem>>, vector<16xi32>,
      %gather3A_135 = tpu.vector_load_idx %arg13[%get3A_131] : memref<3136xf32, #tpu.memory_space<vmem>>[vector<16xi32>], vector<16xf32>,
      %get3A_136 = arith.constant 176 : index
      %get3A_137 = tpu.vector_load %arg18[%get3A_136] {strides = array<i32>} : memref<224xf32, #tpu.memory_space<vmem>>, vector<16xf32>,
      %mul3A_138 = arith.mulf %get3A_137, %gather3A_135 : vector<16xf32>
      %swap3A_139 = arith.constant 176 : index
      %swap3A_140 = tpu.vector_load %arg17[%swap3A_139] {strides = array<i32>} : memref<224xf32, #tpu.memory_space<vmem>>, vector<16xf32>,
      tpu.vector_store %arg17[%swap3A_139], %mul3A_138 {strides = array<i32>} : memref<224xf32, #tpu.memory_space<vmem>>, vector<16xf32>,
      %get3A_141 = arith.constant 192 : index
      %get3A_142 = tpu.vector_load %arg15[%get3A_141] {strides = array<i32>} : memref<224xi32, #tpu.memory_space<vmem>>, vector<16xi32>,
      %gather3A_143 = tpu.vector_load_idx %arg14[%get3A_142] : memref<3136xi32, #tpu.memory_space<vmem>>[vector<16xi32>], vector<16xi32>,
      %swap3A_144 = arith.constant 192 : index
      %swap3A_145 = tpu.vector_load %arg16[%swap3A_144] {strides = array<i32>} : memref<224xi32, #tpu.memory_space<vmem>>, vector<16xi32>,
      tpu.vector_store %arg16[%swap3A_144], %gather3A_143 {strides = array<i32>} : memref<224xi32, #tpu.memory_space<vmem>>, vector<16xi32>,
      %gather3A_146 = tpu.vector_load_idx %arg13[%get3A_142] : memref<3136xf32, #tpu.memory_space<vmem>>[vector<16xi32>], vector<16xf32>,
      %get3A_147 = arith.constant 192 : index
      %get3A_148 = tpu.vector_load %arg18[%get3A_147] {strides = array<i32>} : memref<224xf32, #tpu.memory_space<vmem>>, vector<16xf32>,
      %mul3A_149 = arith.mulf %get3A_148, %gather3A_146 : vector<16xf32>
      %swap3A_150 = arith.constant 192 : index
      %swap3A_151 = tpu.vector_load %arg17[%swap3A_150] {strides = array<i32>} : memref<224xf32, #tpu.memory_space<vmem>>, vector<16xf32>,
      tpu.vector_store %arg17[%swap3A_150], %mul3A_149 {strides = array<i32>} : memref<224xf32, #tpu.memory_space<vmem>>, vector<16xf32>,
      %get3A_152 = arith.constant 208 : index
      %get3A_153 = tpu.vector_load %arg15[%get3A_152] {strides = array<i32>} : memref<224xi32, #tpu.memory_space<vmem>>, vector<16xi32>,
      %gather3A_154 = tpu.vector_load_idx %arg14[%get3A_153] : memref<3136xi32, #tpu.memory_space<vmem>>[vector<16xi32>], vector<16xi32>,
      %swap3A_155 = arith.constant 208 : index
      %swap3A_156 = tpu.vector_load %arg16[%swap3A_155] {strides = array<i32>} : memref<224xi32, #tpu.memory_space<vmem>>, vector<16xi32>,
      tpu.vector_store %arg16[%swap3A_155], %gather3A_154 {strides = array<i32>} : memref<224xi32, #tpu.memory_space<vmem>>, vector<16xi32>,
      %gather3A_157 = tpu.vector_load_idx %arg13[%get3A_153] : memref<3136xf32, #tpu.memory_space<vmem>>[vector<16xi32>], vector<16xf32>,
      %get3A_158 = arith.constant 208 : index
      %get3A_159 = tpu.vector_load %arg18[%get3A_158] {strides = array<i32>} : memref<224xf32, #tpu.memory_space<vmem>>, vector<16xf32>,
      %mul3A_160 = arith.mulf %get3A_159, %gather3A_157 : vector<16xf32>
      %swap3A_161 = arith.constant 208 : index
      %swap3A_162 = tpu.vector_load %arg17[%swap3A_161] {strides = array<i32>} : memref<224xf32, #tpu.memory_space<vmem>>, vector<16xf32>,
      tpu.vector_store %arg17[%swap3A_161], %mul3A_160 {strides = array<i32>} : memref<224xf32, #tpu.memory_space<vmem>>, vector<16xf32>,
      "tpu.region"() ({
        %run_scoped3A = tpu.sem_alloc : memref<!tpu.dma_semaphore, #tpu.memory_space<semaphore_mem>>
        %dma_start3A = tpu.memref_slice %arg7[%add3A] : memref<6272xi32, #tpu.memory_space<hbm>> -> memref<224xi32, #tpu.memory_space<hbm>>
        %dma_start3A_163 = tpu.memref_slice %arg7[%add3A] : memref<6272xi32, #tpu.memory_space<hbm>> -> memref<224xi32, #tpu.memory_space<hbm>>
        tpu.enqueue_dma source(%arg16 : memref<224xi32, #tpu.memory_space<vmem>>) target(%dma_start3A_163 : memref<224xi32, #tpu.memory_space<hbm>>) target_semaphore(%run_scoped3A : memref<!tpu.dma_semaphore, #tpu.memory_space<semaphore_mem>>)
        %dma_wait3A = tpu.memref_slice %arg7[%add3A] : memref<6272xi32, #tpu.memory_space<hbm>> -> memref<224xi32, #tpu.memory_space<hbm>>
        %dma_wait3A_164 = tpu.memref_slice %arg7[%add3A] : memref<6272xi32, #tpu.memory_space<hbm>> -> memref<224xi32, #tpu.memory_space<hbm>>
        tpu.wait_dma2 semaphore(%run_scoped3A : memref<!tpu.dma_semaphore, #tpu.memory_space<semaphore_mem>>) src(%arg16 : memref<224xi32, #tpu.memory_space<vmem>>) dst(%dma_wait3A_164 : memref<224xi32, #tpu.memory_space<hbm>>)
        tpu.yield
      }) : () -> ()
      "tpu.region"() ({
        %run_scoped3A = tpu.sem_alloc : memref<!tpu.dma_semaphore, #tpu.memory_space<semaphore_mem>>
        %dma_start3A = tpu.memref_slice %arg8[%add3A] : memref<6272xf32, #tpu.memory_space<hbm>> -> memref<224xf32, #tpu.memory_space<hbm>>
        %dma_start3A_163 = tpu.memref_slice %arg8[%add3A] : memref<6272xf32, #tpu.memory_space<hbm>> -> memref<224xf32, #tpu.memory_space<hbm>>
        tpu.enqueue_dma source(%arg17 : memref<224xf32, #tpu.memory_space<vmem>>) target(%dma_start3A_163 : memref<224xf32, #tpu.memory_space<hbm>>) target_semaphore(%run_scoped3A : memref<!tpu.dma_semaphore, #tpu.memory_space<semaphore_mem>>)
        %dma_wait3A = tpu.memref_slice %arg8[%add3A] : memref<6272xf32, #tpu.memory_space<hbm>> -> memref<224xf32, #tpu.memory_space<hbm>>
        %dma_wait3A_164 = tpu.memref_slice %arg8[%add3A] : memref<6272xf32, #tpu.memory_space<hbm>> -> memref<224xf32, #tpu.memory_space<hbm>>
        tpu.wait_dma2 semaphore(%run_scoped3A : memref<!tpu.dma_semaphore, #tpu.memory_space<semaphore_mem>>) src(%arg17 : memref<224xf32, #tpu.memory_space<vmem>>) dst(%dma_wait3A_164 : memref<224xf32, #tpu.memory_space<hbm>>)
        tpu.yield
      }) : () -> ()
    } else {
    }
    return
  }
}

module attributes {stable_mosaic.version = 14 : i64} {
  func.func @_copy_kernel(%arg0: i32, %arg1: memref<1x3136x256xf32, #tpu.memory_space<vmem>>, %arg2: memref<1x3136x256xf32, #tpu.memory_space<vmem>>) attributes {dimension_semantics = [#tpu.dimension_semantics<arbitrary>], iteration_bounds = array<i64: 2>, scalar_prefetch = 0 : i64, scratch_operands = 0 : i64, tpu.core_type = #tpu.core_type<tc>, window_params = [{transform_indices = @transform_0, window_bounds = array<i64: 1, 3136, 256>}, {transform_indices = @transform_1, window_bounds = array<i64: 1, 3136, 256>}]} {
    %get3A = arith.constant 0 : index
    %get3A_0 = arith.constant 0 : index
    %get3A_1 = arith.constant 0 : index
    %get3A_2 = vector.load %arg1[%get3A, %get3A_0, %get3A_1] : memref<1x3136x256xf32, #tpu.memory_space<vmem>>, vector<1x3136x256xf32>
    %swap3A = arith.constant 0 : index
    %swap3A_3 = arith.constant 0 : index
    %swap3A_4 = arith.constant 0 : index
    %swap3A_5 = vector.load %arg2[%swap3A, %swap3A_3, %swap3A_4] : memref<1x3136x256xf32, #tpu.memory_space<vmem>>, vector<1x3136x256xf32>
    tpu.vector_store %arg2[%swap3A, %swap3A_3, %swap3A_4], %get3A_2 {strides = array<i32>} : memref<1x3136x256xf32, #tpu.memory_space<vmem>>, vector<1x3136x256xf32>,
    return
  }
  func.func @transform_0(%arg0: i32) -> (i32, i32, i32) {
    %c0_i32 = arith.constant 0 : i32
    %c0_i32_0 = arith.constant 0 : i32
    %c0_i32_1 = arith.constant 0 : i32
    return %arg0, %c0_i32, %c0_i32_0 : i32, i32, i32
  }
  func.func @transform_1(%arg0: i32) -> (i32, i32, i32) {
    %c0_i32 = arith.constant 0 : i32
    %c0_i32_0 = arith.constant 0 : i32
    %c0_i32_1 = arith.constant 0 : i32
    return %arg0, %c0_i32, %c0_i32_0 : i32, i32, i32
  }
}

module attributes {stable_mosaic.version = 14 : i64} {
  func.func @_density_kernel(%arg0: i32, %arg1: i32, %arg2: memref<1x448x256xf32, #tpu.memory_space<vmem>>, %arg3: memref<1x3136x256xf32, #tpu.memory_space<vmem>>, %arg4: memref<1x448x1xf32, #tpu.memory_space<vmem>>, %arg5: memref<1x1x3136xf32, #tpu.memory_space<vmem>>, %arg6: memref<1x448x5xf32, #tpu.memory_space<vmem>>) attributes {dimension_semantics = [#tpu.dimension_semantics<arbitrary>, #tpu.dimension_semantics<arbitrary>], iteration_bounds = array<i64: 2, 7>, scalar_prefetch = 0 : i64, scratch_operands = 0 : i64, tpu.core_type = #tpu.core_type<tc>, window_params = [{transform_indices = @transform_0, window_bounds = array<i64: 1, 448, 256>}, {transform_indices = @transform_1, window_bounds = array<i64: 1, 3136, 256>}, {transform_indices = @transform_2, window_bounds = array<i64: 1, 448, 1>}, {transform_indices = @transform_3, window_bounds = array<i64: 1, 1, 3136>}, {transform_indices = @transform_4, window_bounds = array<i64: 1, 448, 5>}]} {
    %get3A = arith.constant 0 : index
    %get3A_0 = arith.constant 0 : index
    %get3A_1 = arith.constant 0 : index
    %get3A_2 = vector.load %arg2[%get3A, %get3A_0, %get3A_1] : memref<1x448x256xf32, #tpu.memory_space<vmem>>, vector<1x448x256xf32>
    %get3A_3 = vector.shape_cast %get3A_2 : vector<1x448x256xf32> to vector<448x256xf32>
    %get3A_4 = arith.constant 0 : index
    %get3A_5 = arith.constant 0 : index
    %get3A_6 = arith.constant 0 : index
    %get3A_7 = vector.load %arg3[%get3A_4, %get3A_5, %get3A_6] : memref<1x3136x256xf32, #tpu.memory_space<vmem>>, vector<1x3136x256xf32>
    %get3A_8 = vector.shape_cast %get3A_7 : vector<1x3136x256xf32> to vector<3136x256xf32>
    %get3A_9 = arith.constant 0 : index
    %get3A_10 = arith.constant 0 : index
    %get3A_11 = arith.constant 0 : index
    %get3A_12 = vector.load %arg4[%get3A_9, %get3A_10, %get3A_11] : memref<1x448x1xf32, #tpu.memory_space<vmem>>, vector<1x448x1xf32>
    %get3A_13 = vector.shape_cast %get3A_12 : vector<1x448x1xf32> to vector<448x1xf32>
    %get3A_14 = arith.constant 0 : index
    %get3A_15 = arith.constant 0 : index
    %get3A_16 = arith.constant 0 : index
    %get3A_17 = vector.load %arg5[%get3A_14, %get3A_15, %get3A_16] : memref<1x1x3136xf32, #tpu.memory_space<vmem>>, vector<1x1x3136xf32>
    %get3A_18 = vector.shape_cast %get3A_17 : vector<1x1x3136xf32> to vector<1x3136xf32>
    %dot_general3A = arith.constant dense<0.000000e+00> : vector<448x3136xf32>
    %dot_general3A_19 = tpu.matmul %get3A_3, %get3A_8, %dot_general3A {dimension_numbers = #tpu.dot_dimension_numbers<[1], [1], [0], [0], [0, 0, 1, 0], [], []>, transpose_lhs_hint = false} : vector<448x256xf32>, vector<3136x256xf32>, vector<448x3136xf32> -> vector<448x3136xf32>
    %add3A = vector.broadcast %get3A_13 : vector<448x1xf32> to vector<448x3136xf32>
    %add3A_20 = vector.broadcast %get3A_18 : vector<1x3136xf32> to vector<448x3136xf32>
    %add3A_21 = arith.addf %add3A, %add3A_20 : vector<448x3136xf32>
    %mul3A = arith.constant 2.000000e+00 : f32
    %mul3A_22 = vector.broadcast %mul3A : f32 to vector<448x3136xf32>
    %mul3A_23 = arith.mulf %mul3A_22, %dot_general3A_19 : vector<448x3136xf32>
    %sub3A = arith.subf %add3A_21, %mul3A_23 : vector<448x3136xf32>
    %max3A = arith.constant 0.000000e+00 : f32
    %max3A_24 = vector.broadcast %max3A : f32 to vector<448x3136xf32>
    %max3A_25 = arith.maximumf %sub3A, %max3A_24 : vector<448x3136xf32>
    %sqrt3A = math.sqrt %max3A_25 : vector<448x3136xf32>
    %mul3A_26 = arith.constant 6.250000e-02 : f32
    %mul3A_27 = vector.broadcast %mul3A_26 : f32 to vector<448x3136xf32>
    %mul3A_28 = arith.mulf %sqrt3A, %mul3A_27 : vector<448x3136xf32>
    %iota3A = tpu.iota {dimensions = array<i32: 1>} : vector<448x3136xi32>
    %reduce_min3A = arith.constant dense<0x7F800000> : vector<448xf32>
    %reduce_min3A_29 = vector.multi_reduction <minimumf>, %mul3A_28, %reduce_min3A [1] : vector<448x3136xf32> to vector<448xf32>
    %broadcast_in_dim3A = vector.shape_cast %reduce_min3A_29 : vector<448xf32> to vector<448x1xf32>
    %eq3A = vector.broadcast %broadcast_in_dim3A : vector<448x1xf32> to vector<448x3136xf32>
    %eq3A_30 = arith.cmpf oeq, %mul3A_28, %eq3A : vector<448x3136xf32>
    %jit3A = arith.constant 3136 : i32
    %broadcast_in_dim3A_31 = vector.broadcast %jit3A : i32 to vector<448x3136xi32>
    %select_n3A = arith.select %eq3A_30, %iota3A, %broadcast_in_dim3A_31 : vector<448x3136xi1>, vector<448x3136xi32>
    %reduce_min3A_32 = arith.constant dense<2147483647> : vector<448xi32>
    %reduce_min3A_33 = vector.multi_reduction <minsi>, %select_n3A, %reduce_min3A_32 [1] : vector<448x3136xi32> to vector<448xi32>
    %broadcast_in_dim3A_34 = vector.shape_cast %reduce_min3A_33 : vector<448xi32> to vector<448x1xi32>
    %eq3A_35 = vector.broadcast %broadcast_in_dim3A_34 : vector<448x1xi32> to vector<448x3136xi32>
    %eq3A_36 = arith.cmpi eq, %iota3A, %eq3A_35 : vector<448x3136xi32>
    %jit3A_37 = arith.constant 0x7F800000 : f32
    %broadcast_in_dim3A_38 = vector.broadcast %jit3A_37 : f32 to vector<448x3136xf32>
    %select_n3A_39 = arith.select %eq3A_36, %broadcast_in_dim3A_38, %mul3A_28 : vector<448x3136xi1>, vector<448x3136xf32>
    %reduce_min3A_40 = arith.constant dense<0x7F800000> : vector<448xf32>
    %reduce_min3A_41 = vector.multi_reduction <minimumf>, %select_n3A_39, %reduce_min3A_40 [1] : vector<448x3136xf32> to vector<448xf32>
    %broadcast_in_dim3A_42 = vector.shape_cast %reduce_min3A_41 : vector<448xf32> to vector<448x1xf32>
    %eq3A_43 = vector.broadcast %broadcast_in_dim3A_42 : vector<448x1xf32> to vector<448x3136xf32>
    %eq3A_44 = arith.cmpf oeq, %select_n3A_39, %eq3A_43 : vector<448x3136xf32>
    %jit3A_45 = arith.constant 3136 : i32
    %broadcast_in_dim3A_46 = vector.broadcast %jit3A_45 : i32 to vector<448x3136xi32>
    %select_n3A_47 = arith.select %eq3A_44, %iota3A, %broadcast_in_dim3A_46 : vector<448x3136xi1>, vector<448x3136xi32>
    %reduce_min3A_48 = arith.constant dense<2147483647> : vector<448xi32>
    %reduce_min3A_49 = vector.multi_reduction <minsi>, %select_n3A_47, %reduce_min3A_48 [1] : vector<448x3136xi32> to vector<448xi32>
    %broadcast_in_dim3A_50 = vector.shape_cast %reduce_min3A_49 : vector<448xi32> to vector<448x1xi32>
    %eq3A_51 = vector.broadcast %broadcast_in_dim3A_50 : vector<448x1xi32> to vector<448x3136xi32>
    %eq3A_52 = arith.cmpi eq, %iota3A, %eq3A_51 : vector<448x3136xi32>
    %jit3A_53 = arith.constant 0x7F800000 : f32
    %broadcast_in_dim3A_54 = vector.broadcast %jit3A_53 : f32 to vector<448x3136xf32>
    %select_n3A_55 = arith.select %eq3A_52, %broadcast_in_dim3A_54, %select_n3A_39 : vector<448x3136xi1>, vector<448x3136xf32>
    %reduce_min3A_56 = arith.constant dense<0x7F800000> : vector<448xf32>
    %reduce_min3A_57 = vector.multi_reduction <minimumf>, %select_n3A_55, %reduce_min3A_56 [1] : vector<448x3136xf32> to vector<448xf32>
    %broadcast_in_dim3A_58 = vector.shape_cast %reduce_min3A_57 : vector<448xf32> to vector<448x1xf32>
    %eq3A_59 = vector.broadcast %broadcast_in_dim3A_58 : vector<448x1xf32> to vector<448x3136xf32>
    %eq3A_60 = arith.cmpf oeq, %select_n3A_55, %eq3A_59 : vector<448x3136xf32>
    %jit3A_61 = arith.constant 3136 : i32
    %broadcast_in_dim3A_62 = vector.broadcast %jit3A_61 : i32 to vector<448x3136xi32>
    %select_n3A_63 = arith.select %eq3A_60, %iota3A, %broadcast_in_dim3A_62 : vector<448x3136xi1>, vector<448x3136xi32>
    %reduce_min3A_64 = arith.constant dense<2147483647> : vector<448xi32>
    %reduce_min3A_65 = vector.multi_reduction <minsi>, %select_n3A_63, %reduce_min3A_64 [1] : vector<448x3136xi32> to vector<448xi32>
    %broadcast_in_dim3A_66 = vector.shape_cast %reduce_min3A_65 : vector<448xi32> to vector<448x1xi32>
    %eq3A_67 = vector.broadcast %broadcast_in_dim3A_66 : vector<448x1xi32> to vector<448x3136xi32>
    %eq3A_68 = arith.cmpi eq, %iota3A, %eq3A_67 : vector<448x3136xi32>
    %jit3A_69 = arith.constant 0x7F800000 : f32
    %broadcast_in_dim3A_70 = vector.broadcast %jit3A_69 : f32 to vector<448x3136xf32>
    %select_n3A_71 = arith.select %eq3A_68, %broadcast_in_dim3A_70, %select_n3A_55 : vector<448x3136xi1>, vector<448x3136xf32>
    %reduce_min3A_72 = arith.constant dense<0x7F800000> : vector<448xf32>
    %reduce_min3A_73 = vector.multi_reduction <minimumf>, %select_n3A_71, %reduce_min3A_72 [1] : vector<448x3136xf32> to vector<448xf32>
    %broadcast_in_dim3A_74 = vector.shape_cast %reduce_min3A_73 : vector<448xf32> to vector<448x1xf32>
    %eq3A_75 = vector.broadcast %broadcast_in_dim3A_74 : vector<448x1xf32> to vector<448x3136xf32>
    %eq3A_76 = arith.cmpf oeq, %select_n3A_71, %eq3A_75 : vector<448x3136xf32>
    %jit3A_77 = arith.constant 3136 : i32
    %broadcast_in_dim3A_78 = vector.broadcast %jit3A_77 : i32 to vector<448x3136xi32>
    %select_n3A_79 = arith.select %eq3A_76, %iota3A, %broadcast_in_dim3A_78 : vector<448x3136xi1>, vector<448x3136xi32>
    %reduce_min3A_80 = arith.constant dense<2147483647> : vector<448xi32>
    %reduce_min3A_81 = vector.multi_reduction <minsi>, %select_n3A_79, %reduce_min3A_80 [1] : vector<448x3136xi32> to vector<448xi32>
    %broadcast_in_dim3A_82 = vector.shape_cast %reduce_min3A_81 : vector<448xi32> to vector<448x1xi32>
    %eq3A_83 = vector.broadcast %broadcast_in_dim3A_82 : vector<448x1xi32> to vector<448x3136xi32>
    %eq3A_84 = arith.cmpi eq, %iota3A, %eq3A_83 : vector<448x3136xi32>
    %jit3A_85 = arith.constant 0x7F800000 : f32
    %broadcast_in_dim3A_86 = vector.broadcast %jit3A_85 : f32 to vector<448x3136xf32>
    %select_n3A_87 = arith.select %eq3A_84, %broadcast_in_dim3A_86, %select_n3A_71 : vector<448x3136xi1>, vector<448x3136xf32>
    %reduce_min3A_88 = arith.constant dense<0x7F800000> : vector<448xf32>
    %reduce_min3A_89 = vector.multi_reduction <minimumf>, %select_n3A_87, %reduce_min3A_88 [1] : vector<448x3136xf32> to vector<448xf32>
    %broadcast_in_dim3A_90 = vector.shape_cast %reduce_min3A_89 : vector<448xf32> to vector<448x1xf32>
    %concatenate3A = tpu.concatenate %broadcast_in_dim3A, %broadcast_in_dim3A_42, %broadcast_in_dim3A_58, %broadcast_in_dim3A_74, %broadcast_in_dim3A_90 in 1 : vector<448x1xf32>, vector<448x1xf32>, vector<448x1xf32>, vector<448x1xf32>, vector<448x1xf32> -> vector<448x5xf32>
    %swap3A = arith.constant 0 : index
    %swap3A_91 = arith.constant 0 : index
    %swap3A_92 = arith.constant 0 : index
    %swap3A_93 = vector.load %arg6[%swap3A, %swap3A_91, %swap3A_92] : memref<1x448x5xf32, #tpu.memory_space<vmem>>, vector<1x448x5xf32>
    %swap3A_94 = vector.shape_cast %swap3A_93 : vector<1x448x5xf32> to vector<448x5xf32>
    %swap3A_95 = vector.shape_cast %concatenate3A : vector<448x5xf32> to vector<1x448x5xf32>
    tpu.vector_store %arg6[%swap3A, %swap3A_91, %swap3A_92], %swap3A_95 {strides = array<i32>} : memref<1x448x5xf32, #tpu.memory_space<vmem>>, vector<1x448x5xf32>,
    return
  }
  func.func @transform_0(%arg0: i32, %arg1: i32) -> (i32, i32, i32) {
    %c0_i32 = arith.constant 0 : i32
    %c0_i32_0 = arith.constant 0 : i32
    return %arg0, %arg1, %c0_i32 : i32, i32, i32
  }
  func.func @transform_1(%arg0: i32, %arg1: i32) -> (i32, i32, i32) {
    %c0_i32 = arith.constant 0 : i32
    %c0_i32_0 = arith.constant 0 : i32
    %c0_i32_1 = arith.constant 0 : i32
    return %arg0, %c0_i32, %c0_i32_0 : i32, i32, i32
  }
  func.func @transform_2(%arg0: i32, %arg1: i32) -> (i32, i32, i32) {
    %c0_i32 = arith.constant 0 : i32
    %c0_i32_0 = arith.constant 0 : i32
    return %arg0, %arg1, %c0_i32 : i32, i32, i32
  }
  func.func @transform_3(%arg0: i32, %arg1: i32) -> (i32, i32, i32) {
    %c0_i32 = arith.constant 0 : i32
    %c0_i32_0 = arith.constant 0 : i32
    %c0_i32_1 = arith.constant 0 : i32
    return %arg0, %c0_i32, %c0_i32_0 : i32, i32, i32
  }
  func.func @transform_4(%arg0: i32, %arg1: i32) -> (i32, i32, i32) {
    %c0_i32 = arith.constant 0 : i32
    %c0_i32_0 = arith.constant 0 : i32
    return %arg0, %arg1, %c0_i32 : i32, i32, i32
  }
}

module attributes {stable_mosaic.version = 14 : i64} {
  func.func @_parent_kernel(%arg0: i32, %arg1: i32, %arg2: memref<1x448x256xf32, #tpu.memory_space<vmem>>, %arg3: memref<1x3136x256xf32, #tpu.memory_space<vmem>>, %arg4: memref<1x448x1xf32, #tpu.memory_space<vmem>>, %arg5: memref<1x1x3136xf32, #tpu.memory_space<vmem>>, %arg6: memref<1x448x1xf32, #tpu.memory_space<vmem>>, %arg7: memref<1x1x3136xf32, #tpu.memory_space<vmem>>, %arg8: memref<1x448x1xf32, #tpu.memory_space<vmem>>, %arg9: memref<1x448x1xf32, #tpu.memory_space<vmem>>) attributes {dimension_semantics = [#tpu.dimension_semantics<arbitrary>, #tpu.dimension_semantics<arbitrary>], iteration_bounds = array<i64: 2, 7>, scalar_prefetch = 0 : i64, scratch_operands = 0 : i64, tpu.core_type = #tpu.core_type<tc>, window_params = [{transform_indices = @transform_0, window_bounds = array<i64: 1, 448, 256>}, {transform_indices = @transform_1, window_bounds = array<i64: 1, 3136, 256>}, {transform_indices = @transform_2, window_bounds = array<i64: 1, 448, 1>}, {transform_indices = @transform_3, window_bounds = array<i64: 1, 1, 3136>}, {transform_indices = @transform_4, window_bounds = array<i64: 1, 448, 1>}, {transform_indices = @transform_5, window_bounds = array<i64: 1, 1, 3136>}, {transform_indices = @transform_6, window_bounds = array<i64: 1, 448, 1>}, {transform_indices = @transform_7, window_bounds = array<i64: 1, 448, 1>}]} {
    %get3A = arith.constant 0 : index
    %get3A_0 = arith.constant 0 : index
    %get3A_1 = arith.constant 0 : index
    %get3A_2 = vector.load %arg2[%get3A, %get3A_0, %get3A_1] : memref<1x448x256xf32, #tpu.memory_space<vmem>>, vector<1x448x256xf32>
    %get3A_3 = vector.shape_cast %get3A_2 : vector<1x448x256xf32> to vector<448x256xf32>
    %get3A_4 = arith.constant 0 : index
    %get3A_5 = arith.constant 0 : index
    %get3A_6 = arith.constant 0 : index
    %get3A_7 = vector.load %arg3[%get3A_4, %get3A_5, %get3A_6] : memref<1x3136x256xf32, #tpu.memory_space<vmem>>, vector<1x3136x256xf32>
    %get3A_8 = vector.shape_cast %get3A_7 : vector<1x3136x256xf32> to vector<3136x256xf32>
    %get3A_9 = arith.constant 0 : index
    %get3A_10 = arith.constant 0 : index
    %get3A_11 = arith.constant 0 : index
    %get3A_12 = vector.load %arg4[%get3A_9, %get3A_10, %get3A_11] : memref<1x448x1xf32, #tpu.memory_space<vmem>>, vector<1x448x1xf32>
    %get3A_13 = vector.shape_cast %get3A_12 : vector<1x448x1xf32> to vector<448x1xf32>
    %get3A_14 = arith.constant 0 : index
    %get3A_15 = arith.constant 0 : index
    %get3A_16 = arith.constant 0 : index
    %get3A_17 = vector.load %arg5[%get3A_14, %get3A_15, %get3A_16] : memref<1x1x3136xf32, #tpu.memory_space<vmem>>, vector<1x1x3136xf32>
    %get3A_18 = vector.shape_cast %get3A_17 : vector<1x1x3136xf32> to vector<1x3136xf32>
    %dot_general3A = arith.constant dense<0.000000e+00> : vector<448x3136xf32>
    %dot_general3A_19 = tpu.matmul %get3A_3, %get3A_8, %dot_general3A {dimension_numbers = #tpu.dot_dimension_numbers<[1], [1], [0], [0], [0, 0, 1, 0], [], []>, transpose_lhs_hint = false} : vector<448x256xf32>, vector<3136x256xf32>, vector<448x3136xf32> -> vector<448x3136xf32>
    %add3A = vector.broadcast %get3A_13 : vector<448x1xf32> to vector<448x3136xf32>
    %add3A_20 = vector.broadcast %get3A_18 : vector<1x3136xf32> to vector<448x3136xf32>
    %add3A_21 = arith.addf %add3A, %add3A_20 : vector<448x3136xf32>
    %mul3A = arith.constant 2.000000e+00 : f32
    %mul3A_22 = vector.broadcast %mul3A : f32 to vector<448x3136xf32>
    %mul3A_23 = arith.mulf %mul3A_22, %dot_general3A_19 : vector<448x3136xf32>
    %sub3A = arith.subf %add3A_21, %mul3A_23 : vector<448x3136xf32>
    %max3A = arith.constant 0.000000e+00 : f32
    %max3A_24 = vector.broadcast %max3A : f32 to vector<448x3136xf32>
    %max3A_25 = arith.maximumf %sub3A, %max3A_24 : vector<448x3136xf32>
    %sqrt3A = math.sqrt %max3A_25 : vector<448x3136xf32>
    %mul3A_26 = arith.constant 6.250000e-02 : f32
    %mul3A_27 = vector.broadcast %mul3A_26 : f32 to vector<448x3136xf32>
    %mul3A_28 = arith.mulf %sqrt3A, %mul3A_27 : vector<448x3136xf32>
    %get3A_29 = arith.constant 0 : index
    %get3A_30 = arith.constant 0 : index
    %get3A_31 = arith.constant 0 : index
    %get3A_32 = vector.load %arg7[%get3A_29, %get3A_30, %get3A_31] : memref<1x1x3136xf32, #tpu.memory_space<vmem>>, vector<1x1x3136xf32>
    %get3A_33 = vector.shape_cast %get3A_32 : vector<1x1x3136xf32> to vector<1x3136xf32>
    %get3A_34 = arith.constant 0 : index
    %get3A_35 = arith.constant 0 : index
    %get3A_36 = arith.constant 0 : index
    %get3A_37 = vector.load %arg6[%get3A_34, %get3A_35, %get3A_36] : memref<1x448x1xf32, #tpu.memory_space<vmem>>, vector<1x448x1xf32>
    %get3A_38 = vector.shape_cast %get3A_37 : vector<1x448x1xf32> to vector<448x1xf32>
    %gt3A = vector.broadcast %get3A_33 : vector<1x3136xf32> to vector<448x3136xf32>
    %gt3A_39 = vector.broadcast %get3A_38 : vector<448x1xf32> to vector<448x3136xf32>
    %gt3A_40 = arith.cmpf ogt, %gt3A, %gt3A_39 : vector<448x3136xf32>
    %jit3A = arith.constant 0x7F800000 : f32
    %broadcast_in_dim3A = vector.broadcast %jit3A : f32 to vector<448x3136xf32>
    %select_n3A = arith.select %gt3A_40, %mul3A_28, %broadcast_in_dim3A : vector<448x3136xi1>, vector<448x3136xf32>
    %reduce_min3A = arith.constant dense<0x7F800000> : vector<448xf32>
    %reduce_min3A_41 = vector.multi_reduction <minimumf>, %select_n3A, %reduce_min3A [1] : vector<448x3136xf32> to vector<448xf32>
    %broadcast_in_dim3A_42 = vector.shape_cast %reduce_min3A_41 : vector<448xf32> to vector<448x1xf32>
    %swap3A = arith.constant 0 : index
    %swap3A_43 = arith.constant 0 : index
    %swap3A_44 = arith.constant 0 : index
    %swap3A_45 = vector.load %arg8[%swap3A, %swap3A_43, %swap3A_44] : memref<1x448x1xf32, #tpu.memory_space<vmem>>, vector<1x448x1xf32>
    %swap3A_46 = vector.shape_cast %swap3A_45 : vector<1x448x1xf32> to vector<448x1xf32>
    %swap3A_47 = vector.shape_cast %broadcast_in_dim3A_42 : vector<448x1xf32> to vector<1x448x1xf32>
    tpu.vector_store %arg8[%swap3A, %swap3A_43, %swap3A_44], %swap3A_47 {strides = array<i32>} : memref<1x448x1xf32, #tpu.memory_space<vmem>>, vector<1x448x1xf32>,
    %reduce_max3A = arith.constant dense<0xFF800000> : vector<448xf32>
    %reduce_max3A_48 = vector.multi_reduction <maximumf>, %mul3A_28, %reduce_max3A [1] : vector<448x3136xf32> to vector<448xf32>
    %broadcast_in_dim3A_49 = vector.shape_cast %reduce_max3A_48 : vector<448xf32> to vector<448x1xf32>
    %swap3A_50 = arith.constant 0 : index
    %swap3A_51 = arith.constant 0 : index
    %swap3A_52 = arith.constant 0 : index
    %swap3A_53 = vector.load %arg9[%swap3A_50, %swap3A_51, %swap3A_52] : memref<1x448x1xf32, #tpu.memory_space<vmem>>, vector<1x448x1xf32>
    %swap3A_54 = vector.shape_cast %swap3A_53 : vector<1x448x1xf32> to vector<448x1xf32>
    %swap3A_55 = vector.shape_cast %broadcast_in_dim3A_49 : vector<448x1xf32> to vector<1x448x1xf32>
    tpu.vector_store %arg9[%swap3A_50, %swap3A_51, %swap3A_52], %swap3A_55 {strides = array<i32>} : memref<1x448x1xf32, #tpu.memory_space<vmem>>, vector<1x448x1xf32>,
    return
  }
  func.func @transform_0(%arg0: i32, %arg1: i32) -> (i32, i32, i32) {
    %c0_i32 = arith.constant 0 : i32
    %c0_i32_0 = arith.constant 0 : i32
    return %arg0, %arg1, %c0_i32 : i32, i32, i32
  }
  func.func @transform_1(%arg0: i32, %arg1: i32) -> (i32, i32, i32) {
    %c0_i32 = arith.constant 0 : i32
    %c0_i32_0 = arith.constant 0 : i32
    %c0_i32_1 = arith.constant 0 : i32
    return %arg0, %c0_i32, %c0_i32_0 : i32, i32, i32
  }
  func.func @transform_2(%arg0: i32, %arg1: i32) -> (i32, i32, i32) {
    %c0_i32 = arith.constant 0 : i32
    %c0_i32_0 = arith.constant 0 : i32
    return %arg0, %arg1, %c0_i32 : i32, i32, i32
  }
  func.func @transform_3(%arg0: i32, %arg1: i32) -> (i32, i32, i32) {
    %c0_i32 = arith.constant 0 : i32
    %c0_i32_0 = arith.constant 0 : i32
    %c0_i32_1 = arith.constant 0 : i32
    return %arg0, %c0_i32, %c0_i32_0 : i32, i32, i32
  }
  func.func @transform_4(%arg0: i32, %arg1: i32) -> (i32, i32, i32) {
    %c0_i32 = arith.constant 0 : i32
    %c0_i32_0 = arith.constant 0 : i32
    return %arg0, %arg1, %c0_i32 : i32, i32, i32
  }
  func.func @transform_5(%arg0: i32, %arg1: i32) -> (i32, i32, i32) {
    %c0_i32 = arith.constant 0 : i32
    %c0_i32_0 = arith.constant 0 : i32
    %c0_i32_1 = arith.constant 0 : i32
    return %arg0, %c0_i32, %c0_i32_0 : i32, i32, i32
  }
  func.func @transform_6(%arg0: i32, %arg1: i32) -> (i32, i32, i32) {
    %c0_i32 = arith.constant 0 : i32
    %c0_i32_0 = arith.constant 0 : i32
    return %arg0, %arg1, %c0_i32 : i32, i32, i32
  }
  func.func @transform_7(%arg0: i32, %arg1: i32) -> (i32, i32, i32) {
    %c0_i32 = arith.constant 0 : i32
    %c0_i32_0 = arith.constant 0 : i32
    return %arg0, %arg1, %c0_i32 : i32, i32, i32
  }
}

module attributes {stable_mosaic.version = 14 : i64} {
  func.func @_assign_kernel(%arg0: i32, %arg1: i32, %arg2: memref<1x448x256xf32, #tpu.memory_space<vmem>>, %arg3: memref<1x784x256xf32, #tpu.memory_space<vmem>>, %arg4: memref<1x448x1xf32, #tpu.memory_space<vmem>>, %arg5: memref<1x1x784xf32, #tpu.memory_space<vmem>>, %arg6: memref<1x448x1xi32, #tpu.memory_space<vmem>>) attributes {dimension_semantics = [#tpu.dimension_semantics<arbitrary>, #tpu.dimension_semantics<arbitrary>], iteration_bounds = array<i64: 2, 7>, scalar_prefetch = 0 : i64, scratch_operands = 0 : i64, tpu.core_type = #tpu.core_type<tc>, window_params = [{transform_indices = @transform_0, window_bounds = array<i64: 1, 448, 256>}, {transform_indices = @transform_1, window_bounds = array<i64: 1, 784, 256>}, {transform_indices = @transform_2, window_bounds = array<i64: 1, 448, 1>}, {transform_indices = @transform_3, window_bounds = array<i64: 1, 1, 784>}, {transform_indices = @transform_4, window_bounds = array<i64: 1, 448, 1>}]} {
    %get3A = arith.constant 0 : index
    %get3A_0 = arith.constant 0 : index
    %get3A_1 = arith.constant 0 : index
    %get3A_2 = vector.load %arg2[%get3A, %get3A_0, %get3A_1] : memref<1x448x256xf32, #tpu.memory_space<vmem>>, vector<1x448x256xf32>
    %get3A_3 = vector.shape_cast %get3A_2 : vector<1x448x256xf32> to vector<448x256xf32>
    %get3A_4 = arith.constant 0 : index
    %get3A_5 = arith.constant 0 : index
    %get3A_6 = arith.constant 0 : index
    %get3A_7 = vector.load %arg3[%get3A_4, %get3A_5, %get3A_6] : memref<1x784x256xf32, #tpu.memory_space<vmem>>, vector<1x784x256xf32>
    %get3A_8 = vector.shape_cast %get3A_7 : vector<1x784x256xf32> to vector<784x256xf32>
    %get3A_9 = arith.constant 0 : index
    %get3A_10 = arith.constant 0 : index
    %get3A_11 = arith.constant 0 : index
    %get3A_12 = vector.load %arg4[%get3A_9, %get3A_10, %get3A_11] : memref<1x448x1xf32, #tpu.memory_space<vmem>>, vector<1x448x1xf32>
    %get3A_13 = vector.shape_cast %get3A_12 : vector<1x448x1xf32> to vector<448x1xf32>
    %get3A_14 = arith.constant 0 : index
    %get3A_15 = arith.constant 0 : index
    %get3A_16 = arith.constant 0 : index
    %get3A_17 = vector.load %arg5[%get3A_14, %get3A_15, %get3A_16] : memref<1x1x784xf32, #tpu.memory_space<vmem>>, vector<1x1x784xf32>
    %get3A_18 = vector.shape_cast %get3A_17 : vector<1x1x784xf32> to vector<1x784xf32>
    %dot_general3A = arith.constant dense<0.000000e+00> : vector<448x784xf32>
    %dot_general3A_19 = tpu.matmul %get3A_3, %get3A_8, %dot_general3A {dimension_numbers = #tpu.dot_dimension_numbers<[1], [1], [0], [0], [0, 0, 1, 0], [], []>, transpose_lhs_hint = false} : vector<448x256xf32>, vector<784x256xf32>, vector<448x784xf32> -> vector<448x784xf32>
    %add3A = vector.broadcast %get3A_13 : vector<448x1xf32> to vector<448x784xf32>
    %add3A_20 = vector.broadcast %get3A_18 : vector<1x784xf32> to vector<448x784xf32>
    %add3A_21 = arith.addf %add3A, %add3A_20 : vector<448x784xf32>
    %mul3A = arith.constant 2.000000e+00 : f32
    %mul3A_22 = vector.broadcast %mul3A : f32 to vector<448x784xf32>
    %mul3A_23 = arith.mulf %mul3A_22, %dot_general3A_19 : vector<448x784xf32>
    %sub3A = arith.subf %add3A_21, %mul3A_23 : vector<448x784xf32>
    %max3A = arith.constant 0.000000e+00 : f32
    %max3A_24 = vector.broadcast %max3A : f32 to vector<448x784xf32>
    %max3A_25 = arith.maximumf %sub3A, %max3A_24 : vector<448x784xf32>
    %sqrt3A = math.sqrt %max3A_25 : vector<448x784xf32>
    %mul3A_26 = arith.constant 6.250000e-02 : f32
    %mul3A_27 = vector.broadcast %mul3A_26 : f32 to vector<448x784xf32>
    %mul3A_28 = arith.mulf %sqrt3A, %mul3A_27 : vector<448x784xf32>
    %iota3A = tpu.iota {dimensions = array<i32: 1>} : vector<448x784xi32>
    %reduce_min3A = arith.constant dense<0x7F800000> : vector<448xf32>
    %reduce_min3A_29 = vector.multi_reduction <minimumf>, %mul3A_28, %reduce_min3A [1] : vector<448x784xf32> to vector<448xf32>
    %broadcast_in_dim3A = vector.shape_cast %reduce_min3A_29 : vector<448xf32> to vector<448x1xf32>
    %eq3A = vector.broadcast %broadcast_in_dim3A : vector<448x1xf32> to vector<448x784xf32>
    %eq3A_30 = arith.cmpf oeq, %mul3A_28, %eq3A : vector<448x784xf32>
    %jit3A = arith.constant 784 : i32
    %broadcast_in_dim3A_31 = vector.broadcast %jit3A : i32 to vector<448x784xi32>
    %select_n3A = arith.select %eq3A_30, %iota3A, %broadcast_in_dim3A_31 : vector<448x784xi1>, vector<448x784xi32>
    %reduce_min3A_32 = arith.constant dense<2147483647> : vector<448xi32>
    %reduce_min3A_33 = vector.multi_reduction <minsi>, %select_n3A, %reduce_min3A_32 [1] : vector<448x784xi32> to vector<448xi32>
    %broadcast_in_dim3A_34 = vector.shape_cast %reduce_min3A_33 : vector<448xi32> to vector<448x1xi32>
    %swap3A = arith.constant 0 : index
    %swap3A_35 = arith.constant 0 : index
    %swap3A_36 = arith.constant 0 : index
    %swap3A_37 = vector.load %arg6[%swap3A, %swap3A_35, %swap3A_36] : memref<1x448x1xi32, #tpu.memory_space<vmem>>, vector<1x448x1xi32>
    %swap3A_38 = vector.shape_cast %swap3A_37 : vector<1x448x1xi32> to vector<448x1xi32>
    %swap3A_39 = vector.shape_cast %broadcast_in_dim3A_34 : vector<448x1xi32> to vector<1x448x1xi32>
    tpu.vector_store %arg6[%swap3A, %swap3A_35, %swap3A_36], %swap3A_39 {strides = array<i32>} : memref<1x448x1xi32, #tpu.memory_space<vmem>>, vector<1x448x1xi32>,
    return
  }
  func.func @transform_0(%arg0: i32, %arg1: i32) -> (i32, i32, i32) {
    %c0_i32 = arith.constant 0 : i32
    %c0_i32_0 = arith.constant 0 : i32
    return %arg0, %arg1, %c0_i32 : i32, i32, i32
  }
  func.func @transform_1(%arg0: i32, %arg1: i32) -> (i32, i32, i32) {
    %c0_i32 = arith.constant 0 : i32
    %c0_i32_0 = arith.constant 0 : i32
    %c0_i32_1 = arith.constant 0 : i32
    return %arg0, %c0_i32, %c0_i32_0 : i32, i32, i32
  }
  func.func @transform_2(%arg0: i32, %arg1: i32) -> (i32, i32, i32) {
    %c0_i32 = arith.constant 0 : i32
    %c0_i32_0 = arith.constant 0 : i32
    return %arg0, %arg1, %c0_i32 : i32, i32, i32
  }
  func.func @transform_3(%arg0: i32, %arg1: i32) -> (i32, i32, i32) {
    %c0_i32 = arith.constant 0 : i32
    %c0_i32_0 = arith.constant 0 : i32
    %c0_i32_1 = arith.constant 0 : i32
    return %arg0, %c0_i32, %c0_i32_0 : i32, i32, i32
  }
  func.func @transform_4(%arg0: i32, %arg1: i32) -> (i32, i32, i32) {
    %c0_i32 = arith.constant 0 : i32
    %c0_i32_0 = arith.constant 0 : i32
    return %arg0, %arg1, %c0_i32 : i32, i32, i32
  }
}

module attributes {stable_mosaic.version = 14 : i64} {
  func.func @_sums_kernel(%arg0: i32, %arg1: i32, %arg2: memref<1x448x1xi32, #tpu.memory_space<vmem>>, %arg3: memref<1x448x1xf32, #tpu.memory_space<vmem>>, %arg4: memref<1x448x256xf32, #tpu.memory_space<vmem>>, %arg5: memref<1x784x256xf32, #tpu.memory_space<vmem>>, %arg6: memref<1x1x784xf32, #tpu.memory_space<vmem>>) attributes {dimension_semantics = [#tpu.dimension_semantics<arbitrary>, #tpu.dimension_semantics<arbitrary>], iteration_bounds = array<i64: 2, 7>, scalar_prefetch = 0 : i64, scratch_operands = 0 : i64, tpu.core_type = #tpu.core_type<tc>, window_params = [{transform_indices = @transform_0, window_bounds = array<i64: 1, 448, 1>}, {transform_indices = @transform_1, window_bounds = array<i64: 1, 448, 1>}, {transform_indices = @transform_2, window_bounds = array<i64: 1, 448, 256>}, {transform_indices = @transform_3, window_bounds = array<i64: 1, 784, 256>}, {transform_indices = @transform_4, window_bounds = array<i64: 1, 1, 784>}]} {
    %iota3A = tpu.iota {dimensions = array<i32: 1>} : vector<448x784xi32>
    %get3A = arith.constant 0 : index
    %get3A_0 = arith.constant 0 : index
    %get3A_1 = arith.constant 0 : index
    %get3A_2 = vector.load %arg2[%get3A, %get3A_0, %get3A_1] : memref<1x448x1xi32, #tpu.memory_space<vmem>>, vector<1x448x1xi32>
    %get3A_3 = vector.shape_cast %get3A_2 : vector<1x448x1xi32> to vector<448x1xi32>
    %eq3A = vector.broadcast %get3A_3 : vector<448x1xi32> to vector<448x784xi32>
    %eq3A_4 = arith.cmpi eq, %iota3A, %eq3A : vector<448x784xi32>
    %get3A_5 = arith.constant 0 : index
    %get3A_6 = arith.constant 0 : index
    %get3A_7 = arith.constant 0 : index
    %get3A_8 = vector.load %arg3[%get3A_5, %get3A_6, %get3A_7] : memref<1x448x1xf32, #tpu.memory_space<vmem>>, vector<1x448x1xf32>
    %get3A_9 = vector.shape_cast %get3A_8 : vector<1x448x1xf32> to vector<448x1xf32>
    %jit3A = arith.constant 0.000000e+00 : f32
    %broadcast_in_dim3A = vector.shape_cast %get3A_9 : vector<448x1xf32> to vector<448x1xf32>
    %broadcast_in_dim3A_10 = vector.broadcast %broadcast_in_dim3A : vector<448x1xf32> to vector<448x784xf32>
    %broadcast_in_dim3A_11 = vector.broadcast %jit3A : f32 to vector<448x784xf32>
    %select_n3A = arith.select %eq3A_4, %broadcast_in_dim3A_10, %broadcast_in_dim3A_11 : vector<448x784xi1>, vector<448x784xf32>
    %get3A_12 = arith.constant 0 : index
    %get3A_13 = arith.constant 0 : index
    %get3A_14 = arith.constant 0 : index
    %get3A_15 = vector.load %arg4[%get3A_12, %get3A_13, %get3A_14] : memref<1x448x256xf32, #tpu.memory_space<vmem>>, vector<1x448x256xf32>
    %get3A_16 = vector.shape_cast %get3A_15 : vector<1x448x256xf32> to vector<448x256xf32>
    %dot_general3A = arith.constant dense<0.000000e+00> : vector<784x256xf32>
    %dot_general3A_17 = tpu.matmul %select_n3A, %get3A_16, %dot_general3A {dimension_numbers = #tpu.dot_dimension_numbers<[0], [0], [1], [1], [0, 1, 1, 1], [], []>, precision = #tpu.contract_precision<fp32>, transpose_lhs_hint = false} : vector<448x784xf32>, vector<448x256xf32>, vector<784x256xf32> -> vector<784x256xf32>
    %reduce_sum3A = arith.constant dense<0.000000e+00> : vector<784xf32>
    %reduce_sum3A_18 = vector.multi_reduction <add>, %select_n3A, %reduce_sum3A [0] : vector<448x784xf32> to vector<784xf32>
    %broadcast_in_dim3A_19 = vector.shape_cast %reduce_sum3A_18 : vector<784xf32> to vector<1x784xf32>
    %eq3A_20 = arith.constant 0 : i32
    %eq3A_21 = arith.cmpi eq, %arg1, %eq3A_20 : i32
    %convert_element_type3A = arith.extui %eq3A_21 : i1 to i32
    %cond3A = arith.constant 0 : i32
    %cond3A_22 = arith.cmpi ne, %convert_element_type3A, %cond3A : i32
    scf.if %cond3A_22 {
      %swap3A = arith.constant 0 : index
      %swap3A_27 = arith.constant 0 : index
      %swap3A_28 = arith.constant 0 : index
      %swap3A_29 = vector.load %arg5[%swap3A, %swap3A_27, %swap3A_28] : memref<1x784x256xf32, #tpu.memory_space<vmem>>, vector<1x784x256xf32>
      %swap3A_30 = vector.shape_cast %swap3A_29 : vector<1x784x256xf32> to vector<784x256xf32>
      %swap3A_31 = vector.shape_cast %dot_general3A_17 : vector<784x256xf32> to vector<1x784x256xf32>
      tpu.vector_store %arg5[%swap3A, %swap3A_27, %swap3A_28], %swap3A_31 {strides = array<i32>} : memref<1x784x256xf32, #tpu.memory_space<vmem>>, vector<1x784x256xf32>,
      %swap3A_32 = arith.constant 0 : index
      %swap3A_33 = arith.constant 0 : index
      %swap3A_34 = arith.constant 0 : index
      %swap3A_35 = vector.load %arg6[%swap3A_32, %swap3A_33, %swap3A_34] : memref<1x1x784xf32, #tpu.memory_space<vmem>>, vector<1x1x784xf32>
      %swap3A_36 = vector.shape_cast %swap3A_35 : vector<1x1x784xf32> to vector<1x784xf32>
      %swap3A_37 = vector.shape_cast %broadcast_in_dim3A_19 : vector<1x784xf32> to vector<1x1x784xf32>
      tpu.vector_store %arg6[%swap3A_32, %swap3A_33, %swap3A_34], %swap3A_37 {strides = array<i32>} : memref<1x1x784xf32, #tpu.memory_space<vmem>>, vector<1x1x784xf32>,
    } else {
    }
    %gt3A = arith.constant 0 : i32
    %gt3A_23 = arith.cmpi sgt, %arg1, %gt3A : i32
    %convert_element_type3A_24 = arith.extui %gt3A_23 : i1 to i32
    %cond3A_25 = arith.constant 0 : i32
    %cond3A_26 = arith.cmpi ne, %convert_element_type3A_24, %cond3A_25 : i32
    scf.if %cond3A_26 {
      %get3A_27 = arith.constant 0 : index
      %get3A_28 = arith.constant 0 : index
      %get3A_29 = arith.constant 0 : index
      %get3A_30 = vector.load %arg5[%get3A_27, %get3A_28, %get3A_29] : memref<1x784x256xf32, #tpu.memory_space<vmem>>, vector<1x784x256xf32>
      %get3A_31 = vector.shape_cast %get3A_30 : vector<1x784x256xf32> to vector<784x256xf32>
      %add3A = arith.addf %get3A_31, %dot_general3A_17 : vector<784x256xf32>
      %swap3A = arith.constant 0 : index
      %swap3A_32 = arith.constant 0 : index
      %swap3A_33 = arith.constant 0 : index
      %swap3A_34 = vector.load %arg5[%swap3A, %swap3A_32, %swap3A_33] : memref<1x784x256xf32, #tpu.memory_space<vmem>>, vector<1x784x256xf32>
      %swap3A_35 = vector.shape_cast %swap3A_34 : vector<1x784x256xf32> to vector<784x256xf32>
      %swap3A_36 = vector.shape_cast %add3A : vector<784x256xf32> to vector<1x784x256xf32>
      tpu.vector_store %arg5[%swap3A, %swap3A_32, %swap3A_33], %swap3A_36 {strides = array<i32>} : memref<1x784x256xf32, #tpu.memory_space<vmem>>, vector<1x784x256xf32>,
      %get3A_37 = arith.constant 0 : index
      %get3A_38 = arith.constant 0 : index
      %get3A_39 = arith.constant 0 : index
      %get3A_40 = vector.load %arg6[%get3A_37, %get3A_38, %get3A_39] : memref<1x1x784xf32, #tpu.memory_space<vmem>>, vector<1x1x784xf32>
      %get3A_41 = vector.shape_cast %get3A_40 : vector<1x1x784xf32> to vector<1x784xf32>
      %add3A_42 = arith.addf %get3A_41, %broadcast_in_dim3A_19 : vector<1x784xf32>
      %swap3A_43 = arith.constant 0 : index
      %swap3A_44 = arith.constant 0 : index
      %swap3A_45 = arith.constant 0 : index
      %swap3A_46 = vector.load %arg6[%swap3A_43, %swap3A_44, %swap3A_45] : memref<1x1x784xf32, #tpu.memory_space<vmem>>, vector<1x1x784xf32>
      %swap3A_47 = vector.shape_cast %swap3A_46 : vector<1x1x784xf32> to vector<1x784xf32>
      %swap3A_48 = vector.shape_cast %add3A_42 : vector<1x784xf32> to vector<1x1x784xf32>
      tpu.vector_store %arg6[%swap3A_43, %swap3A_44, %swap3A_45], %swap3A_48 {strides = array<i32>} : memref<1x1x784xf32, #tpu.memory_space<vmem>>, vector<1x1x784xf32>,
    } else {
    }
    return
  }
  func.func @transform_0(%arg0: i32, %arg1: i32) -> (i32, i32, i32) {
    %c0_i32 = arith.constant 0 : i32
    %c0_i32_0 = arith.constant 0 : i32
    return %arg0, %arg1, %c0_i32 : i32, i32, i32
  }
  func.func @transform_1(%arg0: i32, %arg1: i32) -> (i32, i32, i32) {
    %c0_i32 = arith.constant 0 : i32
    %c0_i32_0 = arith.constant 0 : i32
    return %arg0, %arg1, %c0_i32 : i32, i32, i32
  }
  func.func @transform_2(%arg0: i32, %arg1: i32) -> (i32, i32, i32) {
    %c0_i32 = arith.constant 0 : i32
    %c0_i32_0 = arith.constant 0 : i32
    return %arg0, %arg1, %c0_i32 : i32, i32, i32
  }
  func.func @transform_3(%arg0: i32, %arg1: i32) -> (i32, i32, i32) {
    %c0_i32 = arith.constant 0 : i32
    %c0_i32_0 = arith.constant 0 : i32
    %c0_i32_1 = arith.constant 0 : i32
    return %arg0, %c0_i32, %c0_i32_0 : i32, i32, i32
  }
  func.func @transform_4(%arg0: i32, %arg1: i32) -> (i32, i32, i32) {
    %c0_i32 = arith.constant 0 : i32
    %c0_i32_0 = arith.constant 0 : i32
    %c0_i32_1 = arith.constant 0 : i32
    return %arg0, %c0_i32, %c0_i32_0 : i32, i32, i32
  }
}

</mosaic_0001>

<sc_bundles>
// kernel: gather_offload_async_start.1
scs
__scs_entry_jumppad:
0x0: {  	(pc) =	sbr.rel $0x88, $3  }
0x1: {  	(tag) =	ssettag $0x0;
	lr =	simm.s32 $0x1  }
0x2: {  	[smem:$0x3F96] =	sst lr;
	_ =	strace $0xD0000000  }
0x3: {  	_ = 	snop  }
0x4: {  	_ = 	snop  }
0x5: {  	_ = 	snop  }
0x6: {  	_ = 	snop  }
0x7: {  	_ = 	snop  }
__scs_overlays_trampoline_lowered:
0x8: {  	[smem:$0x3FA5] =	sst s0  }
0x9: {  	[smem:$0x3FA6] =	sst s1  }
0xa: {  	[smem:$0x3FA7] =	sst s2  }
0xb: {  	[smem:$0x3FA8] =	sst s3  }
0xc: {  	[smem:$0x3FA9] =	sst s4  }
0xd: {  	[smem:$0x3FAA] =	sst s5  }
0xe: {  	[smem:$0x3FAB] =	sst s6  }
0xf: {  	[smem:$0x3FAC] =	sst s7  }
0x10: {  	[smem:$0x3FAD] =	sst s8  }
0x11: {  	[smem:$0x3FAE] =	sst s9;
	s0 =	simm.s32 @!p0 $0x0  }
0x12: {  	s1 =	sld [smem:$0x3F94];
	s0 =	simm.s32 @p0 $0x1  }
0x13: {  	[smem:$0x3FAF] =	sst s0;
	s0 =	simm.s32 @!p1 $0x0  }
0x14: {  	s2 =	sld [smem:$0x3F93];
	s0 =	simm.s32 @p1 $0x1  }
0x15: {  	[smem:$0x3FB0] =	sst s0;
	s0 =	simm.s32 @!p2 $0x0  }
0x16: {  	s3 =	sld [smem:$0x3FDB];
	s0 =	simm.s32 @p2 $0x1  }
0x17: {  	s4 =	simm.s32 $0x1BF5;
	[smem:$0x3FB2] =	sst s0  }
0x18: {  	s0 =	sld [smem:$0x3F95];
	_ =	swait.ge [sflag:s4], $0x0  }
0x19: {  	s7 =	sld [smem:$0x3F96]  }
0x1a: {  	s8 =	sadd.s32 $0xFFFFE003, lr  }
0x1b: {  	s9 =	sadd.s32 $0xFFFFFEF7, lr;
	s5 =	simm.s32 $0xFFFFFFFF;
	p2 =	slt.u32 s8, $0xFFFFF086  }
0x1c: {  	p1 =	slt.u32 s9, $0xF7A;
	s5 =	simm.s32 @!p2 $0x0  }
0x1d: {  	s5 =	simm.s32 @p1 $0x1;
	p0 =	seq.s32 s7, s2  }
0x1e: {  	s7 =	smul.u32 @!p0 $0xF7A, s2;
	p2 =	seq.s32 @!p0 s5, $0x0  }
0x1f: {  	s9 =	smul.u32 $0xF7A, s1;
	s8 =	simm.s32 @!p0 $0x1BF5;
	p2 =	por !p2, p0  }
0x20: {  	[sflag:s8] =	ssyncset.s32 @!p0 $0xFFFFF086;
	s6 =	sadd.s32 @!p0 s3, s7;
	s7 =	simm.s32 @!p0 $0x108  }
0x21: {  	s3 =	sadd.s32 s3, s9;
	s6 =	sadd.s32 @!p0 $0x88, s6;
	s7 =	simm.s32 @p2 $0x1082  }
0x22: {  	[simem:s7], [sflag:s8] =	dma.local @!p0 [hbm:s6], $0xF7A  }
0x23: {  	s9 =	sor.u32 $0xD0000000, s2;
	s6 =	simm.s32 $0x108;
	_ =	swait.ge @!p0 [sflag:s8], $0x0  }
0x24: {  	s3 =	sadd.s32 $0x88, s3;
	s6 =	simm.s32 @!p1 $0x1082;
	[sflag:s4] =	ssyncset.s32 $0xFFFFF086  }
0x25: {  	[simem:s6], [sflag:s4] =	dma.local [hbm:s3], $0xF7A  }
0x26: {  	[smem:$0x3F96] =	sst s1;
	(tag) =	ssettag s2;
	_ =	strace s9  }
0x27: {  	s1 =	sld [smem:$0x3FA6]  }
0x28: {  	s2 =	sld [smem:$0x3FA7]  }
0x29: {  	s4 =	sld [smem:$0x3FA9]  }
0x2a: {  	p0 =	seq.s32 s5, $0x0;
	s5 =	sld [smem:$0x3FAA]  }
0x2b: {  	s6 =	sld [smem:$0x3FAB]  }
0x2c: {  	s7 =	sld [smem:$0x3FAC]  }
0x2d: {  	s3 =	simm.s32 $0x108;
	s8 =	sld [smem:$0x3FAD]  }
0x2e: {  	s3 =	simm.s32 @!p0 $0x1082;
	s9 =	sld [smem:$0x3FAE]  }
0x2f: {  	lr =	sadd.s32 s0, s3;
	s0 =	sld [smem:$0x3FA5]  }
0x30: {  	s3 =	sld [smem:$0x3FA8]  }
0x31: {  	[smem:$0x3FB1] =	sst s10  }
0x32: {  	s10 =	sld [smem:$0x3FAF];
	_ =	sdelay $0x3  }
0x33: {  	p0 =	seq.s32 s10, $0x1;
	s10 =	sld [smem:$0x3FB1];
	_ =	sdelay $0x3  }
0x34: {  	[smem:$0x3FB1] =	sst s10  }
0x35: {  	s10 =	sld [smem:$0x3FB0];
	_ =	sdelay $0x3  }
0x36: {  	p1 =	seq.s32 s10, $0x1;
	s10 =	sld [smem:$0x3FB1];
	_ =	sdelay $0x3  }
0x37: {  	[smem:$0x3FB1] =	sst s10  }
0x38: {  	s10 =	sld [smem:$0x3FB2]  }
0x39: {  	_ = 	snop;
	(pc) =	sbr.ind lr, $3  }
0x3a: {  	_ = 	snop  }
0x3b: {  	_ = 	snop  }
0x3c: {  	p2 =	seq.s32 s10, $0x1;
	s10 =	sld [smem:$0x3FB1]  }
0x3d: {  	_ =	shalt  }
0x3e: {  	_ =	shalt  }
0x3f: {  	_ =	shalt  }
0x40: {  	_ =	shalt  }
0x41: {  	_ =	shalt  }
0x42: {  	_ =	shalt  }
0x43: {  	_ =	shalt  }
0x44: {  	_ =	shalt  }
0x45: {  	_ =	shalt  }
0x46: {  	_ =	shalt  }
0x47: {  	_ =	shalt  }
0x48: {  	_ =	shalt  }
0x49: {  	_ =	shalt  }
0x4a: {  	_ =	shalt  }
0x4b: {  	_ =	shalt  }
0x4c: {  	_ =	shalt  }
0x4d: {  	_ =	shalt  }
0x4e: {  	_ =	shalt  }
0x4f: {  	_ =	shalt  }
0x50: {  	_ =	shalt  }
0x51: {  	_ =	shalt  }
0x52: {  	_ =	shalt  }
0x53: {  	_ =	shalt  }
0x54: {  	_ =	shalt  }
0x55: {  	_ =	shalt  }
0x56: {  	_ =	shalt  }
0x57: {  	_ =	shalt  }
0x58: {  	_ =	shalt  }
0x59: {  	_ =	shalt  }
0x5a: {  	_ =	shalt  }
0x5b: {  	_ =	shalt  }
0x5c: {  	_ =	shalt  }
0x5d: {  	_ =	shalt  }
0x5e: {  	_ =	shalt  }
0x5f: {  	_ =	shalt  }
0x60: {  	_ =	shalt  }
0x61: {  	_ =	shalt  }
0x62: {  	_ =	shalt  }
0x63: {  	_ =	shalt  }
0x64: {  	_ =	shalt  }
0x65: {  	_ =	shalt  }
0x66: {  	_ =	shalt  }
0x67: {  	_ =	shalt  }
0x68: {  	_ =	shalt  }
0x69: {  	_ =	shalt  }
0x6a: {  	_ =	shalt  }
0x6b: {  	_ =	shalt  }
0x6c: {  	_ =	shalt  }
0x6d: {  	_ =	shalt  }
0x6e: {  	_ =	shalt  }
0x6f: {  	_ =	shalt  }
0x70: {  	_ =	shalt  }
0x71: {  	_ =	shalt  }
0x72: {  	_ =	shalt  }
0x73: {  	_ =	shalt  }
0x74: {  	_ =	shalt  }
0x75: {  	_ =	shalt  }
0x76: {  	_ =	shalt  }
0x77: {  	_ =	shalt  }
0x78: {  	_ =	shalt  }
0x79: {  	_ =	shalt  }
0x7a: {  	_ =	shalt  }
0x7b: {  	_ =	shalt  }
0x7c: {  	_ =	shalt  }
0x7d: {  	_ =	shalt  }
0x7e: {  	_ =	shalt  }
0x7f: {  	_ =	shalt  }
0x80: {  	_ =	shalt  }
0x81: {  	_ =	shalt  }
0x82: {  	_ =	shalt  }
0x83: {  	_ =	shalt  }
0x84: {  	_ =	shalt  }
0x85: {  	_ =	shalt  }
0x86: {  	_ =	shalt  }
0x87: {  	_ =	shalt  }
.Lfunc_end0:
.L_simem_size_0:
called_computation.3_lowered:
.L_overlay_start_0:
0x88: {  	s2 =	sld [smem:$0x3FD9]  }
0x89: {  	s3 =	sld [smem:$0x3FFE];
	_ =	sdelay $0x1  }
0x8a: {  	s1 =	srdreg.scid  }
0x8b: {  	s0 =	sand.u32 $0x1, s1  }
0x8c: {  	s14 =	sshll.u32 s0, $0xA;
	s2 =	sadd.s32 s3, s2  }
0x8d: {  	s2 =	sadd.s32 s2, s14  }
0x8e: {  	[smem:$0x3FBD] =	sst s2  }
0x8f: {  	_ = 	snop  }
0x90: {  	s2 =	sld [smem:$0x3FD0];
	_ =	sdelay $0x2  }
0x91: {  	s15 =	simm.s32 $0xB;
	s4 =	simm.s32 $0x10  }
0x92: {  	[smem:s4], [sflag:s15] =	dma.local [hbm:s2], $0x1  }
0x93: {  	_ =	swait.eq [sflag:s15], $0x1  }
0x94: {  	[sflag:s15] =	ssyncset.done $0x0  }
0x95: {  	s16 =	sld [smem:$0x11];
	[sflag:s15] =	ssyncadd.s32 $0xFFFFFFFF  }
0x96: {  	s17 =	sld [smem:$0x12];
	(tm) =	ssettm $0x1  }
0x97: {  	s18 =	sld [smem:$0x3FFB];
	_ =	sdelay $0x3  }
0x98: {  	_ =	strace s18  }
0x99: {  	s4 =	sld [smem:$0x3FFC];
	_ =	sdelay $0x3  }
0x9a: {  	_ =	strace s4  }
0x9b: {  	s4 =	sld [smem:$0x3FFD];
	_ =	sdelay $0x3  }
0x9c: {  	_ =	strace s4  }
0x9d: {  	_ =	strace $0x8FFFFFFF  }
0x9e: {  	s19 =	sld [smem:$0x3FDB];
	_ =	sdelay $0x1  }
0x9f: {  	s5 =	simm.s32 $_scs_section_size  }
0xa0: {  	s6 =	simm.s32 $_size__tile_overlayer_lowered;
	s7 =	simm.s32 $_tile_overlayer_lowered  }
0xa1: {  	s22 =	simm.s32 $0x1BFF;
	s21 =	sshll.u32 s7, $0x1;
	s4 =	sadd.s32 s5, s19  }
0xa2: {  	s8 =	simm.s32 $0x0;
	s20 =	sshll.u32 s6, $0x1;
	s6 =	sadd.s32 s21, s4  }
0xa3: {  	[timem:s8], [sflag:s22] =	dma.local [hbm:s6], s20  }
0xa4: {  	_ =	swait.ge [sflag:s22], s20  }
0xa5: {  	s5 =	ssub.s32 $0x0, s20;
	[sflag:s22] =	ssyncset.done $0x0  }
0xa6: {  	[sflag:s22] =	ssyncadd.s32 s5;
	_ =	sdelay $0x1  }
0xa7: {  	s23 =	simm.s32 $0x1B8B  }
0xa8: {  	_ =	swait.ge [sflag:s23], $0x1  }
0xa9: {  	[sflag:s23] =	ssyncset.done $0x0  }
0xaa: {  	s25 =	simm.s32 $0x1B8E;
	s24 =	sld [smem:$0x3FFE];
	[sflag:s23] =	ssyncadd.s32 $0xFFFFFFFF  }
0xab: {  	s26 =	simm.s32 $execute0_lowered;
	[smem:$0x3FD2] =	sst s25  }
0xac: {  	s6 =	sshll.u32 s26, $0x1;
	_ =	strace $0x8000004C;
	[dreg:$0x1] =	wrdreg $0xFFFFFFFF  }
0xad: {  	s28 =	simm.s32 $_size_execute0_lowered;
	s4 =	sadd.s32 s4, s6;
	[dreg:$0x0] =	wrdreg $0x0  }
0xae: {  	s6 =	sshll.u32 s28, $0x1;
	[dreg:$0x2] =	wrdreg s4  }
0xaf: {  	[dreg:$0x3] =	wrdreg s6  }
0xb0: {  	[dreg:$0x4] =	wrdreg $0xC0  }
0xb1: {  	_ =	task [dreg:s8], $0x5FFFF  }
0xb2: {  	[dreg:$0x1] =	wrdreg $0xFFFFFFFF  }
0xb3: {  	[dreg:$0x0] =	wrdreg $0x60  }
0xb4: {  	[dreg:$0x2] =	wrdreg s16  }
0xb5: {  	[dreg:$0x3] =	wrdreg s17  }
0xb6: {  	[dreg:$0x4] =	wrdreg s24  }
0xb7: {  	[dreg:$0x5] =	wrdreg $0xA  }
0xb8: {  	_ =	task.clear_ibuf [dreg:s8], $0x6FFFF;
	_ =	strace $0x9000004C  }
0xb9: {  	s29 =	simm.s32 $0xA;
	_ =	strace $0x8000004E  }
0xba: {  	_ =	swait.ge [sflag:s29], $0x1  }
0xbb: {  	[sflag:s29] =	ssyncadd.s32 $0xFFFFFFFF  }
0xbc: {  	_ =	strace $0x9000004E  }
0xbd: {  	_ =	sfence  }
0xbe: {  	s30 =	sld [smem:$0x0];
	_ =	sdelay $0x2  }
0xbf: {  	s31 =	sshll.u32 s1, $0xD;
	s1 =	sshrl.u32 s1, $0x2  }
0xc0: {  	s3 =	sand.u32 $0x4000, s31;
	s1 =	sadd.s32 s1, s30  }
0xc1: {  	s0 =	sor.u32 s3, s0;
	s1 =	sshll.u32 s1, $0x11  }
0xc2: {  	s0 =	sor.u32 s1, s0  }
0xc3: {  	s0 =	sadd.s32 $0x8F2B, s0  }
0xc4: {  	[sflag:s0] =	ssyncadd.remote.s32 $0x1  }
0xc5: {  	_ =	sfence.sel $0xFFFF  }
0xc6: {  	[dreg:$0x0] =	wrdreg $0xFFFFFFFF;
	(pc) =	sbr.abs _section_cstart, $3  }
0xc7: {  	[dreg:$0x1] =	wrdreg $0xFFFFFFFF  }
0xc8: {  	_ =	task.clear_ibuf [dreg:s8], $0x2FFFF;
	_ =	strace $0x9FFFFFFF  }
0xc9: {  	(tm) =	ssettm $0x7FFFFFFF  }
tec
execute0_lowered:
.L_overlay_start_1:
0x0: {  	(tag) =	ssettag $0x1  }
0x1: {  	s1 =	srdreg.scid;
	s2 =	rddreg [dreg:$0x0]  }
0x2: {  	s0 =	stileid.u32;
	s3 =	rddreg [dreg:$0x1];
	s1 =	sshll.u32 s1, $0x4  }
0x3: {  	s6 =	rddreg [dreg:$0x2];
	s4 =	sshll.u32 s0, $0x5;
	s1 =	sand.u32 $0x10, s1  }
0x4: {  	s7 =	simm.s32 $0x1;
	s30 =	simm.s32 $0x2;
	s4 =	sor.u32 s4, s1  }
0x5: {  	s31 =	simm.s32 $0x3;
	s11 =	simm.s32 $0x0;
	s5 =	ssub.s32 $0x620, s4  }
0x6: {  	s9 =	simm.s32 $0x0;
	s6 =	sadd.s32 $0x31000, s6;
	s8 =	sand.u32 $0x1F0, s5  }
0x7: {  	s1 =	rddreg [dreg:$0x3];
	_ =	strace $0x8000004D;
	p0 =	sne.s32 s8, $0x0  }
0x8: {  	[sflag:s7] =	ssyncpa.u1 $0x0;
	s5 =	sshrl.u32 s5, $0x9;
	s7 =	simm.s32 @!p0 $0x0  }
0x9: {  	s10 =	smov.u32 s4;
	[sflag:s30] =	ssyncpa.u1 $0x0;
	s5 =	sadd.s32 s7, s5  }
0xa: {  	[sflag:s31] =	ssyncpa.u1 $0x0;
	s8 =	simm.s32 $0x0;
	s7 =	sadd.s32 $0x1, s5  }
.LBB2_1:
0xb: {  	p0 =	sge.u32 s9, s5  }
0xc: {  	s31 =	sadd.s32 $0xFFFFFFFF, s9;
	s12 =	sxor.u32 @!p0 $0xFFFFFFFF, s8;
	s13 =	sshrl.u32 @!p0 s10, $0x3  }
0xd: {  	s14 =	sand.u32 @!p0 $0x7, s10;
	s12 =	sand.u32 @!p0 $0x10, s12;
	s13 =	sadd.s32 @!p0 s3, s13  }
0xe: {  	[tilespmem:s12], [sflag:$0x2] =	stream.linear.gather @!p0 [hbm4b:s13+s14], $0x10, $0x38;
	[tilespmem:$0x40] =	vst v63  }
0xf: {  	p0 =	sge.u32 s31, s5  }
0x10: {  	s12 =	simm.s32 @!p0 $0x2  }
0x11: {  	_ =	swait.ge @!p0 [sflag:s12], $0x10  }
0x12: {  	[sflag:s12] =	ssyncset.done @!p0 $0x0  }
0x13: {  	[sflag:s12] =	ssyncadd.s32 @!p0 $0xFFFFFFF0;
	s12 =	sand.u32 @!p0 $0x10, s8  }
0x14: {  	(ifvalue) =	ssetifvalue @!p0 $0x7FFFFFFF;
	v0 =	vld.msk @!p0 [tilespmem:s12+$0x0 ss:$0x1], $0xffff;
	_ =	sdelay $0x4  }
0x15: {  	vm0 =	veq.s32 @!p0 v0, $0x80000000;
	v1 =	vand.u32 @!p0 $0x1, v0;
	v0 =	vshrl.u32 @!p0 v0, $0x1  }
0x16: {  	v1 =	vsel @!p0 vm0, $0xFFFFFFFF, v1;
	v0 =	vand.u32 @!p0 $0xFFF, v0  }
0x17: {  	v0 =	vsel @!p0 vm0, $0xFFFFFFFF, v0;
	v2 =	vshrl.u32 @!p0 v1, $0x1  }
0x18: {  	v2 =	vmul.u32 @!p0 $0x1900, v2;
	v3 =	vshll.u32 @!p0 v0, $0x1  }
0x19: {  	v1 =	vshll.u32 @!p0 v1, $0x7;
	v3 =	vand.u32 @!p0 $0xFFFFFF00, v3  }
0x1a: {  	v1 =	vand.u32 @!p0 $0x80, v1;
	v2 =	vadd.s32 @!p0 v2, v3  }
0x1b: {  	v0 =	vand.u32 @!p0 $0x7F, v0;
	v1 =	vor.u32 @!p0 v1, v2  }
0x1c: {  	v0 =	vor.u32 @!p0 v0, v1;
	_ =	sdelay $0x3  }
0x1d: {  	s13 =	simm.s32 @!p0 $0x0;
	s12 =	sor.u32 @!p0 $0x20, s12;
	(ifvalue) =	ssetifvalue @!p0 $0x7FFFFFFF;
	vm0 =	vmmov @!p0 $0xffff  }
0x1e: {  	[tilespmem:s12], [sflag:$0x1] =	stream.indirect_vreg.gather @!p0 [hbm4b:s2+s13], $0x1, v0, vm0, $0x4038;
	[tilespmem:$0x40] =	vst v63  }
0x1f: {  	s13 =	simm.s32 @!p0 $0x1  }
0x20: {  	_ =	swait.ge @!p0 [sflag:s13], $0x10  }
0x21: {  	s14 =	sshrl.u32 @!p0 s11, $0x3;
	[sflag:s13] =	ssyncset.done @!p0 $0x0  }
0x22: {  	s11 =	sand.u32 @!p0 $0x7, s11;
	[sflag:s13] =	ssyncadd.s32 @!p0 $0xFFFFFFF0;
	s13 =	sadd.s32 @!p0 s6, s14  }
0x23: {  	[hbm4b:s13+s11] =	stream.linear.scatter @!p0 [tilespmem:s12], [sflag:$0x3], $0x10, $0x38;
	[tilespmem:$0x40] =	vst v63  }
0x24: {  	s13 =	sadd.s32 $0x200, s10  }
0x25: {  	p1 =	sgt.s32 s13, $0x61F  }
0x26: {  	s13 =	smov.u32 @p1 s4;
	p1 =	sne.s32 s9, s7  }
.Ltmp0:
0x27: {  	p0 =	slt.u32 s9, $0x2;
	(pc) =	sbr.rel @p1 .LBB2_1-.Ltmp0, $4  }
0x28: {  	s12 =	simm.s32 @!p0 $0x3  }
0x29: {  	_ =	swait.ge @!p0 [sflag:s12], $0x10  }
0x2a: {  	s8 =	sadd.s32 $0x10, s8;
	s11 =	smov.u32 s10;
	[sflag:s12] =	ssyncset.done @!p0 $0x0  }
0x2b: {  	s9 =	sadd.s32 $0x1, s9;
	s10 =	smov.u32 s13;
	[sflag:s12] =	ssyncadd.s32 @!p0 $0xFFFFFFF0  }
0x2c: {  	_ =	sfence.sel $0x180000  }
0x2d: {  	s2 =	simm.s32 $0x2;
	[bflag:$0x0] =	sbarrier.arrive $0xFFFF  }
0x2e: {  	s30 =	simm.s32 $0x3;
	[sflag:s2] =	ssyncpa.u1 $0x1  }
0x2f: {  	s31 =	simm.s32 $0x1;
	[sflag:s30] =	ssyncpa.u1 $0x1  }
0x30: {  	[sflag:s31] =	ssyncpa.u1 $0x1  }
0x31: {  	p0 =	sne.s32 s0, $0x0;
	_ =	strace $0x9000004D  }
0x32: {  	s0 =	sadd.s32 @!p0 $0x100000, s1;
	[bflag:$0x2] =	sbarrier.arrive $0xFFFF  }
0x33: {  	[sflag:s0] =	ssyncadd.tile.s32 @!p0 $0x1;
	_ =	shalt  }
.Lfunc_end2:
_tile_overlayer_lowered:
.L_overlay_start_2:
0x34: {  	(tag) =	ssettag $0x2  }
0x35: {  	s0 =	rddreg [dreg:$0x0];
	s2 =	stileid.u32  }
0x36: {  	s1 =	rddreg [dreg:$0x1];
	p0 =	sne.s32 s2, $0x0  }
0x37: {  	s3 =	rddreg [dreg:$0x2];
	[bflag:$0x3] =	sbarrier.arrive $0xFFFF;
	s2 =	simm.s32 @!p0 $0x1C01  }
0x38: {  	[timem:s3], [sflag:s2] =	dma.local @!p0 [hbm:s0], s1  }
0x39: {  	s0 =	simm.s32 @!p0 $0x1  }
0x3a: {  	_ =	swait.ge @!p0 [sflag:s0], s1  }
0x3b: {  	s1 =	ssub.s32 @!p0 $0x0, s1;
	[sflag:s0] =	ssyncset.done @!p0 $0x0  }
0x3c: {  	[sflag:s0] =	ssyncadd.s32 @!p0 s1  }
0x3d: {  	[bflag:$0x3] =	sbarrier.arrive $0xFFFF  }
0x3e: {  	_ =	shalt  }

// kernel: gather_offload_async_start
scs
__scs_entry_jumppad:
0x0: {  	(pc) =	sbr.rel $0x88, $3  }
0x1: {  	(tag) =	ssettag $0x0;
	lr =	simm.s32 $0x1  }
0x2: {  	[smem:$0x3F96] =	sst lr;
	_ =	strace $0xD0000000  }
0x3: {  	_ = 	snop  }
0x4: {  	_ = 	snop  }
0x5: {  	_ = 	snop  }
0x6: {  	_ = 	snop  }
0x7: {  	_ = 	snop  }
__scs_overlays_trampoline_lowered:
0x8: {  	[smem:$0x3FA5] =	sst s0  }
0x9: {  	[smem:$0x3FA6] =	sst s1  }
0xa: {  	[smem:$0x3FA7] =	sst s2  }
0xb: {  	[smem:$0x3FA8] =	sst s3  }
0xc: {  	[smem:$0x3FA9] =	sst s4  }
0xd: {  	[smem:$0x3FAA] =	sst s5  }
0xe: {  	[smem:$0x3FAB] =	sst s6  }
0xf: {  	[smem:$0x3FAC] =	sst s7  }
0x10: {  	[smem:$0x3FAD] =	sst s8  }
0x11: {  	[smem:$0x3FAE] =	sst s9;
	s0 =	simm.s32 @!p0 $0x0  }
0x12: {  	s1 =	sld [smem:$0x3F94];
	s0 =	simm.s32 @p0 $0x1  }
0x13: {  	[smem:$0x3FAF] =	sst s0;
	s0 =	simm.s32 @!p1 $0x0  }
0x14: {  	s2 =	sld [smem:$0x3F93];
	s0 =	simm.s32 @p1 $0x1  }
0x15: {  	[smem:$0x3FB0] =	sst s0;
	s0 =	simm.s32 @!p2 $0x0  }
0x16: {  	s3 =	sld [smem:$0x3FDB];
	s0 =	simm.s32 @p2 $0x1  }
0x17: {  	s4 =	simm.s32 $0x1BF5;
	[smem:$0x3FB2] =	sst s0  }
0x18: {  	s0 =	sld [smem:$0x3F95];
	_ =	swait.ge [sflag:s4], $0x0  }
0x19: {  	s7 =	sld [smem:$0x3F96]  }
0x1a: {  	s8 =	sadd.s32 $0xFFFFE003, lr  }
0x1b: {  	s9 =	sadd.s32 $0xFFFFFEF7, lr;
	s5 =	simm.s32 $0xFFFFFFFF;
	p2 =	slt.u32 s8, $0xFFFFF086  }
0x1c: {  	p1 =	slt.u32 s9, $0xF7A;
	s5 =	simm.s32 @!p2 $0x0  }
0x1d: {  	s5 =	simm.s32 @p1 $0x1;
	p0 =	seq.s32 s7, s2  }
0x1e: {  	s7 =	smul.u32 @!p0 $0xF7A, s2;
	p2 =	seq.s32 @!p0 s5, $0x0  }
0x1f: {  	s9 =	smul.u32 $0xF7A, s1;
	s8 =	simm.s32 @!p0 $0x1BF5;
	p2 =	por !p2, p0  }
0x20: {  	[sflag:s8] =	ssyncset.s32 @!p0 $0xFFFFF086;
	s6 =	sadd.s32 @!p0 s3, s7;
	s7 =	simm.s32 @!p0 $0x108  }
0x21: {  	s3 =	sadd.s32 s3, s9;
	s6 =	sadd.s32 @!p0 $0x88, s6;
	s7 =	simm.s32 @p2 $0x1082  }
0x22: {  	[simem:s7], [sflag:s8] =	dma.local @!p0 [hbm:s6], $0xF7A  }
0x23: {  	s9 =	sor.u32 $0xD0000000, s2;
	s6 =	simm.s32 $0x108;
	_ =	swait.ge @!p0 [sflag:s8], $0x0  }
0x24: {  	s3 =	sadd.s32 $0x88, s3;
	s6 =	simm.s32 @!p1 $0x1082;
	[sflag:s4] =	ssyncset.s32 $0xFFFFF086  }
0x25: {  	[simem:s6], [sflag:s4] =	dma.local [hbm:s3], $0xF7A  }
0x26: {  	[smem:$0x3F96] =	sst s1;
	(tag) =	ssettag s2;
	_ =	strace s9  }
0x27: {  	s1 =	sld [smem:$0x3FA6]  }
0x28: {  	s2 =	sld [smem:$0x3FA7]  }
0x29: {  	s4 =	sld [smem:$0x3FA9]  }
0x2a: {  	p0 =	seq.s32 s5, $0x0;
	s5 =	sld [smem:$0x3FAA]  }
0x2b: {  	s6 =	sld [smem:$0x3FAB]  }
0x2c: {  	s7 =	sld [smem:$0x3FAC]  }
0x2d: {  	s3 =	simm.s32 $0x108;
	s8 =	sld [smem:$0x3FAD]  }
0x2e: {  	s3 =	simm.s32 @!p0 $0x1082;
	s9 =	sld [smem:$0x3FAE]  }
0x2f: {  	lr =	sadd.s32 s0, s3;
	s0 =	sld [smem:$0x3FA5]  }
0x30: {  	s3 =	sld [smem:$0x3FA8]  }
0x31: {  	[smem:$0x3FB1] =	sst s10  }
0x32: {  	s10 =	sld [smem:$0x3FAF];
	_ =	sdelay $0x3  }
0x33: {  	p0 =	seq.s32 s10, $0x1;
	s10 =	sld [smem:$0x3FB1];
	_ =	sdelay $0x3  }
0x34: {  	[smem:$0x3FB1] =	sst s10  }
0x35: {  	s10 =	sld [smem:$0x3FB0];
	_ =	sdelay $0x3  }
0x36: {  	p1 =	seq.s32 s10, $0x1;
	s10 =	sld [smem:$0x3FB1];
	_ =	sdelay $0x3  }
0x37: {  	[smem:$0x3FB1] =	sst s10  }
0x38: {  	s10 =	sld [smem:$0x3FB2]  }
0x39: {  	_ = 	snop;
	(pc) =	sbr.ind lr, $3  }
0x3a: {  	_ = 	snop  }
0x3b: {  	_ = 	snop  }
0x3c: {  	p2 =	seq.s32 s10, $0x1;
	s10 =	sld [smem:$0x3FB1]  }
0x3d: {  	_ =	shalt  }
0x3e: {  	_ =	shalt  }
0x3f: {  	_ =	shalt  }
0x40: {  	_ =	shalt  }
0x41: {  	_ =	shalt  }
0x42: {  	_ =	shalt  }
0x43: {  	_ =	shalt  }
0x44: {  	_ =	shalt  }
0x45: {  	_ =	shalt  }
0x46: {  	_ =	shalt  }
0x47: {  	_ =	shalt  }
0x48: {  	_ =	shalt  }
0x49: {  	_ =	shalt  }
0x4a: {  	_ =	shalt  }
0x4b: {  	_ =	shalt  }
0x4c: {  	_ =	shalt  }
0x4d: {  	_ =	shalt  }
0x4e: {  	_ =	shalt  }
0x4f: {  	_ =	shalt  }
0x50: {  	_ =	shalt  }
0x51: {  	_ =	shalt  }
0x52: {  	_ =	shalt  }
0x53: {  	_ =	shalt  }
0x54: {  	_ =	shalt  }
0x55: {  	_ =	shalt  }
0x56: {  	_ =	shalt  }
0x57: {  	_ =	shalt  }
0x58: {  	_ =	shalt  }
0x59: {  	_ =	shalt  }
0x5a: {  	_ =	shalt  }
0x5b: {  	_ =	shalt  }
0x5c: {  	_ =	shalt  }
0x5d: {  	_ =	shalt  }
0x5e: {  	_ =	shalt  }
0x5f: {  	_ =	shalt  }
0x60: {  	_ =	shalt  }
0x61: {  	_ =	shalt  }
0x62: {  	_ =	shalt  }
0x63: {  	_ =	shalt  }
0x64: {  	_ =	shalt  }
0x65: {  	_ =	shalt  }
0x66: {  	_ =	shalt  }
0x67: {  	_ =	shalt  }
0x68: {  	_ =	shalt  }
0x69: {  	_ =	shalt  }
0x6a: {  	_ =	shalt  }
0x6b: {  	_ =	shalt  }
0x6c: {  	_ =	shalt  }
0x6d: {  	_ =	shalt  }
0x6e: {  	_ =	shalt  }
0x6f: {  	_ =	shalt  }
0x70: {  	_ =	shalt  }
0x71: {  	_ =	shalt  }
0x72: {  	_ =	shalt  }
0x73: {  	_ =	shalt  }
0x74: {  	_ =	shalt  }
0x75: {  	_ =	shalt  }
0x76: {  	_ =	shalt  }
0x77: {  	_ =	shalt  }
0x78: {  	_ =	shalt  }
0x79: {  	_ =	shalt  }
0x7a: {  	_ =	shalt  }
0x7b: {  	_ =	shalt  }
0x7c: {  	_ =	shalt  }
0x7d: {  	_ =	shalt  }
0x7e: {  	_ =	shalt  }
0x7f: {  	_ =	shalt  }
0x80: {  	_ =	shalt  }
0x81: {  	_ =	shalt  }
0x82: {  	_ =	shalt  }
0x83: {  	_ =	shalt  }
0x84: {  	_ =	shalt  }
0x85: {  	_ =	shalt  }
0x86: {  	_ =	shalt  }
0x87: {  	_ =	shalt  }
.Lfunc_end0:
.L_simem_size_0:
called_computation.2_lowered:
.L_overlay_start_0:
0x88: {  	s2 =	sld [smem:$0x3FD9]  }
0x89: {  	s3 =	sld [smem:$0x3FFE];
	_ =	sdelay $0x1  }
0x8a: {  	s1 =	srdreg.scid  }
0x8b: {  	s0 =	sand.u32 $0x1, s1  }
0x8c: {  	s15 =	sshll.u32 s0, $0xA;
	s2 =	sadd.s32 s3, s2  }
0x8d: {  	s2 =	sadd.s32 s2, s15  }
0x8e: {  	[smem:$0x3FBD] =	sst s2  }
0x8f: {  	_ = 	snop  }
0x90: {  	s2 =	sld [smem:$0x3FD0];
	_ =	sdelay $0x2  }
0x91: {  	s4 =	simm.s32 $0xB;
	s16 =	simm.s32 $0x10  }
0x92: {  	[smem:s16], [sflag:s4] =	dma.local [hbm:s2], $0x1  }
0x93: {  	_ =	swait.eq [sflag:s4], $0x1  }
0x94: {  	[sflag:s4] =	ssyncset.done $0x0  }
0x95: {  	s17 =	sld [smem:$0x10];
	[sflag:s4] =	ssyncadd.s32 $0xFFFFFFFF  }
0x96: {  	s18 =	sld [smem:$0x12];
	(tm) =	ssettm $0x1  }
0x97: {  	s19 =	sld [smem:$0x3FFB];
	_ =	sdelay $0x3  }
0x98: {  	_ =	strace s19  }
0x99: {  	s2 =	sld [smem:$0x3FFC];
	_ =	sdelay $0x3  }
0x9a: {  	_ =	strace s2  }
0x9b: {  	s2 =	sld [smem:$0x3FFD];
	_ =	sdelay $0x3  }
0x9c: {  	_ =	strace s2  }
0x9d: {  	_ =	strace $0x8FFFFFFF  }
0x9e: {  	s20 =	sld [smem:$0x3FDB];
	_ =	sdelay $0x1  }
0x9f: {  	s5 =	simm.s32 $_scs_section_size  }
0xa0: {  	s6 =	simm.s32 $_size__tile_overlayer_lowered;
	s7 =	simm.s32 $_tile_overlayer_lowered  }
0xa1: {  	s8 =	simm.s32 $0x1BFF;
	s21 =	sshll.u32 s7, $0x1;
	s5 =	sadd.s32 s5, s20  }
0xa2: {  	s22 =	simm.s32 $0x0;
	s6 =	sshll.u32 s6, $0x1;
	s7 =	sadd.s32 s21, s5  }
0xa3: {  	[timem:s22], [sflag:s8] =	dma.local [hbm:s7], s6  }
0xa4: {  	_ =	swait.ge [sflag:s8], s6  }
0xa5: {  	s6 =	ssub.s32 $0x0, s6;
	[sflag:s8] =	ssyncset.done $0x0  }
0xa6: {  	[sflag:s8] =	ssyncadd.s32 s6;
	_ =	sdelay $0x1  }
0xa7: {  	s23 =	simm.s32 $0x1B8B  }
0xa8: {  	_ =	swait.ge [sflag:s23], $0x1  }
0xa9: {  	[sflag:s23] =	ssyncset.done $0x0  }
0xaa: {  	[sflag:s23] =	ssyncadd.s32 $0xFFFFFFFF  }
0xab: {  	s6 =	sld [smem:$0x0]  }
0xac: {  	s7 =	sand.u32 $0xFFFFFFFE, s1  }
0xad: {  	p0 =	sne.s32 s1, s7  }
0xae: {  	s7 =	sshll.u32 @p0 s7, $0xE  }
0xaf: {  	s7 =	sadd.s32 @p0 $0x11B8D, s7;
	s8 =	sshll.u32 @p0 s6, $0x11  }
0xb0: {  	s7 =	sor.u32 @p0 s8, s7  }
0xb1: {  	[sflag:s7] =	ssyncadd.remote.s32 @p0 $0x1;
	_ =	sdelay $0x1  }
0xb2: {  	s7 =	simm.s32 @p0 $0x1B8D  }
0xb3: {  	_ =	swait.eq @p0 [sflag:s7], $0x1  }
0xb4: {  	[sflag:s7] =	ssyncadd.s32 @p0 $0xFFFFFFFF  }
0xb5: {  	s8 =	sshll.u32 @!p0 s1, $0xE  }
0xb6: {  	s8 =	sor.u32 @!p0 $0x4000, s8;
	s7 =	simm.s32 @!p0 $0x1B8D  }
0xb7: {  	s6 =	sshll.u32 @!p0 s6, $0x11;
	s8 =	sadd.s32 @!p0 $0x11B8D, s8;
	_ =	swait.eq @!p0 [sflag:s7], $0x1  }
0xb8: {  	s6 =	sor.u32 @!p0 s6, s8;
	[sflag:s7] =	ssyncadd.s32 @!p0 $0xFFFFFFFF  }
0xb9: {  	s25 =	simm.s32 $0x1B8E;
	s24 =	sld [smem:$0x3FFE];
	[sflag:s6] =	ssyncadd.remote.s32 @!p0 $0x1  }
0xba: {  	s26 =	simm.s32 $execute0_lowered;
	[smem:$0x3FD2] =	sst s25  }
0xbb: {  	s7 =	sshll.u32 s26, $0x1;
	_ =	strace $0x8000004F;
	[dreg:$0x1] =	wrdreg $0xFFFFFFFF  }
0xbc: {  	s28 =	simm.s32 $_size_execute0_lowered;
	s5 =	sadd.s32 s5, s7;
	[dreg:$0x0] =	wrdreg $0x0  }
0xbd: {  	s7 =	sshll.u32 s28, $0x1;
	[dreg:$0x2] =	wrdreg s5  }
0xbe: {  	[dreg:$0x3] =	wrdreg s7  }
0xbf: {  	[dreg:$0x4] =	wrdreg $0xC0  }
0xc0: {  	_ =	task [dreg:s22], $0x5FFFF  }
0xc1: {  	[dreg:$0x1] =	wrdreg $0xFFFFFFFF  }
0xc2: {  	[dreg:$0x0] =	wrdreg $0x60  }
0xc3: {  	[dreg:$0x2] =	wrdreg s24  }
0xc4: {  	[dreg:$0x3] =	wrdreg s18  }
0xc5: {  	[dreg:$0x4] =	wrdreg s17  }
0xc6: {  	[dreg:$0x5] =	wrdreg $0x9  }
0xc7: {  	_ =	task.clear_ibuf [dreg:s22], $0x6FFFF;
	_ =	strace $0x9000004F  }
0xc8: {  	s29 =	simm.s32 $0x9;
	_ =	strace $0x80000051  }
0xc9: {  	_ =	swait.ge [sflag:s29], $0x1  }
0xca: {  	[sflag:s29] =	ssyncadd.s32 $0xFFFFFFFF  }
0xcb: {  	_ =	strace $0x90000051  }
0xcc: {  	_ =	sfence  }
0xcd: {  	s30 =	sld [smem:$0x0];
	_ =	sdelay $0x2  }
0xce: {  	s31 =	sshll.u32 s1, $0xD;
	s1 =	sshrl.u32 s1, $0x2  }
0xcf: {  	s4 =	sand.u32 $0x4000, s31;
	s1 =	sadd.s32 s1, s30  }
0xd0: {  	s0 =	sor.u32 s4, s0;
	s1 =	sshll.u32 s1, $0x11  }
0xd1: {  	s0 =	sor.u32 s1, s0  }
0xd2: {  	s0 =	sadd.s32 $0x8F2B, s0  }
0xd3: {  	[sflag:s0] =	ssyncadd.remote.s32 $0x1  }
0xd4: {  	_ =	sfence.sel $0xFFFF  }
0xd5: {  	[dreg:$0x0] =	wrdreg $0xFFFFFFFF;
	(pc) =	sbr.abs _section_cstart, $3  }
0xd6: {  	[dreg:$0x1] =	wrdreg $0xFFFFFFFF  }
0xd7: {  	_ =	task.clear_ibuf [dreg:s22], $0x2FFFF;
	_ =	strace $0x9FFFFFFF  }
0xd8: {  	(tm) =	ssettm $0x7FFFFFFF  }
0xd9: {  	_ =	shalt  }
tec
execute0_lowered:
.L_overlay_start_1:
0x0: {  	(tag) =	ssettag $0x1  }
0x1: {  	s0 =	srdreg.scid  }
0x2: {  	s1 =	sshll.u32 s0, $0x4  }
0x3: {  	s0 =	stileid.u32;
	s1 =	sand.u32 $0x10, s1  }
0x4: {  	s1 =	sor.u32 s0, s1  }
0x5: {  	s3 =	smul.u32 $0x3, s1  }
0x6: {  	s4 =	smin.u32 s1, $0x2  }
0x7: {  	p0 =	slt.u32 s1, $0x2;
	s1 =	simm.s32 $0x40;
	s4 =	sadd.s32 s4, s3  }
0x8: {  	s2 =	rddreg [dreg:$0x0];
	s1 =	simm.s32 @!p0 $0x30;
	s4 =	sshll.u32 s4, $0x4  }
0x9: {  	s5 =	rddreg [dreg:$0x2];
	s7 =	simm.s32 $0x1;
	s6 =	sadd.s32 s1, s4  }
0xa: {  	s8 =	simm.s32 $0x2;
	s10 =	simm.s32 $0x3;
	s6 =	smin.u32 s6, $0x620  }
.Ltmp0:
0xb: {  	s3 =	rddreg [dreg:$0x1];
	s9 =	ssub.s32 s6, s4;
	(pc) =	sbr.rel .LBB2_1-.Ltmp0, $4  }
0xc: {  	s1 =	rddreg [dreg:$0x3];
	_ =	strace $0x80000050;
	p0 =	sgt.s32 s9, $0x0  }
0xd: {  	s13 =	simm.s32 $0x0;
	[sflag:s7] =	ssyncpa.u1 $0x0;
	s9 =	simm.s32 @!p0 $0x0  }
0xe: {  	s12 =	simm.s32 $0x0;
	[sflag:s8] =	ssyncpa.u1 $0x0;
	s9 =	sshrl.u32 s9, $0x4  }
0xf: {  	v0 =	vimm.s32 $0x0;
	vm0 =	vmmov $0xff;
	vm1 =	vcmask $0x3F20;
	s11 =	smov.u32 s4;
	[sflag:s10] =	ssyncpa.u1 $0x0;
	s10 =	sadd.s32 $0x1, s9  }
.LBB2_5:
0x10: {  	s13 =	sadd.s32 $0x10, s11  }
0x11: {  	s15 =	smov.u32 s4;
	p1 =	slt.s32 s13, s6  }
0x12: {  	s15 =	smov.u32 @p1 s13;
	p1 =	sne.s32 s12, s10  }
.Ltmp1:
0x13: {  	p0 =	slt.u32 s12, $0x2;
	(pc) =	sbr.rel @!p1 .LBB2_6-.Ltmp1, $4  }
0x14: {  	s14 =	simm.s32 @!p0 $0x3  }
0x15: {  	_ =	swait.ge @!p0 [sflag:s14], $0x1000  }
0x16: {  	s16 =	sadd.s32 $0x1, s12;
	s13 =	smov.u32 s11;
	[sflag:s14] =	ssyncset.done @!p0 $0x0  }
0x17: {  	s12 =	smov.u32 s16;
	s11 =	smov.u32 s15;
	[sflag:s14] =	ssyncadd.s32 @!p0 $0xFFFFF000  }
.LBB2_1:
0x18: {  	p0 =	sge.u32 s12, s9  }
0x19: {  	s14 =	sxor.u32 @!p0 $0xFFFFFFFF, s12  }
0x1a: {  	s31 =	sadd.s32 $0xFFFFFFFF, s12;
	s15 =	sshrl.u32 @!p0 s11, $0x3;
	s14 =	sshll.u32 @!p0 s14, $0x4  }
0x1b: {  	s16 =	sand.u32 @!p0 $0x7, s11;
	s15 =	sadd.s32 @!p0 s3, s15;
	s14 =	sand.u32 @!p0 $0x10, s14  }
0x1c: {  	[tilespmem:s14], [sflag:$0x2] =	stream.linear.gather @!p0 [hbm4b:s15+s16], $0x10, $0x38;
	[tilespmem:$0x2020] =	vst v63  }
0x1d: {  	p0 =	sge.u32 s31, s9  }
.Ltmp2:
0x1e: {  	_ = 	snop;
	(pc) =	sbr.rel @p0 .LBB2_5-.Ltmp2, $1  }
0x1f: {  	_ =	sdelay $0x3  }
0x20: {  	_ =	swait.ge [sflag:s8], $0x10  }
0x21: {  	s14 =	sand.u32 $0x1, s12;
	[sflag:s8] =	ssyncset.done $0x0  }
0x22: {  	s15 =	sshll.u32 s14, $0x4;
	[sflag:s8] =	ssyncadd.s32 $0xFFFFFFF0  }
0x23: {  	v1 =	vld.msk [tilespmem:s15+$0x0 ss:$0x1], $0xffff;
	_ =	sdelay $0x4  }
0x24: {  	v2 =	vshrl.u32 v1, $0x1  }
0x25: {  	vm2 =	veq.s32 v1, $0x80000000;
	v1 =	vand.u32 $0x1, v1;
	v2 =	vand.u32 $0xFFF, v2  }
0x26: {  	vm3 =	veq.s32 v1, $0x1;
	v2 =	vsel vm2, $0xFFFFFFFF, v2  }
0x27: {  	v1 =	vsel vm3, $0xC4000, v0;
	v3 =	vshll.u32 v2, $0x8  }
0x28: {  	v1 =	vsel vm2, $0xFFF3C000, v1;
	v2 =	vshll.u32 v2, $0x7;
	v3 =	vand.u32 $0xFFFFF800, v3  }
0x29: {  	v2 =	vand.u32 $0x380, v2;
	v1 =	vadd.s32 v1, v3  }
0x2a: {  	s14 =	sshll.u32 s14, $0xC;
	v1 =	vor.u32 v2, v1  }
0x2b: {  	s16 =	simm.s32 $0x0;
	p0 =	por $0x1, $0x1;
	s15 =	sor.u32 $0x20, s14;
	v1 =	vshrl.u32 v1, $0x3  }
.LBB2_3:
0x2c: {  	_ =	sdelay $0x1  }
0x2d: {  	s16 =	sshra.s32 s16, $0x2;
	p1 =	por p0, p0  }
.Ltmp3:
0x2e: {  	s16 =	sadd.s32 s16, s15;
	(pc) =	sbr.rel @p1 .LBB2_3-.Ltmp3, $4  }
0x2f: {  	[tilespmem:s16], [sflag:$0x1] =	stream.indirect_vreg.gather [hbm:s2], $0x80, v1, vm0, $0x38;
	[tilespmem:$0x2020] =	vst v63  }
0x30: {  	s16 =	sadd.s32 $0x800, s16  }
0x31: {  	[tilespmem:s16], [sflag:$0x1] =	stream.indirect_vreg.gather [hbm:s2], $0x80, v1, vm1, $0x38;
	[tilespmem:$0x2020] =	vst v63  }
0x32: {  	p0 =	por $0x0, $0x0;
	v1 =	vadd.s32 $0x80, v1;
	s16 =	simm.s32 $0x1000  }
0x33: {  	s16 =	sshll.u32 s13, $0x4;
	_ =	swait.ge [sflag:s7], $0x1000  }
0x34: {  	s31 =	sshll.u32 s13, $0x5;
	s16 =	sand.u32 $0x70, s16;
	[sflag:s7] =	ssyncset.done $0x0  }
.Ltmp4:
0x35: {  	s13 =	sand.u32 $0xFFFFFF00, s31;
	s16 =	sadd.s32 s5, s16;
	(pc) =	sbr.rel .LBB2_5-.Ltmp4, $4  }
0x36: {  	[sflag:s7] =	ssyncadd.s32 $0xFFFFF000;
	s13 =	sadd.s32 s13, s16  }
0x37: {  	[hbm:s13] =	stream.linear.scatter [tilespmem:s15], [sflag:$0x3], $0x800, $0x38;
	[tilespmem:$0x2020] =	vst v63  }
0x38: {  	s14 =	sadd.s32 $0x820, s14;
	s13 =	sadd.s32 $0x100, s13  }
0x39: {  	[hbm:s13] =	stream.linear.scatter [tilespmem:s14], [sflag:$0x3], $0x800, $0x38;
	[tilespmem:$0x2020] =	vst v63  }
.LBB2_6:
0x3a: {  	_ =	sfence.sel $0x180000  }
0x3b: {  	s2 =	simm.s32 $0x2;
	[bflag:$0x0] =	sbarrier.arrive $0xFFFF  }
0x3c: {  	s30 =	simm.s32 $0x3;
	[sflag:s2] =	ssyncpa.u1 $0x1  }
0x3d: {  	s31 =	simm.s32 $0x1;
	[sflag:s30] =	ssyncpa.u1 $0x1  }
0x3e: {  	[sflag:s31] =	ssyncpa.u1 $0x1  }
0x3f: {  	p0 =	sne.s32 s0, $0x0;
	_ =	strace $0x90000050  }
0x40: {  	s0 =	sadd.s32 @!p0 $0x100000, s1;
	[bflag:$0x2] =	sbarrier.arrive $0xFFFF  }
0x41: {  	[sflag:s0] =	ssyncadd.tile.s32 @!p0 $0x1;
	_ =	shalt  }
.Lfunc_end2:
_tile_overlayer_lowered:
.L_overlay_start_2:
0x42: {  	(tag) =	ssettag $0x2  }
0x43: {  	s0 =	rddreg [dreg:$0x0];
	s2 =	stileid.u32  }
0x44: {  	s1 =	rddreg [dreg:$0x1];
	p0 =	sne.s32 s2, $0x0  }
0x45: {  	s3 =	rddreg [dreg:$0x2];
	[bflag:$0x3] =	sbarrier.arrive $0xFFFF;
	s2 =	simm.s32 @!p0 $0x1C01  }
0x46: {  	[timem:s3], [sflag:s2] =	dma.local @!p0 [hbm:s0], s1  }
0x47: {  	s0 =	simm.s32 @!p0 $0x1  }
0x48: {  	_ =	swait.ge @!p0 [sflag:s0], s1  }
0x49: {  	s1 =	ssub.s32 @!p0 $0x0, s1;
	[sflag:s0] =	ssyncset.done @!p0 $0x0  }
0x4a: {  	[sflag:s0] =	ssyncadd.s32 @!p0 s1  }
0x4b: {  	[bflag:$0x3] =	sbarrier.arrive $0xFFFF  }
0x4c: {  	_ =	shalt  }

// kernel: kernel.8.cloned.1.call-start
scs
__scs_entry_jumppad:
0x0: {  	(pc) =	sbr.rel $0x88, $3  }
0x1: {  	(tag) =	ssettag $0x0;
	lr =	simm.s32 $0x1  }
0x2: {  	[smem:$0x3F96] =	sst lr;
	_ =	strace $0xD0000000  }
0x3: {  	_ = 	snop  }
0x4: {  	_ = 	snop  }
0x5: {  	_ = 	snop  }
0x6: {  	_ = 	snop  }
0x7: {  	_ = 	snop  }
__scs_overlays_trampoline_lowered:
0x8: {  	[smem:$0x3FA5] =	sst s0  }
0x9: {  	[smem:$0x3FA6] =	sst s1  }
0xa: {  	[smem:$0x3FA7] =	sst s2  }
0xb: {  	[smem:$0x3FA8] =	sst s3  }
0xc: {  	[smem:$0x3FA9] =	sst s4  }
0xd: {  	[smem:$0x3FAA] =	sst s5  }
0xe: {  	[smem:$0x3FAB] =	sst s6  }
0xf: {  	[smem:$0x3FAC] =	sst s7  }
0x10: {  	[smem:$0x3FAD] =	sst s8  }
0x11: {  	[smem:$0x3FAE] =	sst s9;
	s0 =	simm.s32 @!p0 $0x0  }
0x12: {  	s1 =	sld [smem:$0x3F94];
	s0 =	simm.s32 @p0 $0x1  }
0x13: {  	[smem:$0x3FAF] =	sst s0;
	s0 =	simm.s32 @!p1 $0x0  }
0x14: {  	s2 =	sld [smem:$0x3F93];
	s0 =	simm.s32 @p1 $0x1  }
0x15: {  	[smem:$0x3FB0] =	sst s0;
	s0 =	simm.s32 @!p2 $0x0  }
0x16: {  	s3 =	sld [smem:$0x3FDB];
	s0 =	simm.s32 @p2 $0x1  }
0x17: {  	s4 =	simm.s32 $0x1BF5;
	[smem:$0x3FB2] =	sst s0  }
0x18: {  	s0 =	sld [smem:$0x3F95];
	_ =	swait.ge [sflag:s4], $0x0  }
0x19: {  	s7 =	sld [smem:$0x3F96]  }
0x1a: {  	s8 =	sadd.s32 $0xFFFFE003, lr  }
0x1b: {  	s9 =	sadd.s32 $0xFFFFFEF7, lr;
	s5 =	simm.s32 $0xFFFFFFFF;
	p2 =	slt.u32 s8, $0xFFFFF086  }
0x1c: {  	p1 =	slt.u32 s9, $0xF7A;
	s5 =	simm.s32 @!p2 $0x0  }
0x1d: {  	s5 =	simm.s32 @p1 $0x1;
	p0 =	seq.s32 s7, s2  }
0x1e: {  	s7 =	smul.u32 @!p0 $0xF7A, s2;
	p2 =	seq.s32 @!p0 s5, $0x0  }
0x1f: {  	s9 =	smul.u32 $0xF7A, s1;
	s8 =	simm.s32 @!p0 $0x1BF5;
	p2 =	por !p2, p0  }
0x20: {  	[sflag:s8] =	ssyncset.s32 @!p0 $0xFFFFF086;
	s6 =	sadd.s32 @!p0 s3, s7;
	s7 =	simm.s32 @!p0 $0x108  }
0x21: {  	s3 =	sadd.s32 s3, s9;
	s6 =	sadd.s32 @!p0 $0x88, s6;
	s7 =	simm.s32 @p2 $0x1082  }
0x22: {  	[simem:s7], [sflag:s8] =	dma.local @!p0 [hbm:s6], $0xF7A  }
0x23: {  	s9 =	sor.u32 $0xD0000000, s2;
	s6 =	simm.s32 $0x108;
	_ =	swait.ge @!p0 [sflag:s8], $0x0  }
0x24: {  	s3 =	sadd.s32 $0x88, s3;
	s6 =	simm.s32 @!p1 $0x1082;
	[sflag:s4] =	ssyncset.s32 $0xFFFFF086  }
0x25: {  	[simem:s6], [sflag:s4] =	dma.local [hbm:s3], $0xF7A  }
0x26: {  	[smem:$0x3F96] =	sst s1;
	(tag) =	ssettag s2;
	_ =	strace s9  }
0x27: {  	s1 =	sld [smem:$0x3FA6]  }
0x28: {  	s2 =	sld [smem:$0x3FA7]  }
0x29: {  	s4 =	sld [smem:$0x3FA9]  }
0x2a: {  	p0 =	seq.s32 s5, $0x0;
	s5 =	sld [smem:$0x3FAA]  }
0x2b: {  	s6 =	sld [smem:$0x3FAB]  }
0x2c: {  	s7 =	sld [smem:$0x3FAC]  }
0x2d: {  	s3 =	simm.s32 $0x108;
	s8 =	sld [smem:$0x3FAD]  }
0x2e: {  	s3 =	simm.s32 @!p0 $0x1082;
	s9 =	sld [smem:$0x3FAE]  }
0x2f: {  	lr =	sadd.s32 s0, s3;
	s0 =	sld [smem:$0x3FA5]  }
0x30: {  	s3 =	sld [smem:$0x3FA8]  }
0x31: {  	[smem:$0x3FB1] =	sst s10  }
0x32: {  	s10 =	sld [smem:$0x3FAF];
	_ =	sdelay $0x3  }
0x33: {  	p0 =	seq.s32 s10, $0x1;
	s10 =	sld [smem:$0x3FB1];
	_ =	sdelay $0x3  }
0x34: {  	[smem:$0x3FB1] =	sst s10  }
0x35: {  	s10 =	sld [smem:$0x3FB0];
	_ =	sdelay $0x3  }
0x36: {  	p1 =	seq.s32 s10, $0x1;
	s10 =	sld [smem:$0x3FB1];
	_ =	sdelay $0x3  }
0x37: {  	[smem:$0x3FB1] =	sst s10  }
0x38: {  	s10 =	sld [smem:$0x3FB2]  }
0x39: {  	_ = 	snop;
	(pc) =	sbr.ind lr, $3  }
0x3a: {  	_ = 	snop  }
0x3b: {  	_ = 	snop  }
0x3c: {  	p2 =	seq.s32 s10, $0x1;
	s10 =	sld [smem:$0x3FB1]  }
0x3d: {  	_ =	shalt  }
0x3e: {  	_ =	shalt  }
0x3f: {  	_ =	shalt  }
0x40: {  	_ =	shalt  }
0x41: {  	_ =	shalt  }
0x42: {  	_ =	shalt  }
0x43: {  	_ =	shalt  }
0x44: {  	_ =	shalt  }
0x45: {  	_ =	shalt  }
0x46: {  	_ =	shalt  }
0x47: {  	_ =	shalt  }
0x48: {  	_ =	shalt  }
0x49: {  	_ =	shalt  }
0x4a: {  	_ =	shalt  }
0x4b: {  	_ =	shalt  }
0x4c: {  	_ =	shalt  }
0x4d: {  	_ =	shalt  }
0x4e: {  	_ =	shalt  }
0x4f: {  	_ =	shalt  }
0x50: {  	_ =	shalt  }
0x51: {  	_ =	shalt  }
0x52: {  	_ =	shalt  }
0x53: {  	_ =	shalt  }
0x54: {  	_ =	shalt  }
0x55: {  	_ =	shalt  }
0x56: {  	_ =	shalt  }
0x57: {  	_ =	shalt  }
0x58: {  	_ =	shalt  }
0x59: {  	_ =	shalt  }
0x5a: {  	_ =	shalt  }
0x5b: {  	_ =	shalt  }
0x5c: {  	_ =	shalt  }
0x5d: {  	_ =	shalt  }
0x5e: {  	_ =	shalt  }
0x5f: {  	_ =	shalt  }
0x60: {  	_ =	shalt  }
0x61: {  	_ =	shalt  }
0x62: {  	_ =	shalt  }
0x63: {  	_ =	shalt  }
0x64: {  	_ =	shalt  }
0x65: {  	_ =	shalt  }
0x66: {  	_ =	shalt  }
0x67: {  	_ =	shalt  }
0x68: {  	_ =	shalt  }
0x69: {  	_ =	shalt  }
0x6a: {  	_ =	shalt  }
0x6b: {  	_ =	shalt  }
0x6c: {  	_ =	shalt  }
0x6d: {  	_ =	shalt  }
0x6e: {  	_ =	shalt  }
0x6f: {  	_ =	shalt  }
0x70: {  	_ =	shalt  }
0x71: {  	_ =	shalt  }
0x72: {  	_ =	shalt  }
0x73: {  	_ =	shalt  }
0x74: {  	_ =	shalt  }
0x75: {  	_ =	shalt  }
0x76: {  	_ =	shalt  }
0x77: {  	_ =	shalt  }
0x78: {  	_ =	shalt  }
0x79: {  	_ =	shalt  }
0x7a: {  	_ =	shalt  }
0x7b: {  	_ =	shalt  }
0x7c: {  	_ =	shalt  }
0x7d: {  	_ =	shalt  }
0x7e: {  	_ =	shalt  }
0x7f: {  	_ =	shalt  }
0x80: {  	_ =	shalt  }
0x81: {  	_ =	shalt  }
0x82: {  	_ =	shalt  }
0x83: {  	_ =	shalt  }
0x84: {  	_ =	shalt  }
0x85: {  	_ =	shalt  }
0x86: {  	_ =	shalt  }
0x87: {  	_ =	shalt  }
.Lfunc_end0:
.L_simem_size_0:
called_computation.4_lowered:
.L_overlay_start_0:
0x88: {  	s2 =	sld [smem:$0x3FD9]  }
0x89: {  	s3 =	sld [smem:$0x3FFE];
	_ =	sdelay $0x1  }
0x8a: {  	s1 =	srdreg.scid  }
0x8b: {  	s0 =	sand.u32 $0x1, s1  }
0x8c: {  	s14 =	sshll.u32 s0, $0xA;
	s2 =	sadd.s32 s3, s2  }
0x8d: {  	s2 =	sadd.s32 s2, s14  }
0x8e: {  	[smem:$0x3FBD] =	sst s2  }
0x8f: {  	_ = 	snop  }
0x90: {  	s2 =	sld [smem:$0x3FD0];
	_ =	sdelay $0x2  }
0x91: {  	s15 =	simm.s32 $0xB;
	s4 =	simm.s32 $0x10  }
0x92: {  	[smem:s4], [sflag:s15] =	dma.local [hbm:s2], $0x1  }
0x93: {  	_ =	swait.eq [sflag:s15], $0x1  }
0x94: {  	[sflag:s15] =	ssyncset.done $0x0  }
0x95: {  	[sflag:s15] =	ssyncadd.s32 $0xFFFFFFFF  }
0x96: {  	s16 =	sld [smem:$0x12];
	(tm) =	ssettm $0x1  }
0x97: {  	s17 =	sld [smem:$0x3FFB];
	_ =	sdelay $0x3  }
0x98: {  	_ =	strace s17  }
0x99: {  	s3 =	sld [smem:$0x3FFC];
	_ =	sdelay $0x3  }
0x9a: {  	_ =	strace s3  }
0x9b: {  	s3 =	sld [smem:$0x3FFD];
	_ =	sdelay $0x3  }
0x9c: {  	_ =	strace s3  }
0x9d: {  	_ =	strace $0x8FFFFFFF  }
0x9e: {  	s18 =	sld [smem:$0x3FDB];
	_ =	sdelay $0x1  }
0x9f: {  	s19 =	simm.s32 $_scs_section_size  }
0xa0: {  	s5 =	simm.s32 $_size__tile_overlayer_lowered;
	s6 =	simm.s32 $_tile_overlayer_lowered  }
0xa1: {  	s22 =	simm.s32 $0x1BFF;
	s21 =	sshll.u32 s6, $0x1;
	s3 =	sadd.s32 s19, s18  }
0xa2: {  	s7 =	simm.s32 $0x0;
	s20 =	sshll.u32 s5, $0x1;
	s5 =	sadd.s32 s21, s3  }
0xa3: {  	[timem:s7], [sflag:s22] =	dma.local [hbm:s5], s20  }
0xa4: {  	_ =	swait.ge [sflag:s22], s20  }
0xa5: {  	s4 =	ssub.s32 $0x0, s20;
	[sflag:s22] =	ssyncset.done $0x0  }
0xa6: {  	[sflag:s22] =	ssyncadd.s32 s4;
	_ =	sdelay $0x1  }
0xa7: {  	s23 =	simm.s32 $0x1B8B  }
0xa8: {  	_ =	swait.ge [sflag:s23], $0x1  }
0xa9: {  	[sflag:s23] =	ssyncset.done $0x0  }
0xaa: {  	s25 =	simm.s32 $0x1B8E;
	s24 =	sld [smem:$0x3FFE];
	[sflag:s23] =	ssyncadd.s32 $0xFFFFFFFF  }
0xab: {  	s26 =	simm.s32 $execute0_lowered;
	[smem:$0x3FD2] =	sst s25  }
0xac: {  	s5 =	sshll.u32 s26, $0x1;
	_ =	strace $0x80000052;
	[dreg:$0x1] =	wrdreg $0xFFFFFFFF  }
0xad: {  	s28 =	simm.s32 $_size_execute0_lowered;
	s3 =	sadd.s32 s3, s5;
	[dreg:$0x0] =	wrdreg $0x0  }
0xae: {  	s5 =	sshll.u32 s28, $0x1;
	[dreg:$0x2] =	wrdreg s3  }
0xaf: {  	[dreg:$0x3] =	wrdreg s5  }
0xb0: {  	[dreg:$0x4] =	wrdreg $0xC0  }
0xb1: {  	_ =	task [dreg:s7], $0x5FFFF  }
0xb2: {  	[dreg:$0x1] =	wrdreg $0xFFFFFFFF  }
0xb3: {  	[dreg:$0x0] =	wrdreg $0x60  }
0xb4: {  	[dreg:$0x2] =	wrdreg s16  }
0xb5: {  	[dreg:$0x3] =	wrdreg s24  }
0xb6: {  	[dreg:$0x4] =	wrdreg $0x23800  }
0xb7: {  	[dreg:$0x5] =	wrdreg $0x9  }
0xb8: {  	_ =	task.clear_ibuf [dreg:s7], $0x6FFFF;
	_ =	strace $0x90000052  }
0xb9: {  	s29 =	simm.s32 $0x9;
	_ =	strace $0x80000054  }
0xba: {  	_ =	swait.ge [sflag:s29], $0x1  }
0xbb: {  	[sflag:s29] =	ssyncadd.s32 $0xFFFFFFFF  }
0xbc: {  	_ =	strace $0x90000054  }
0xbd: {  	_ =	sfence  }
0xbe: {  	s30 =	sld [smem:$0x0];
	_ =	sdelay $0x2  }
0xbf: {  	s31 =	sshll.u32 s1, $0xD;
	s1 =	sshrl.u32 s1, $0x2  }
0xc0: {  	s3 =	sand.u32 $0x4000, s31;
	s1 =	sadd.s32 s1, s30  }
0xc1: {  	s0 =	sor.u32 s3, s0;
	s1 =	sshll.u32 s1, $0x11  }
0xc2: {  	s0 =	sor.u32 s1, s0  }
0xc3: {  	s0 =	sadd.s32 $0x8F2B, s0  }
0xc4: {  	[sflag:s0] =	ssyncadd.remote.s32 $0x1  }
0xc5: {  	_ =	sfence.sel $0xFFFF  }
0xc6: {  	[dreg:$0x0] =	wrdreg $0xFFFFFFFF;
	(pc) =	sbr.abs _section_cstart, $3  }
0xc7: {  	[dreg:$0x1] =	wrdreg $0xFFFFFFFF  }
0xc8: {  	_ =	task.clear_ibuf [dreg:s7], $0x2FFFF;
	_ =	strace $0x9FFFFFFF  }
0xc9: {  	(tm) =	ssettm $0x7FFFFFFF  }
tec
execute0_lowered:
.L_overlay_start_1:
0x0: {  	(tag) =	ssettag $0x1  }
0x1: {  	s6 =	rddreg [dreg:$0x0]  }
0x2: {  	s8 =	rddreg [dreg:$0x1]  }
0x3: {  	s2 =	rddreg [dreg:$0x2]  }
0x4: {  	s0 =	srdreg.scid;
	s1 =	rddreg [dreg:$0x3]  }
0x5: {  	s3 =	simm.s32 $0x0;
	s14 =	simm.s32 $0x1;
	s15 =	simm.s32 $0x100  }
0x6: {  	s16 =	simm.s32 $0x200;
	s17 =	simm.s32 $0x580;
	s18 =	simm.s32 $0x680  }
0x7: {  	s19 =	simm.s32 $0x1300;
	s20 =	simm.s32 $0x1F80;
	s4 =	sand.u32 $0x1, s0  }
0x8: {  	s21 =	simm.s32 $0x2280;
	s0 =	stileid.u32;
	s7 =	smul.u32 $0xC40, s4  }
0x9: {  	s22 =	simm.s32 $0x2080;
	s23 =	simm.s32 $0x2180;
	s9 =	smul.u32 $0xE0, s0  }
0xa: {  	[smem:$0x7FF] =	sst s3;
	s5 =	ssub.s32 $0x2, s4;
	s12 =	smul.u32 $0x62, s4  }
0xb: {  	_ =	strace $0x80000053;
	p0 =	sgt.u32 s0, $0xD;
	s11 =	sshrl.u32 s5, $0x1  }
.Ltmp0:
0xc: {  	s10 =	sadd.s32 s9, s7;
	s13 =	ssub.s32 s5, s11;
	(pc) =	sbr.rel .LBB2_1-.Ltmp0, $4  }
0xd: {  	s6 =	sadd.s32 s6, s12;
	s31 =	sshrl.u32 s7, $0x3;
	s10 =	sshrl.u32 s10, $0x3  }
0xe: {  	s7 =	sadd.s32 s9, s2;
	s13 =	smax.u32 s13, $0x1;
	s4 =	sadd.s32 s8, s10  }
0xf: {  	s8 =	sadd.s32 s8, s31;
	s5 =	sadd.s32 $0x31200, s4;
	s9 =	sadd.s32 $0x63400, s4  }
0x10: {  	s10 =	sadd.s32 $0x63000, s4;
	s11 =	sadd.s32 $0x800, s4;
	s12 =	sadd.s32 $0x400, s4  }
.LBB2_3:
0x11: {  	[bflag:$0x0] =	sbarrier.arrive $0xFFFF  }
.LBB2_4:
0x12: {  	s13 =	sadd.s32 $0xFFFFFFFF, s13  }
0x13: {  	p1 =	sne.s32 s13, $0x0  }
.Ltmp1:
0x14: {  	_ = 	snop;
	(pc) =	sbr.rel @!p1 .LBB2_5-.Ltmp1, $1  }
0x15: {  	_ =	sdelay $0x3  }
.LBB2_1:
.Ltmp2:
0x16: {  	(pc) =	sbr.rel @p0 .LBB2_3-.Ltmp2, $1  }
0x17: {  	_ =	sdelay $0x3  }
0x18: {  	[tilespmem:s3], [sflag:$0x1] =	stream.linear.gather [hbm4b:s4+s3], $0xE0, $0x38;
	[tilespmem:$0x2448] =	vst v63  }
0x19: {  	_ =	swait.ge [sflag:s14], $0xE0  }
0x1a: {  	[sflag:s14] =	ssyncset.done $0x0  }
0x1b: {  	[sflag:s14] =	ssyncadd.s32 $0xFFFFFF20  }
0x1c: {  	[tilespmem:s15], [sflag:$0x1] =	stream.linear.gather [hbm4b:s5+s3], $0xE0, $0x38;
	[tilespmem:$0x2448] =	vst v63  }
0x1d: {  	_ =	swait.ge [sflag:s14], $0xE0  }
0x1e: {  	[sflag:s14] =	ssyncset.done $0x0  }
0x1f: {  	[sflag:s14] =	ssyncadd.s32 $0xFFFFFF20  }
0x20: {  	[tilespmem:s16], [sflag:$0x1] =	stream.linear.gather [hbm4b:s6+s3], $0x310, $0x38;
	[tilespmem:$0x2448] =	vst v63  }
0x21: {  	_ =	swait.ge [sflag:s14], $0x310  }
0x22: {  	[sflag:s14] =	ssyncset.done $0x0  }
0x23: {  	[sflag:s14] =	ssyncadd.s32 $0xFFFFFCF0  }
0x24: {  	v0 =	vld [tilespmem:$0x0];
	_ =	sdelay $0x7  }
0x25: {  	v0 =	vld.idx.msk [tilespmem:v0+s16+$0x0], $0xffff;
	_ =	sdelay $0x4  }
0x26: {  	v0 =	vadd.f32 $9.999999970e-07, v0;
	_ =	sdelay $0x1  }
0x27: {  	(erf) = vrcp.f32 v0;
	_ =	sdelay $0x3  }
0x28: {  	v56 =	vld [tilespmem:$0x100]  }
0x29: {  	v1 =	vld [tilespmem:$0x10];
	_ =	sdelay $0x3  }
0x2a: {  	v2 =	vpop (erf)  }
0x2b: {  	v0 =	vmul.f32 v2, v56;
	_ =	sdelay $0x1  }
0x2c: {  	[tilespmem:$0x580] =	vst v0  }
0x2d: {  	v0 =	vld.idx.msk [tilespmem:v1+s16+$0x0], $0xffff;
	_ =	sdelay $0x4  }
0x2e: {  	v0 =	vadd.f32 $9.999999970e-07, v0;
	_ =	sdelay $0x1  }
0x2f: {  	(erf) = vrcp.f32 v0;
	_ =	sdelay $0x3  }
0x30: {  	v57 =	vld [tilespmem:$0x110]  }
0x31: {  	v58 =	vld [tilespmem:$0x20];
	_ =	sdelay $0x3  }
0x32: {  	v59 =	vpop (erf)  }
0x33: {  	v0 =	vmul.f32 v59, v57;
	_ =	sdelay $0x1  }
0x34: {  	[tilespmem:$0x590] =	vst v0  }
0x35: {  	v0 =	vld.idx.msk [tilespmem:v58+s16+$0x0], $0xffff;
	_ =	sdelay $0x4  }
0x36: {  	v0 =	vadd.f32 $9.999999970e-07, v0;
	_ =	sdelay $0x1  }
0x37: {  	(erf) = vrcp.f32 v0;
	_ =	sdelay $0x3  }
0x38: {  	v60 =	vld [tilespmem:$0x120]  }
0x39: {  	v61 =	vld [tilespmem:$0x30];
	_ =	sdelay $0x3  }
0x3a: {  	v62 =	vpop (erf)  }
0x3b: {  	v0 =	vmul.f32 v62, v60;
	_ =	sdelay $0x1  }
0x3c: {  	[tilespmem:$0x5A0] =	vst v0  }
0x3d: {  	v0 =	vld.idx.msk [tilespmem:v61+s16+$0x0], $0xffff;
	_ =	sdelay $0x4  }
0x3e: {  	v0 =	vadd.f32 $9.999999970e-07, v0;
	_ =	sdelay $0x1  }
0x3f: {  	(erf) = vrcp.f32 v0;
	_ =	sdelay $0x3  }
0x40: {  	v63 =	vld [tilespmem:$0x130]  }
0x41: {  	v4 =	vld [tilespmem:$0x40];
	_ =	sdelay $0x3  }
0x42: {  	v5 =	vpop (erf)  }
0x43: {  	v0 =	vmul.f32 v5, v63;
	_ =	sdelay $0x1  }
0x44: {  	[tilespmem:$0x5B0] =	vst v0  }
0x45: {  	v0 =	vld.idx.msk [tilespmem:v4+s16+$0x0], $0xffff;
	_ =	sdelay $0x4  }
0x46: {  	v0 =	vadd.f32 $9.999999970e-07, v0;
	_ =	sdelay $0x1  }
0x47: {  	(erf) = vrcp.f32 v0;
	_ =	sdelay $0x3  }
0x48: {  	v6 =	vld [tilespmem:$0x140]  }
0x49: {  	v7 =	vld [tilespmem:$0x50];
	_ =	sdelay $0x3  }
0x4a: {  	v8 =	vpop (erf)  }
0x4b: {  	v0 =	vmul.f32 v8, v6;
	_ =	sdelay $0x1  }
0x4c: {  	[tilespmem:$0x5C0] =	vst v0  }
0x4d: {  	v0 =	vld.idx.msk [tilespmem:v7+s16+$0x0], $0xffff;
	_ =	sdelay $0x4  }
0x4e: {  	v0 =	vadd.f32 $9.999999970e-07, v0;
	_ =	sdelay $0x1  }
0x4f: {  	(erf) = vrcp.f32 v0;
	_ =	sdelay $0x3  }
0x50: {  	v9 =	vld [tilespmem:$0x150]  }
0x51: {  	v10 =	vld [tilespmem:$0x60];
	_ =	sdelay $0x3  }
0x52: {  	v11 =	vpop (erf)  }
0x53: {  	v0 =	vmul.f32 v11, v9;
	_ =	sdelay $0x1  }
0x54: {  	[tilespmem:$0x5D0] =	vst v0  }
0x55: {  	v0 =	vld.idx.msk [tilespmem:v10+s16+$0x0], $0xffff;
	_ =	sdelay $0x4  }
0x56: {  	v0 =	vadd.f32 $9.999999970e-07, v0;
	_ =	sdelay $0x1  }
0x57: {  	(erf) = vrcp.f32 v0;
	_ =	sdelay $0x3  }
0x58: {  	v12 =	vld [tilespmem:$0x160]  }
0x59: {  	v13 =	vld [tilespmem:$0x70];
	_ =	sdelay $0x3  }
0x5a: {  	v14 =	vpop (erf)  }
0x5b: {  	v0 =	vmul.f32 v14, v12;
	_ =	sdelay $0x1  }
0x5c: {  	[tilespmem:$0x5E0] =	vst v0  }
0x5d: {  	v0 =	vld.idx.msk [tilespmem:v13+s16+$0x0], $0xffff;
	_ =	sdelay $0x4  }
0x5e: {  	v0 =	vadd.f32 $9.999999970e-07, v0;
	_ =	sdelay $0x1  }
0x5f: {  	(erf) = vrcp.f32 v0;
	_ =	sdelay $0x3  }
0x60: {  	v15 =	vld [tilespmem:$0x170]  }
0x61: {  	v16 =	vld [tilespmem:$0x80];
	_ =	sdelay $0x3  }
0x62: {  	v17 =	vpop (erf)  }
0x63: {  	v0 =	vmul.f32 v17, v15;
	_ =	sdelay $0x1  }
0x64: {  	[tilespmem:$0x5F0] =	vst v0  }
0x65: {  	v0 =	vld.idx.msk [tilespmem:v16+s16+$0x0], $0xffff;
	_ =	sdelay $0x4  }
0x66: {  	v0 =	vadd.f32 $9.999999970e-07, v0;
	_ =	sdelay $0x1  }
0x67: {  	(erf) = vrcp.f32 v0;
	_ =	sdelay $0x3  }
0x68: {  	v18 =	vld [tilespmem:$0x180]  }
0x69: {  	v19 =	vld [tilespmem:$0x90];
	_ =	sdelay $0x3  }
0x6a: {  	v20 =	vpop (erf)  }
0x6b: {  	v0 =	vmul.f32 v20, v18;
	_ =	sdelay $0x1  }
0x6c: {  	[tilespmem:$0x600] =	vst v0  }
0x6d: {  	v0 =	vld.idx.msk [tilespmem:v19+s16+$0x0], $0xffff;
	_ =	sdelay $0x4  }
0x6e: {  	v0 =	vadd.f32 $9.999999970e-07, v0;
	_ =	sdelay $0x1  }
0x6f: {  	(erf) = vrcp.f32 v0;
	_ =	sdelay $0x3  }
0x70: {  	v21 =	vld [tilespmem:$0x190]  }
0x71: {  	v22 =	vld [tilespmem:$0xA0];
	_ =	sdelay $0x3  }
0x72: {  	v23 =	vpop (erf)  }
0x73: {  	v0 =	vmul.f32 v23, v21;
	_ =	sdelay $0x1  }
0x74: {  	[tilespmem:$0x610] =	vst v0  }
0x75: {  	v0 =	vld.idx.msk [tilespmem:v22+s16+$0x0], $0xffff;
	_ =	sdelay $0x4  }
0x76: {  	v0 =	vadd.f32 $9.999999970e-07, v0;
	_ =	sdelay $0x1  }
0x77: {  	(erf) = vrcp.f32 v0;
	_ =	sdelay $0x3  }
0x78: {  	v24 =	vld [tilespmem:$0x1A0]  }
0x79: {  	v25 =	vld [tilespmem:$0xB0];
	_ =	sdelay $0x3  }
0x7a: {  	v26 =	vpop (erf)  }
0x7b: {  	v0 =	vmul.f32 v26, v24;
	_ =	sdelay $0x1  }
0x7c: {  	[tilespmem:$0x620] =	vst v0  }
0x7d: {  	v0 =	vld.idx.msk [tilespmem:v25+s16+$0x0], $0xffff;
	_ =	sdelay $0x4  }
0x7e: {  	v0 =	vadd.f32 $9.999999970e-07, v0;
	_ =	sdelay $0x1  }
0x7f: {  	(erf) = vrcp.f32 v0;
	_ =	sdelay $0x3  }
0x80: {  	v27 =	vld [tilespmem:$0x1B0]  }
0x81: {  	v28 =	vld [tilespmem:$0xC0];
	_ =	sdelay $0x3  }
0x82: {  	v29 =	vpop (erf)  }
0x83: {  	v0 =	vmul.f32 v29, v27;
	_ =	sdelay $0x1  }
0x84: {  	[tilespmem:$0x630] =	vst v0  }
0x85: {  	v0 =	vld.idx.msk [tilespmem:v28+s16+$0x0], $0xffff;
	_ =	sdelay $0x4  }
0x86: {  	v0 =	vadd.f32 $9.999999970e-07, v0;
	_ =	sdelay $0x1  }
0x87: {  	(erf) = vrcp.f32 v0;
	_ =	sdelay $0x3  }
0x88: {  	v30 =	vld [tilespmem:$0x1C0]  }
0x89: {  	v31 =	vld [tilespmem:$0xD0];
	_ =	sdelay $0x3  }
0x8a: {  	v32 =	vpop (erf)  }
0x8b: {  	v0 =	vmul.f32 v32, v30;
	_ =	sdelay $0x1  }
0x8c: {  	[tilespmem:$0x640] =	vst v0  }
0x8d: {  	v0 =	vld.idx.msk [tilespmem:v31+s16+$0x0], $0xffff;
	_ =	sdelay $0x4  }
0x8e: {  	v0 =	vadd.f32 $9.999999970e-07, v0;
	_ =	sdelay $0x1  }
0x8f: {  	(erf) = vrcp.f32 v0;
	_ =	sdelay $0x4  }
0x90: {  	v33 =	vld [tilespmem:$0x1D0];
	_ =	sdelay $0x3  }
0x91: {  	v34 =	vpop (erf)  }
0x92: {  	v0 =	vmul.f32 v34, v33;
	_ =	sdelay $0x1  }
0x93: {  	[tilespmem:$0x650] =	vst v0  }
0x94: {  	[spmem:s7] =	stream.linear.scatter [tilespmem:s17], [sflag:$0x1], $0xE0, $0x38;
	[tilespmem:$0x2448] =	vst v63  }
0x95: {  	_ =	swait.ge [sflag:s14], $0xE0  }
0x96: {  	[sflag:s14] =	ssyncset.done $0x0  }
0x97: {  	[sflag:s14] =	ssyncadd.s32 $0xFFFFFF20  }
0x98: {  	[bflag:$0x0] =	sbarrier.arrive $0xFFFF  }
0x99: {  	[tilespmem:s18], [sflag:$0x1] =	stream.linear.gather [spmem:s2], $0xC80, $0x38;
	[tilespmem:$0x2448] =	vst v63  }
0x9a: {  	_ =	swait.ge [sflag:s14], $0xC80  }
0x9b: {  	[sflag:s14] =	ssyncset.done $0x0  }
0x9c: {  	[sflag:s14] =	ssyncadd.s32 $0xFFFFF380  }
0x9d: {  	[tilespmem:s19], [sflag:$0x1] =	stream.linear.gather [hbm4b:s8+s3], $0xC40, $0x38;
	[tilespmem:$0x2448] =	vst v63  }
0x9e: {  	_ =	swait.ge [sflag:s14], $0xC40  }
0x9f: {  	[sflag:s14] =	ssyncset.done $0x0  }
0xa0: {  	[sflag:s14] =	ssyncadd.s32 $0xFFFFF3C0  }
0xa1: {  	[tilespmem:s20], [sflag:$0x1] =	stream.linear.gather [hbm4b:s9+s3], $0xE0, $0x38;
	[tilespmem:$0x2448] =	vst v63  }
0xa2: {  	_ =	swait.ge [sflag:s14], $0xE0  }
0xa3: {  	[sflag:s14] =	ssyncset.done $0x0  }
0xa4: {  	[sflag:s14] =	ssyncadd.s32 $0xFFFFFF20  }
0xa5: {  	[tilespmem:s21], [sflag:$0x1] =	stream.linear.gather [hbm4b:s10+s3], $0xE0, $0x38;
	[tilespmem:$0x2448] =	vst v63  }
0xa6: {  	_ =	swait.ge [sflag:s14], $0xE0  }
0xa7: {  	[sflag:s14] =	ssyncset.done $0x0  }
0xa8: {  	[sflag:s14] =	ssyncadd.s32 $0xFFFFFF20  }
0xa9: {  	v35 =	vld [tilespmem:$0x1F80];
	_ =	sdelay $0x7  }
0xaa: {  	v36 =	vld.idx.msk [tilespmem:v35+s19+$0x0], $0xffff;
	_ =	sdelay $0x3  }
0xab: {  	v37 =	vld [tilespmem:$0x2280]  }
0xac: {  	v38 =	vld [tilespmem:$0x1F90];
	[tilespmem:$0x2080] =	vst v36  }
0xad: {  	v0 =	vld.idx.msk [tilespmem:v35+s18+$0x0], $0xffff;
	_ =	sdelay $0x4  }
0xae: {  	v0 =	vmul.f32 v37, v0;
	_ =	sdelay $0x1  }
0xaf: {  	[tilespmem:$0x2180] =	vst v0  }
0xb0: {  	v0 =	vld.idx.msk [tilespmem:v38+s19+$0x0], $0xffff;
	_ =	sdelay $0x3  }
0xb1: {  	v39 =	vld [tilespmem:$0x2290]  }
0xb2: {  	v40 =	vld [tilespmem:$0x1FA0];
	[tilespmem:$0x2090] =	vst v0  }
0xb3: {  	v0 =	vld.idx.msk [tilespmem:v38+s18+$0x0], $0xffff;
	_ =	sdelay $0x4  }
0xb4: {  	v0 =	vmul.f32 v39, v0;
	_ =	sdelay $0x1  }
0xb5: {  	[tilespmem:$0x2190] =	vst v0  }
0xb6: {  	v0 =	vld.idx.msk [tilespmem:v40+s19+$0x0], $0xffff;
	_ =	sdelay $0x3  }
0xb7: {  	v41 =	vld [tilespmem:$0x22A0]  }
0xb8: {  	v42 =	vld [tilespmem:$0x1FB0];
	[tilespmem:$0x20A0] =	vst v0  }
0xb9: {  	v0 =	vld.idx.msk [tilespmem:v40+s18+$0x0], $0xffff;
	_ =	sdelay $0x4  }
0xba: {  	v0 =	vmul.f32 v41, v0;
	_ =	sdelay $0x1  }
0xbb: {  	[tilespmem:$0x21A0] =	vst v0  }
0xbc: {  	v0 =	vld.idx.msk [tilespmem:v42+s19+$0x0], $0xffff;
	_ =	sdelay $0x3  }
0xbd: {  	v43 =	vld [tilespmem:$0x22B0]  }
0xbe: {  	v44 =	vld [tilespmem:$0x1FC0];
	[tilespmem:$0x20B0] =	vst v0  }
0xbf: {  	v0 =	vld.idx.msk [tilespmem:v42+s18+$0x0], $0xffff;
	_ =	sdelay $0x4  }
0xc0: {  	v0 =	vmul.f32 v43, v0;
	_ =	sdelay $0x1  }
0xc1: {  	[tilespmem:$0x21B0] =	vst v0  }
0xc2: {  	v0 =	vld.idx.msk [tilespmem:v44+s19+$0x0], $0xffff;
	_ =	sdelay $0x3  }
0xc3: {  	v45 =	vld [tilespmem:$0x22C0]  }
0xc4: {  	v46 =	vld [tilespmem:$0x1FD0];
	[tilespmem:$0x20C0] =	vst v0  }
0xc5: {  	v0 =	vld.idx.msk [tilespmem:v44+s18+$0x0], $0xffff;
	_ =	sdelay $0x4  }
0xc6: {  	v0 =	vmul.f32 v45, v0;
	_ =	sdelay $0x1  }
0xc7: {  	[tilespmem:$0x21C0] =	vst v0  }
0xc8: {  	v0 =	vld.idx.msk [tilespmem:v46+s19+$0x0], $0xffff;
	_ =	sdelay $0x3  }
0xc9: {  	v47 =	vld [tilespmem:$0x22D0]  }
0xca: {  	v48 =	vld [tilespmem:$0x1FE0];
	[tilespmem:$0x20D0] =	vst v0  }
0xcb: {  	v0 =	vld.idx.msk [tilespmem:v46+s18+$0x0], $0xffff;
	_ =	sdelay $0x4  }
0xcc: {  	v0 =	vmul.f32 v47, v0;
	_ =	sdelay $0x1  }
0xcd: {  	[tilespmem:$0x21D0] =	vst v0  }
0xce: {  	v0 =	vld.idx.msk [tilespmem:v48+s19+$0x0], $0xffff;
	_ =	sdelay $0x3  }
0xcf: {  	v49 =	vld [tilespmem:$0x22E0]  }
0xd0: {  	v50 =	vld [tilespmem:$0x1FF0];
	[tilespmem:$0x20E0] =	vst v0  }
0xd1: {  	v0 =	vld.idx.msk [tilespmem:v48+s18+$0x0], $0xffff;
	_ =	sdelay $0x4  }
0xd2: {  	v0 =	vmul.f32 v49, v0;
	_ =	sdelay $0x1  }
0xd3: {  	[tilespmem:$0x21E0] =	vst v0  }
0xd4: {  	v0 =	vld.idx.msk [tilespmem:v50+s19+$0x0], $0xffff;
	_ =	sdelay $0x3  }
0xd5: {  	v51 =	vld [tilespmem:$0x22F0]  }
0xd6: {  	v52 =	vld [tilespmem:$0x2000];
	[tilespmem:$0x20F0] =	vst v0  }
0xd7: {  	v0 =	vld.idx.msk [tilespmem:v50+s18+$0x0], $0xffff;
	_ =	sdelay $0x4  }
0xd8: {  	v0 =	vmul.f32 v51, v0;
	_ =	sdelay $0x1  }
0xd9: {  	[tilespmem:$0x21F0] =	vst v0  }
0xda: {  	v0 =	vld.idx.msk [tilespmem:v52+s19+$0x0], $0xffff;
	_ =	sdelay $0x3  }
0xdb: {  	v53 =	vld [tilespmem:$0x2300]  }
0xdc: {  	v54 =	vld [tilespmem:$0x2010];
	[tilespmem:$0x2100] =	vst v0  }
0xdd: {  	v0 =	vld.idx.msk [tilespmem:v52+s18+$0x0], $0xffff;
	_ =	sdelay $0x4  }
0xde: {  	v0 =	vmul.f32 v53, v0;
	_ =	sdelay $0x1  }
0xdf: {  	[tilespmem:$0x2200] =	vst v0  }
0xe0: {  	v0 =	vld.idx.msk [tilespmem:v54+s19+$0x0], $0xffff;
	_ =	sdelay $0x3  }
0xe1: {  	v55 =	vld [tilespmem:$0x2310]  }
0xe2: {  	v56 =	vld [tilespmem:$0x2020];
	[tilespmem:$0x2110] =	vst v0  }
0xe3: {  	v0 =	vld.idx.msk [tilespmem:v54+s18+$0x0], $0xffff;
	_ =	sdelay $0x4  }
0xe4: {  	v0 =	vmul.f32 v55, v0;
	_ =	sdelay $0x1  }
0xe5: {  	[tilespmem:$0x2210] =	vst v0  }
0xe6: {  	v0 =	vld.idx.msk [tilespmem:v56+s19+$0x0], $0xffff;
	_ =	sdelay $0x3  }
0xe7: {  	v57 =	vld [tilespmem:$0x2320]  }
0xe8: {  	v58 =	vld [tilespmem:$0x2030];
	[tilespmem:$0x2120] =	vst v0  }
0xe9: {  	v0 =	vld.idx.msk [tilespmem:v56+s18+$0x0], $0xffff;
	_ =	sdelay $0x4  }
0xea: {  	v0 =	vmul.f32 v57, v0;
	_ =	sdelay $0x1  }
0xeb: {  	[tilespmem:$0x2220] =	vst v0  }
0xec: {  	v0 =	vld.idx.msk [tilespmem:v58+s19+$0x0], $0xffff;
	_ =	sdelay $0x3  }
0xed: {  	v59 =	vld [tilespmem:$0x2330]  }
0xee: {  	v60 =	vld [tilespmem:$0x2040];
	[tilespmem:$0x2130] =	vst v0  }
0xef: {  	v0 =	vld.idx.msk [tilespmem:v58+s18+$0x0], $0xffff;
	_ =	sdelay $0x4  }
0xf0: {  	v0 =	vmul.f32 v59, v0;
	_ =	sdelay $0x1  }
0xf1: {  	[tilespmem:$0x2230] =	vst v0  }
0xf2: {  	v0 =	vld.idx.msk [tilespmem:v60+s19+$0x0], $0xffff;
	_ =	sdelay $0x3  }
0xf3: {  	v61 =	vld [tilespmem:$0x2340]  }
0xf4: {  	v62 =	vld [tilespmem:$0x2050];
	[tilespmem:$0x2140] =	vst v0  }
0xf5: {  	v0 =	vld.idx.msk [tilespmem:v60+s18+$0x0], $0xffff;
	_ =	sdelay $0x4  }
0xf6: {  	v0 =	vmul.f32 v61, v0;
	_ =	sdelay $0x1  }
0xf7: {  	[tilespmem:$0x2240] =	vst v0  }
0xf8: {  	v0 =	vld.idx.msk [tilespmem:v62+s19+$0x0], $0xffff;
	_ =	sdelay $0x4  }
0xf9: {  	v63 =	vld [tilespmem:$0x2350];
	[tilespmem:$0x2150] =	vst v0  }
0xfa: {  	v0 =	vld.idx.msk [tilespmem:v62+s18+$0x0], $0xffff;
	_ =	sdelay $0x4  }
0xfb: {  	v0 =	vmul.f32 v63, v0;
	_ =	sdelay $0x1  }
0xfc: {  	[tilespmem:$0x2250] =	vst v0  }
0xfd: {  	[hbm4b:s11+s3] =	stream.linear.scatter [tilespmem:s22], [sflag:$0x1], $0xE0, $0x38;
	[tilespmem:$0x2448] =	vst v63  }
0xfe: {  	_ =	swait.ge [sflag:s14], $0xE0  }
0xff: {  	[sflag:s14] =	ssyncset.done $0x0  }
.Ltmp3:
0x100: {  	[sflag:s14] =	ssyncadd.s32 $0xFFFFFF20;
	(pc) =	sbr.rel .LBB2_4-.Ltmp3, $4  }
0x101: {  	[hbm4b:s12+s3] =	stream.linear.scatter [tilespmem:s23], [sflag:$0x1], $0xE0, $0x38;
	[tilespmem:$0x2448] =	vst v63  }
0x102: {  	_ =	swait.ge [sflag:s14], $0xE0  }
0x103: {  	[sflag:s14] =	ssyncset.done $0x0  }
0x104: {  	[sflag:s14] =	ssyncadd.s32 $0xFFFFFF20  }
.LBB2_5:
0x105: {  	_ =	sfence.sel $0x180000  }
0x106: {  	[bflag:$0x0] =	sbarrier.arrive $0xFFFF  }
0x107: {  	p0 =	sne.s32 s0, $0x0;
	_ =	strace $0x90000053  }
0x108: {  	s0 =	sadd.s32 @!p0 $0x100000, s1;
	[bflag:$0x2] =	sbarrier.arrive $0xFFFF  }
0x109: {  	[sflag:s0] =	ssyncadd.tile.s32 @!p0 $0x1;
	_ =	shalt  }
.Lfunc_end2:
_tile_overlayer_lowered:
.L_overlay_start_2:
0x10a: {  	(tag) =	ssettag $0x2  }
0x10b: {  	s0 =	rddreg [dreg:$0x0];
	s2 =	stileid.u32  }
0x10c: {  	s1 =	rddreg [dreg:$0x1];
	p0 =	sne.s32 s2, $0x0  }
0x10d: {  	s3 =	rddreg [dreg:$0x2];
	[bflag:$0x3] =	sbarrier.arrive $0xFFFF;
	s2 =	simm.s32 @!p0 $0x1C01  }
0x10e: {  	[timem:s3], [sflag:s2] =	dma.local @!p0 [hbm:s0], s1  }
0x10f: {  	s0 =	simm.s32 @!p0 $0x1  }
0x110: {  	_ =	swait.ge @!p0 [sflag:s0], s1  }
0x111: {  	s1 =	ssub.s32 @!p0 $0x0, s1;
	[sflag:s0] =	ssyncset.done @!p0 $0x0  }
0x112: {  	[sflag:s0] =	ssyncadd.s32 @!p0 s1  }
0x113: {  	[bflag:$0x3] =	sbarrier.arrive $0xFFFF  }
0x114: {  	_ =	shalt  }

// kernel: scatter_offload_async_start.1
scs
__scs_entry_jumppad:
0x0: {  	(pc) =	sbr.rel $0x88, $3  }
0x1: {  	(tag) =	ssettag $0x0;
	lr =	simm.s32 $0x1  }
0x2: {  	[smem:$0x3F96] =	sst lr;
	_ =	strace $0xD0000000  }
0x3: {  	_ = 	snop  }
0x4: {  	_ = 	snop  }
0x5: {  	_ = 	snop  }
0x6: {  	_ = 	snop  }
0x7: {  	_ = 	snop  }
__scs_overlays_trampoline_lowered:
0x8: {  	[smem:$0x3FA5] =	sst s0  }
0x9: {  	[smem:$0x3FA6] =	sst s1  }
0xa: {  	[smem:$0x3FA7] =	sst s2  }
0xb: {  	[smem:$0x3FA8] =	sst s3  }
0xc: {  	[smem:$0x3FA9] =	sst s4  }
0xd: {  	[smem:$0x3FAA] =	sst s5  }
0xe: {  	[smem:$0x3FAB] =	sst s6  }
0xf: {  	[smem:$0x3FAC] =	sst s7  }
0x10: {  	[smem:$0x3FAD] =	sst s8  }
0x11: {  	[smem:$0x3FAE] =	sst s9;
	s0 =	simm.s32 @!p0 $0x0  }
0x12: {  	s1 =	sld [smem:$0x3F94];
	s0 =	simm.s32 @p0 $0x1  }
0x13: {  	[smem:$0x3FAF] =	sst s0;
	s0 =	simm.s32 @!p1 $0x0  }
0x14: {  	s2 =	sld [smem:$0x3F93];
	s0 =	simm.s32 @p1 $0x1  }
0x15: {  	[smem:$0x3FB0] =	sst s0;
	s0 =	simm.s32 @!p2 $0x0  }
0x16: {  	s3 =	sld [smem:$0x3FDB];
	s0 =	simm.s32 @p2 $0x1  }
0x17: {  	s4 =	simm.s32 $0x1BF5;
	[smem:$0x3FB2] =	sst s0  }
0x18: {  	s0 =	sld [smem:$0x3F95];
	_ =	swait.ge [sflag:s4], $0x0  }
0x19: {  	s7 =	sld [smem:$0x3F96]  }
0x1a: {  	s8 =	sadd.s32 $0xFFFFE003, lr  }
0x1b: {  	s9 =	sadd.s32 $0xFFFFFEF7, lr;
	s5 =	simm.s32 $0xFFFFFFFF;
	p2 =	slt.u32 s8, $0xFFFFF086  }
0x1c: {  	p1 =	slt.u32 s9, $0xF7A;
	s5 =	simm.s32 @!p2 $0x0  }
0x1d: {  	s5 =	simm.s32 @p1 $0x1;
	p0 =	seq.s32 s7, s2  }
0x1e: {  	s7 =	smul.u32 @!p0 $0xF7A, s2;
	p2 =	seq.s32 @!p0 s5, $0x0  }
0x1f: {  	s9 =	smul.u32 $0xF7A, s1;
	s8 =	simm.s32 @!p0 $0x1BF5;
	p2 =	por !p2, p0  }
0x20: {  	[sflag:s8] =	ssyncset.s32 @!p0 $0xFFFFF086;
	s6 =	sadd.s32 @!p0 s3, s7;
	s7 =	simm.s32 @!p0 $0x108  }
0x21: {  	s3 =	sadd.s32 s3, s9;
	s6 =	sadd.s32 @!p0 $0x88, s6;
	s7 =	simm.s32 @p2 $0x1082  }
0x22: {  	[simem:s7], [sflag:s8] =	dma.local @!p0 [hbm:s6], $0xF7A  }
0x23: {  	s9 =	sor.u32 $0xD0000000, s2;
	s6 =	simm.s32 $0x108;
	_ =	swait.ge @!p0 [sflag:s8], $0x0  }
0x24: {  	s3 =	sadd.s32 $0x88, s3;
	s6 =	simm.s32 @!p1 $0x1082;
	[sflag:s4] =	ssyncset.s32 $0xFFFFF086  }
0x25: {  	[simem:s6], [sflag:s4] =	dma.local [hbm:s3], $0xF7A  }
0x26: {  	[smem:$0x3F96] =	sst s1;
	(tag) =	ssettag s2;
	_ =	strace s9  }
0x27: {  	s1 =	sld [smem:$0x3FA6]  }
0x28: {  	s2 =	sld [smem:$0x3FA7]  }
0x29: {  	s4 =	sld [smem:$0x3FA9]  }
0x2a: {  	p0 =	seq.s32 s5, $0x0;
	s5 =	sld [smem:$0x3FAA]  }
0x2b: {  	s6 =	sld [smem:$0x3FAB]  }
0x2c: {  	s7 =	sld [smem:$0x3FAC]  }
0x2d: {  	s3 =	simm.s32 $0x108;
	s8 =	sld [smem:$0x3FAD]  }
0x2e: {  	s3 =	simm.s32 @!p0 $0x1082;
	s9 =	sld [smem:$0x3FAE]  }
0x2f: {  	lr =	sadd.s32 s0, s3;
	s0 =	sld [smem:$0x3FA5]  }
0x30: {  	s3 =	sld [smem:$0x3FA8]  }
0x31: {  	[smem:$0x3FB1] =	sst s10  }
0x32: {  	s10 =	sld [smem:$0x3FAF];
	_ =	sdelay $0x3  }
0x33: {  	p0 =	seq.s32 s10, $0x1;
	s10 =	sld [smem:$0x3FB1];
	_ =	sdelay $0x3  }
0x34: {  	[smem:$0x3FB1] =	sst s10  }
0x35: {  	s10 =	sld [smem:$0x3FB0];
	_ =	sdelay $0x3  }
0x36: {  	p1 =	seq.s32 s10, $0x1;
	s10 =	sld [smem:$0x3FB1];
	_ =	sdelay $0x3  }
0x37: {  	[smem:$0x3FB1] =	sst s10  }
0x38: {  	s10 =	sld [smem:$0x3FB2]  }
0x39: {  	_ = 	snop;
	(pc) =	sbr.ind lr, $3  }
0x3a: {  	_ = 	snop  }
0x3b: {  	_ = 	snop  }
0x3c: {  	p2 =	seq.s32 s10, $0x1;
	s10 =	sld [smem:$0x3FB1]  }
0x3d: {  	_ =	shalt  }
0x3e: {  	_ =	shalt  }
0x3f: {  	_ =	shalt  }
0x40: {  	_ =	shalt  }
0x41: {  	_ =	shalt  }
0x42: {  	_ =	shalt  }
0x43: {  	_ =	shalt  }
0x44: {  	_ =	shalt  }
0x45: {  	_ =	shalt  }
0x46: {  	_ =	shalt  }
0x47: {  	_ =	shalt  }
0x48: {  	_ =	shalt  }
0x49: {  	_ =	shalt  }
0x4a: {  	_ =	shalt  }
0x4b: {  	_ =	shalt  }
0x4c: {  	_ =	shalt  }
0x4d: {  	_ =	shalt  }
0x4e: {  	_ =	shalt  }
0x4f: {  	_ =	shalt  }
0x50: {  	_ =	shalt  }
0x51: {  	_ =	shalt  }
0x52: {  	_ =	shalt  }
0x53: {  	_ =	shalt  }
0x54: {  	_ =	shalt  }
0x55: {  	_ =	shalt  }
0x56: {  	_ =	shalt  }
0x57: {  	_ =	shalt  }
0x58: {  	_ =	shalt  }
0x59: {  	_ =	shalt  }
0x5a: {  	_ =	shalt  }
0x5b: {  	_ =	shalt  }
0x5c: {  	_ =	shalt  }
0x5d: {  	_ =	shalt  }
0x5e: {  	_ =	shalt  }
0x5f: {  	_ =	shalt  }
0x60: {  	_ =	shalt  }
0x61: {  	_ =	shalt  }
0x62: {  	_ =	shalt  }
0x63: {  	_ =	shalt  }
0x64: {  	_ =	shalt  }
0x65: {  	_ =	shalt  }
0x66: {  	_ =	shalt  }
0x67: {  	_ =	shalt  }
0x68: {  	_ =	shalt  }
0x69: {  	_ =	shalt  }
0x6a: {  	_ =	shalt  }
0x6b: {  	_ =	shalt  }
0x6c: {  	_ =	shalt  }
0x6d: {  	_ =	shalt  }
0x6e: {  	_ =	shalt  }
0x6f: {  	_ =	shalt  }
0x70: {  	_ =	shalt  }
0x71: {  	_ =	shalt  }
0x72: {  	_ =	shalt  }
0x73: {  	_ =	shalt  }
0x74: {  	_ =	shalt  }
0x75: {  	_ =	shalt  }
0x76: {  	_ =	shalt  }
0x77: {  	_ =	shalt  }
0x78: {  	_ =	shalt  }
0x79: {  	_ =	shalt  }
0x7a: {  	_ =	shalt  }
0x7b: {  	_ =	shalt  }
0x7c: {  	_ =	shalt  }
0x7d: {  	_ =	shalt  }
0x7e: {  	_ =	shalt  }
0x7f: {  	_ =	shalt  }
0x80: {  	_ =	shalt  }
0x81: {  	_ =	shalt  }
0x82: {  	_ =	shalt  }
0x83: {  	_ =	shalt  }
0x84: {  	_ =	shalt  }
0x85: {  	_ =	shalt  }
0x86: {  	_ =	shalt  }
0x87: {  	_ =	shalt  }
.Lfunc_end0:
.L_simem_size_0:
called_computation.1_lowered:
.L_overlay_start_0:
0x88: {  	s0 =	sld [smem:$0x3FD9]  }
0x89: {  	s1 =	sld [smem:$0x3FFE];
	_ =	sdelay $0x3  }
0x8a: {  	s0 =	sadd.s32 s1, s0  }
0x8b: {  	[smem:$0x3FBD] =	sst s0  }
0x8c: {  	_ = 	snop  }
0x8d: {  	(tm) =	ssettm $0x1  }
0x8e: {  	s15 =	sld [smem:$0x3FFB];
	_ =	sdelay $0x3  }
0x8f: {  	_ =	strace s15  }
0x90: {  	s0 =	sld [smem:$0x3FFC];
	_ =	sdelay $0x3  }
0x91: {  	_ =	strace s0  }
0x92: {  	s0 =	sld [smem:$0x3FFD];
	_ =	sdelay $0x3  }
0x93: {  	_ =	strace s0  }
0x94: {  	_ =	strace $0x8FFFFFFF  }
0x95: {  	s16 =	sld [smem:$0x3FDB];
	_ =	sdelay $0x1  }
0x96: {  	s17 =	simm.s32 $_scs_section_size  }
0x97: {  	s2 =	simm.s32 $_size__tile_overlayer_lowered;
	s3 =	simm.s32 $_tile_overlayer_lowered  }
0x98: {  	s20 =	simm.s32 $0x1BFF;
	s19 =	sshll.u32 s3, $0x1;
	s0 =	sadd.s32 s17, s16  }
0x99: {  	s4 =	simm.s32 $0x0;
	s18 =	sshll.u32 s2, $0x1;
	s2 =	sadd.s32 s19, s0  }
0x9a: {  	[timem:s4], [sflag:s20] =	dma.local [hbm:s2], s18  }
0x9b: {  	_ =	swait.ge [sflag:s20], s18  }
0x9c: {  	s1 =	ssub.s32 $0x0, s18;
	[sflag:s20] =	ssyncset.done $0x0  }
0x9d: {  	[sflag:s20] =	ssyncadd.s32 s1;
	_ =	sdelay $0x1  }
0x9e: {  	s21 =	simm.s32 $0x1B8B  }
0x9f: {  	_ =	swait.ge [sflag:s21], $0x1  }
0xa0: {  	[sflag:s21] =	ssyncset.done $0x0  }
0xa1: {  	s23 =	simm.s32 $0x1B8E;
	s22 =	sld [smem:$0x3FFE];
	[sflag:s21] =	ssyncadd.s32 $0xFFFFFFFF  }
0xa2: {  	s24 =	simm.s32 $execute0_lowered;
	[smem:$0x3FD2] =	sst s23  }
0xa3: {  	s2 =	sshll.u32 s24, $0x1;
	_ =	strace $0x80000046;
	[dreg:$0x1] =	wrdreg $0xFFFFFFFF  }
0xa4: {  	s25 =	simm.s32 $_size_execute0_lowered;
	s0 =	sadd.s32 s0, s2;
	[dreg:$0x0] =	wrdreg $0x0  }
0xa5: {  	s2 =	sshll.u32 s25, $0x1;
	[dreg:$0x2] =	wrdreg s0  }
0xa6: {  	[dreg:$0x3] =	wrdreg s2  }
0xa7: {  	[dreg:$0x4] =	wrdreg $0xC0  }
0xa8: {  	_ =	task [dreg:s4], $0x5FFFF  }
0xa9: {  	[dreg:$0x1] =	wrdreg $0xFFFFFFFF  }
0xaa: {  	[dreg:$0x0] =	wrdreg $0x60  }
0xab: {  	[dreg:$0x2] =	wrdreg s22  }
0xac: {  	[dreg:$0x3] =	wrdreg $0xA  }
0xad: {  	_ =	task.clear_ibuf [dreg:s4], $0x4FFFF;
	_ =	strace $0x90000046  }
0xae: {  	s26 =	simm.s32 $0xA;
	_ =	strace $0x80000048  }
0xaf: {  	_ =	swait.ge [sflag:s26], $0x1  }
0xb0: {  	[sflag:s26] =	ssyncadd.s32 $0xFFFFFFFF  }
0xb1: {  	_ =	strace $0x90000048  }
0xb2: {  	_ =	sfence  }
0xb3: {  	s28 =	sld [smem:$0x0];
	_ =	sdelay $0x1  }
0xb4: {  	s29 =	srdreg.scid  }
0xb5: {  	s30 =	sshll.u32 s29, $0xD;
	s31 =	sshrl.u32 s29, $0x2  }
0xb6: {  	s1 =	sand.u32 $0x1, s29;
	s2 =	sand.u32 $0x4000, s30;
	s0 =	sadd.s32 s31, s28  }
0xb7: {  	s1 =	sor.u32 s2, s1;
	s0 =	sshll.u32 s0, $0x11  }
0xb8: {  	s0 =	sor.u32 s0, s1  }
0xb9: {  	s0 =	sadd.s32 $0x8F2B, s0  }
0xba: {  	[sflag:s0] =	ssyncadd.remote.s32 $0x1  }
0xbb: {  	_ =	sfence.sel $0xFFFF  }
0xbc: {  	[dreg:$0x0] =	wrdreg $0xFFFFFFFF;
	(pc) =	sbr.abs _section_cstart, $3  }
0xbd: {  	[dreg:$0x1] =	wrdreg $0xFFFFFFFF  }
0xbe: {  	_ =	task.clear_ibuf [dreg:s4], $0x2FFFF;
	_ =	strace $0x9FFFFFFF  }
0xbf: {  	(tm) =	ssettm $0x7FFFFFFF  }
tec
execute0_lowered:
.L_overlay_start_1:
0x0: {  	(tag) =	ssettag $0x1  }
0x1: {  	s14 =	stileid.u32  }
0x2: {  	s0 =	rddreg [dreg:$0x0];
	_ =	strace $0x80000047;
	s1 =	smin.u32 s14, $0xC  }
0x3: {  	s2 =	simm.s32 $0x1;
	p0 =	slt.u32 s14, $0xC;
	s1 =	sadd.s32 s14, s1  }
0x4: {  	v1 =	vimm.s32 $0xFFFFFFFF;
	[sflag:s2] =	ssyncpa.u1 $0x0;
	s3 =	smul.u32 $0xE0, s1;
	s1 =	simm.s32 $0x1C0  }
0x5: {  	[tilespmem:$0x10] =	vst v1;
	s1 =	simm.s32 @!p0 $0xE0  }
0x6: {  	v0 =	vimm.f32 $0.0e+00;
	[tilespmem:$0x20] =	vst v1;
	s1 =	sadd.s32 s1, s3  }
0x7: {  	[tilespmem:$0x30] =	vst v0;
	s4 =	smin.u32 s1, $0x1880  }
0x8: {  	[tilespmem:$0x40] =	vst v0;
	s9 =	ssub.s32 s4, s3  }
0x9: {  	[tilespmem:$0x50] =	vst v0;
	p0 =	sgt.s32 s9, $0x0  }
0xa: {  	[tilespmem:$0x60] =	vst v1;
	s9 =	simm.s32 @!p0 $0x0  }
0xb: {  	s7 =	simm.s32 $0x2;
	s8 =	simm.s32 $0x8;
	[tilespmem:$0x70] =	vst v1;
	s30 =	sand.u32 $0xFFE0, s9  }
0xc: {  	s31 =	simm.s32 $0x9;
	s16 =	simm.s32 $0x0;
	[tilespmem:$0x80] =	vst v1;
	s1 =	sshrl.u32 s30, $0x5  }
0xd: {  	s17 =	simm.s32 $0xF0;
	s18 =	simm.s32 $0xFFFFFFFF;
	v1 =	vimm.s32 $0x0;
	[tilespmem:$0xB0] =	vst v0;
	s5 =	smul.u32 $0x2493, s1  }
0xe: {  	s19 =	simm.s32 $0xFFFFFF40;
	s20 =	simm.s32 $0xFFFFFFFE;
	s21 =	simm.s32 $0xF;
	[tilespmem:$0x90] =	vst v1  }
0xf: {  	[tilespmem:$0xA0] =	vst v1;
	[sflag:s7] =	ssyncpa.u1 $0x0;
	s7 =	simm.s32 $0x7;
	s10 =	sshrl.u32 s5, $0x10  }
0x10: {  	s25 =	simm.s32 $0x0;
	[sflag:s7] =	ssyncpa.u1 $0x0;
	s11 =	smul.u32 $0xE0, s10  }
0x11: {  	s24 =	simm.s32 $0x0;
	s6 =	sadd.s32 $0x800, s0;
	[sflag:s8] =	ssyncpa.u1 $0x0  }
.Ltmp0:
0x12: {  	s23 =	smov.u32 s3;
	p0 =	sne.s32 s9, s11;
	(pc) =	sbr.rel .LBB2_1-.Ltmp0, $4  }
0x13: {  	[sflag:s31] =	ssyncpa.u1 $0x0;
	s1 =	sadd.s32 $0x31C00, s0;
	s2 =	simm.s32 @!p0 $0x0  }
0x14: {  	s5 =	sadd.s32 $0x400, s0;
	p0 =	por $0x0, $0x0;
	s9 =	sadd.s32 s10, s2  }
0x15: {  	vm0 =	vmmov $0xffff;
	v2 =	vlaneseq.u32;
	s10 =	sshll.u32 s14, $0x1;
	s14 =	sshllo.u32 s14, $0x1;
	s11 =	sadd.s32 $0x1, s9  }
0x16: {  	vm1 =	vmxor vm1, vm1;
	vm2 =	vmmov $0x1;
	vm3 =	vcmask $0x3F3C;
	s12 =	sadd.s32 $0x2, s9;
	s13 =	sor.u32 $0x81, s10;
	s15 =	sor.u32 $0x80, s10  }
.LBB2_9:
0x17: {  	p1 =	slt.u32 s24, $0x3  }
0x18: {  	s0 =	simm.s32 @!p1 $0x2  }
0x19: {  	_ =	swait.ge @!p1 [sflag:s0], $0xE0  }
0x1a: {  	[sflag:s0] =	ssyncset.done @!p1 $0x0  }
0x1b: {  	[sflag:s0] =	ssyncadd.s32 @!p1 $0xFFFFFF20;
	s0 =	simm.s32 @!p1 $0x9  }
0x1c: {  	_ =	swait.ge @!p1 [sflag:s0], $0x10  }
0x1d: {  	[sflag:s0] =	ssyncset.done @!p1 $0x0  }
0x1e: {  	[sflag:s0] =	ssyncadd.s32 @!p1 $0xFFFFFFF0;
	p1 =	sne.s32 s24, s12  }
.Ltmp1:
0x1f: {  	s2 =	sadd.s32 $0xE0, s23;
	(pc) =	sbr.rel @!p1 .LBB2_10-.Ltmp1, $4  }
0x20: {  	s22 =	smov.u32 s3;
	s31 =	sadd.s32 $0x1, s24;
	s17 =	sadd.s32 $0xE0, s17  }
0x21: {  	s18 =	sadd.s32 $0x1, s18;
	s25 =	smov.u32 s23;
	p2 =	slt.s32 s2, s4  }
0x22: {  	p0 =	por !p0, !p0;
	s19 =	sadd.s32 $0xE0, s19;
	s22 =	smov.u32 @p2 s2  }
0x23: {  	s20 =	sadd.s32 $0x1, s20;
	s23 =	smov.u32 s22;
	s24 =	smov.u32 s31  }
.LBB2_1:
0x24: {  	p1 =	sge.u32 s24, s9  }
0x25: {  	s0 =	smulhi.u32 @!p1 $0xAAAAAAAB, s24;
	_ =	sdelay $0x1  }
0x26: {  	s0 =	sshrl.u32 @!p1 s0, $0x1  }
0x27: {  	s0 =	smul.u32 @!p1 $0x3, s0;
	_ =	sdelay $0x1  }
0x28: {  	s0 =	ssub.s32 @!p1 s24, s0  }
0x29: {  	s0 =	smul.u32 @!p1 $0x380, s0;
	_ =	sdelay $0x1  }
0x2a: {  	s2 =	sshrl.u32 @!p1 s23, $0x3;
	s0 =	sshrl.u32 @!p1 s0, $0x2  }
0x2b: {  	s22 =	sand.u32 @!p1 $0x7, s23;
	s2 =	sadd.s32 @!p1 s5, s2;
	s0 =	sadd.s32 @!p1 $0x100, s0  }
0x2c: {  	[tilespmem:s0], [sflag:$0x7] =	stream.linear.gather @!p1 [hbm4b:s2+s22], $0xE0, $0x38;
	[tilespmem:$0x900] =	vst v63  }
0x2d: {  	s0 =	sadd.s32 $0xFFFFFFFF, s24  }
0x2e: {  	p1 =	sge.u32 s0, s9  }
.Ltmp2:
0x2f: {  	_ = 	snop;
	(pc) =	sbr.rel @p1 .LBB2_5-.Ltmp2, $1  }
0x30: {  	_ =	sdelay $0x3  }
0x31: {  	s2 =	smulhi.u32 $0xAAAAAAAB, s0;
	_ =	sdelay $0x1  }
0x32: {  	s2 =	sshrl.u32 s2, $0x1  }
0x33: {  	s2 =	smul.u32 $0x3, s2;
	_ =	sdelay $0x1  }
0x34: {  	s2 =	ssub.s32 s0, s2  }
0x35: {  	s2 =	smul.u32 $0x380, s2  }
0x36: {  	_ =	swait.ge [sflag:s7], $0xE0  }
0x37: {  	[sflag:s7] =	ssyncset.done $0x0;
	s2 =	sshrl.u32 s2, $0x2  }
0x38: {  	[sflag:s7] =	ssyncadd.s32 $0xFFFFFF20;
	(ifvalue) =	ssetifvalue $0xFFFFFFFF;
	v3 =	vld.msk [tilespmem:s2+$0x100 ss:$0x1], $0xffff;
	_ =	sdelay $0x2  }
0x39: {  	s30 =	smulhi.u32 $0xAAAAAAAB, s18;
	p1 =	sne.s32 s24, $0x1  }
0x3a: {  	v4 =	vimm.s32 @!p1 $0x0  }
0x3b: {  	s2 =	sshrl.u32 s30, $0x1;
	v4 =	vperm.xlane @!p1 v3, v4  }
0x3c: {  	s22 =	sshll.u32 s24, $0x4;
	s2 =	smul.u32 $0xFFFFF580, s2;
	vm4 =	vlt.u32 v3, $0x1C00  }
0x3d: {  	s22 =	sand.u32 $0x10, s22;
	v3 =	vnsel vm4, $0xFFFFFFFE, v3;
	vm4 =	vlt.u32 @!p1 v4, $0x1C00  }
0x3e: {  	s2 =	sshra.s32 s2, $0x2;
	[tilespmem:s22+$0x60] =	vst v3;
	v3 =	vnsel @!p1 vm4, $0xFFFFFFFE, v4  }
0x3f: {  	s28 =	sadd.s32 s2, s17;
	[tilespmem:$0x80] =	vst @!p1 v3  }
0x40: {  	v3 =	vld.msk [tilespmem:s28+$0x0 ss:$0x1], $0xffff;
	_ =	sdelay $0x4  }
0x41: {  	(xrf1) =	vunique.msk.u32 $0xffff, v3;
	_ =	sdelay $0xd  }
0x42: {  	v4 =	vimm.s32 $0xFFFFFFFF;
	v5, _, _ =	vpop (xrf1)  }
0x43: {  	vm5 =	vne.s32 v3, v4;
	vm4 =	veq.s32 v5, v2  }
0x44: {  	vm6 =	vlt.u32 v3, $0x1C00;
	vm4 =	vmand vm5, vm4  }
0x45: {  	vm4 =	vmand vm6, vm4  }
0x46: {  	v4 =	vnsel vm4, $0xFFFFFFFF, v3  }
0x47: {  	s31 =	sand.u32 $0x1, s0  }
0x48: {  	s0 =	simm.s32 $0xE0;
	p1 =	seq.s32 s31, $0x1  }
0x49: {  	s0 =	simm.s32 @!p1 $0x0  }
0x4a: {  	s26 =	sadd.s32 $0x470, s0;
	(ifvalue) =	ssetifvalue $0xFFFFFFFF  }
0x4b: {  	v3 =	vperm.xlane v3, v1;
	[tilespmem:s26], [sflag:$0x8] =	stream.indirect_vreg.gather [hbm4b:s1+s16], $0x1, v4, vm0, $0x4038;
	v4 =	vnsel vm6, $0xFFFFFFFE, v4;
	[tilespmem:$0x900] =	vst v63  }
0x4c: {  	s2 =	simm.s32 $0x0;
	s22 =	sadd.s32 $0xFFFFFFF0, s28;
	[tilespmem:s28+$0x0] =	vst v4  }
.LBB2_3:
0x4d: {  	v4 =	vld.msk [tilespmem:s22+$0x0 ss:$0x1], $0xffff;
	s2 =	sadd.s32 $0x10, s2;
	v5 =	vmov v3;
	s28 =	smov.u32 s22  }
0x4e: {  	p1 =	slt.u32 s2, $0xD0;
	_ =	sdelay $0x4  }
0x4f: {  	v3 =	vperm.xlane v4, v1;
	(xrf1) =	vunique.msk.u32 $0xffff, v4;
	_ =	sdelay $0xd  }
0x50: {  	v6, _, _ =	vpop (xrf1)  }
0x51: {  	vm5 =	vne.s32 v4, v5;
	vm4 =	veq.s32 v6, v2  }
0x52: {  	vm6 =	vlt.u32 v4, $0x1C00;
	vm4 =	vmand vm5, vm4  }
0x53: {  	vm4 =	vmand vm6, vm4  }
0x54: {  	v4 =	vnsel vm4, $0xFFFFFFFF, v4  }
.Ltmp3:
0x55: {  	v5 =	vnsel vm6, $0xFFFFFFFE, v4;
	(pc) =	sbr.rel @p1 .LBB2_3-.Ltmp3, $3  }
0x56: {  	_ =	sdelay $0x1  }
0x57: {  	s22 =	sadd.s32 $0xFFFFFFF0, s22;
	s26 =	sadd.s32 $0xFFFFFFF0, s26;
	(ifvalue) =	ssetifvalue $0xFFFFFFFF  }
0x58: {  	[tilespmem:s26], [sflag:$0x8] =	stream.indirect_vreg.gather [hbm4b:s1+s16], $0x1, v4, vm0, $0x4038;
	[tilespmem:s28+$0x0] =	vst v5  }
0x59: {  	s2 =	sshrl.u32 s25, $0x3  }
0x5a: {  	s0 =	sadd.s32 $0x560, s0;
	s2 =	sadd.s32 s6, s2  }
0x5b: {  	[tilespmem:s0], [sflag:$0x8] =	stream.linear.gather [hbm:s2], $0xE0, $0x38;
	[tilespmem:$0x900] =	vst v63  }
.LBB2_5:
0x5c: {  	p1 =	slt.u32 s24, $0x2  }
0x5d: {  	p2 =	sge.u32 @!p1 s24, s12  }
0x5e: {  	p1 =	por p1, p2  }
.Ltmp4:
0x5f: {  	_ = 	snop;
	(pc) =	sbr.rel @p1 .LBB2_9-.Ltmp4, $1  }
0x60: {  	_ =	sdelay $0x3  }
0x61: {  	s0 =	sadd.s32 $0xFFFFFFFE, s24  }
0x62: {  	s2 =	smulhi.u32 $0xAAAAAAAB, s0;
	_ =	sdelay $0x1  }
0x63: {  	s2 =	sshrl.u32 s2, $0x1  }
0x64: {  	s2 =	smul.u32 $0x3, s2;
	_ =	sdelay $0x1  }
0x65: {  	s0 =	ssub.s32 s0, s2  }
0x66: {  	_ =	swait.ge [sflag:s8], $0x1C0;
	s0 =	smul.u32 $0xE0, s0  }
0x67: {  	p1 =	sne.s32 s24, s11;
	[sflag:s8] =	ssyncset.done $0x0  }
0x68: {  	[sflag:s8] =	ssyncadd.s32 $0xFFFFFE40;
	s2 =	sadd.s32 @!p1 $0x1DF, s0  }
0x69: {  	[spmem:s13] =	stream.linear.scatter @!p1 [tilespmem:s2], [sflag:$0x1], $0x1, $0x38;
	[tilespmem:$0x900] =	vst v63  }
0x6a: {  	s2 =	simm.s32 @!p1 $0x1  }
0x6b: {  	_ =	swait.ge @!p1 [sflag:s2], $0x1  }
0x6c: {  	s22 =	sshll.u32 s24, $0x4;
	[sflag:s2] =	ssyncset.done @!p1 $0x0  }
0x6d: {  	s25 =	sand.u32 $0x10, s22;
	[sflag:s2] =	ssyncadd.s32 @!p1 $0xFFFFFFFF  }
0x6e: {  	s2 =	sxor.u32 $0x10, s25;
	v4 =	vld [tilespmem:s25+$0x10]  }
0x6f: {  	v5 =	vld [tilespmem:s2+$0x60]  }
0x70: {  	v3 =	vld [tilespmem:$0x80];
	_ =	sdelay $0x2  }
0x71: {  	(v2sf) =	vpush v4, $0x0  }
0x72: {  	(v2sf) =	vpush v5, $0x0  }
0x73: {  	(v2sf) =	vpush v3, $0x0;
	_ =	sdelay $0xc  }
0x74: {  	s22 =	spop (v2sf)  }
0x75: {  	s26 =	spop (v2sf)  }
0x76: {  	s28 =	spop (v2sf)  }
0x77: {  	p2 =	seq.s32 s22, s26;
	p3 =	seq.s32 s28, s22  }
0x78: {  	p3 =	por p2, p3  }
0x79: {  	s26 =	sand.u32 $0x1, s24;
	v4 =	vpsel p3, $0xFFFFFFFF, v4  }
0x7a: {  	s29 =	smul.u32 $0xE0, s26;
	[tilespmem:s25+$0x10] =	vst.msk $0x1, v4  }
0x7b: {  	v4 =	vld [tilespmem:$0x30]  }
0x7c: {  	v5 =	vld [tilespmem:s29+$0x560]  }
0x7d: {  	v6 =	vld [tilespmem:s25+$0x40];
	_ =	sdelay $0x3  }
0x7e: {  	vm4 =	vmmov vm1;
	v5 =	vadd.f32 v5, v4  }
0x7f: {  	vm5 =	vmmov vm2;
	vm4 =	vmmov @p2 vm2;
	s22 =	sshll.u32 s26, $0x4;
	v4 =	vadd.f32 v6, v4  }
0x80: {  	s26 =	sor.u32 $0x8E0, s22;
	vm5 =	vmmov @p3 vm1;
	[tilespmem:s29+$0x560] =	vst.msk vm4, v5  }
0x81: {  	[tilespmem:s26+$0x0] =	vst.msk vm5, v4  }
0x82: {  	v4 =	vld [tilespmem:s29+$0x470];
	_ =	sdelay $0x3  }
0x83: {  	v5 =	vimm.f32 $0.0e+00  }
0x84: {  	v4 =	vshift.insert v4, v5, s21  }
0x85: {  	s22 =	sor.u32 $0x40, s2  }
0x86: {  	[tilespmem:s22+$0x0] =	vst.msk $0x1, v4  }
0x87: {  	[tilespmem:s29+$0x47F] =	vst.msk $0x1, v5  }
0x88: {  	v4 =	vld [tilespmem:s0+$0x1D0];
	_ =	sdelay $0x1  }
0x89: {  	s22 =	smulhi.u32 $0xAAAAAAAB, s20;
	s0 =	simm.s32 $0x1  }
0x8a: {  	s0 =	simm.s32 @!p0 $0x0  }
0x8b: {  	s22 =	sshrl.u32 s22, $0x1;
	s0 =	smul.u32 $0x380, s0  }
0x8c: {  	s22 =	smul.u32 $0xFFFFF580, s22;
	v4 =	vshift.insert v4, v1, s21  }
0x8d: {  	s0 =	sshrl.u32 s0, $0x2  }
0x8e: {  	s22 =	sshra.s32 s22, $0x2;
	s30 =	sadd.s32 $0x560, s0;
	[tilespmem:s2+$0x10] =	vst.msk $0x1, v4  }
0x8f: {  	s22 =	sadd.s32 s22, s19;
	v6 =	vld [tilespmem:s30+$0x0]  }
0x90: {  	v7 =	vld [tilespmem:s22+$0x0];
	_ =	sdelay $0x3  }
0x91: {  	v5 =	vadd.f32 v6, v5  }
0x92: {  	vm4 =	vne.s32 v7, $0xFFFFFFFF  }
0x93: {  	(xrf2) =	vadd.seg.scan.f32 vm4, v5;
	_ =	sdelay $0x3  }
0x94: {  	s31 =	sadd.s32 $0x3A0, s0;
	v5 =	vperm.xlane v4, v1  }
0x95: {  	v6 =	vld [tilespmem:s31+$0x0]  }
0x96: {  	vm5 =	veq.s32 v7, v3;
	vm6 =	veq.s32 v7, v5  }
0x97: {  	vm7 =	vgt.u32 v7, $0xFFFFFFFD;
	vm6 =	vmor vm6, vm5  }
0x98: {  	vm6 =	vmor vm6, vm7  }
0x99: {  	v9 =	vld [tilespmem:$0xA0];
	v7 =	vsel vm6, $0xFFFFFFFF, v7  }
0x9a: {  	v10 =	vld [tilespmem:$0x90];
	v6 =	vsel vm5, $0x0, v6;
	v8, _, _ =	vpop (xrf2)  }
0x9b: {  	v6 =	vadd.f32 v8, v6  }
0x9c: {  	s0 =	sadd.s32 $0x720, s0  }
0x9d: {  	vm4 =	vmand vm4, vm3;
	[tilespmem:s0+$0x0] =	vst v6;
	(ifvalue) =	ssetifvalue $0xFFFFFFFF  }
0x9e: {  	vm6 =	veq.s32 v9, $0x1;
	[hbm4b:s1+s16] =	stream.indirect_vreg.scatter [tilespmem:s0], [sflag:$0x2], $0x1, v7, vm0, $0x4038;
	v7 =	vsel vm4, $0x0, v8;
	[tilespmem:$0x900] =	vst v63  }
0x9f: {  	s2 =	simm.s32 $0x0;
	s22 =	sadd.s32 $0x10, s22;
	vm4 =	vmor vm6, vm5;
	v6 =	vsel vm5, v8, v10;
	v7 =	vshift.insert v7, v0, s21  }
.LBB2_7:
0xa0: {  	v8 =	vld [tilespmem:s22+$0x0];
	s30 =	sadd.s32 $0x10, s30  }
0xa1: {  	s31 =	sadd.s32 $0x10, s31;
	v9 =	vld [tilespmem:s30+$0x0]  }
0xa2: {  	s2 =	sadd.s32 $0x10, s2;
	v10 =	vld [tilespmem:s31+$0x0]  }
0xa3: {  	p2 =	slt.u32 s2, $0xD0;
	_ =	sdelay $0x2  }
0xa4: {  	v7 =	vadd.f32 v9, v7  }
0xa5: {  	vm5 =	vne.s32 v8, $0xFFFFFFFF  }
0xa6: {  	vm6 =	vmand vm5, vm3;
	(xrf2) =	vadd.seg.scan.f32 vm5, v7;
	_ =	sdelay $0x5  }
0xa7: {  	vm7 =	veq.s32 v8, v5;
	vm5 =	veq.s32 v8, v3  }
0xa8: {  	vm8 =	vgt.u32 v8, $0xFFFFFFFD;
	vm4 =	vmor vm4, vm5;
	vm7 =	vmor vm7, vm5  }
0xa9: {  	vm7 =	vmor vm7, vm8  }
0xaa: {  	v8 =	vsel vm7, $0xFFFFFFFF, v8  }
.Ltmp5:
0xab: {  	v7 =	vsel vm5, $0x0, v10;
	v9, _, _ =	vpop (xrf2);
	(pc) =	sbr.rel @p2 .LBB2_7-.Ltmp5, $4  }
0xac: {  	v6 =	vsel vm5, v9, v6;
	v10 =	vadd.f32 v9, v7;
	v7 =	vsel vm6, $0x0, v9  }
0xad: {  	s0 =	sadd.s32 $0x10, s0;
	v7 =	vshift.insert v7, v0, s21  }
0xae: {  	s22 =	sadd.s32 $0x10, s22;
	[tilespmem:s0+$0x0] =	vst v10;
	(ifvalue) =	ssetifvalue $0xFFFFFFFF  }
0xaf: {  	[hbm4b:s1+s16] =	stream.indirect_vreg.scatter [tilespmem:s0], [sflag:$0x2], $0x1, v8, vm0, $0x4038;
	[tilespmem:$0x900] =	vst v63  }
0xb0: {  	v3 =	vld [tilespmem:s29+$0x7F0];
	_ =	sdelay $0x4  }
0xb1: {  	v3 =	vshift.insert v3, v0, s21  }
0xb2: {  	s0 =	simm.s32 $0x30  }
0xb3: {  	[tilespmem:s0+$0x0] =	vst.msk $0x1, v3  }
0xb4: {  	v3 =	vsel vm4, $0x1, v1;
	[tilespmem:$0x90] =	vst v6  }
0xb5: {  	s0 =	sadd.s32 @!p1 $0x7FF, s29;
	[tilespmem:$0xA0] =	vst v3  }
0xb6: {  	[spmem:s14] =	stream.linear.scatter @!p1 [tilespmem:s0], [sflag:$0x1], $0x1, $0x38;
	[tilespmem:$0x900] =	vst v63  }
0xb7: {  	s0 =	simm.s32 @!p1 $0x1  }
0xb8: {  	v3 =	vmctz.xlane @!p1 vm4;
	_ =	swait.ge @!p1 [sflag:s0], $0x1  }
0xb9: {  	(v2sf) =	vpush @!p1 v4, $0x0  }
0xba: {  	(v2sf) =	vpush @!p1 v3, $0x0;
	_ =	sdelay $0xd  }
0xbb: {  	s2 =	spop @!p1 (v2sf)  }
0xbc: {  	s22 =	spop @!p1 (v2sf)  }
0xbd: {  	p2 =	sne.s32 @!p1 s28, s2;
	p3 =	slt.s32 @!p1 s22, $0xF  }
0xbe: {  	[sflag:s0] =	ssyncset.done @!p1 $0x0;
	p2 =	por p2, p1;
	p3 =	por !p3, p1  }
0xbf: {  	[sflag:s0] =	ssyncadd.s32 @!p1 $0xFFFFFFFF;
	v3 =	vimm.s32 @!p2 $0xFFFFFFFF;
	s22 =	simm.s32 @p3 $0xF  }
0xc0: {  	[tilespmem:$0x80] =	vst @!p2 v3;
	s2 =	sadd.s32 @!p1 $0x90, s22  }
0xc1: {  	[spmem:s10] =	stream.linear.scatter @!p1 [tilespmem:s2], [sflag:$0x1], $0x1, $0x38;
	[tilespmem:$0x900] =	vst v63  }
0xc2: {  	_ =	swait.ge @!p1 [sflag:s0], $0x1  }
0xc3: {  	[sflag:s0] =	ssyncset.done @!p1 $0x0  }
0xc4: {  	s2 =	simm.s32 @!p1 $0x80;
	[sflag:s0] =	ssyncadd.s32 @!p1 $0xFFFFFFFF  }
0xc5: {  	[spmem:s15] =	stream.linear.scatter @!p1 [tilespmem:s2], [sflag:$0x1], $0x1, $0x38;
	[tilespmem:$0x900] =	vst v63  }
0xc6: {  	_ =	swait.ge @!p1 [sflag:s0], $0x1  }
0xc7: {  	[sflag:s0] =	ssyncset.done @!p1 $0x0  }
0xc8: {  	[sflag:s0] =	ssyncadd.s32 @!p1 $0xFFFFFFFF;
	(ifvalue) =	ssetifvalue $0xFFFFFFFF;
	v3 =	vld [tilespmem:s25+$0x10];
	_ =	sdelay $0x3  }
.Ltmp6:
0xc9: {  	_ = 	snop;
	(pc) =	sbr.rel .LBB2_9-.Ltmp6, $3  }
0xca: {  	_ =	sdelay $0x1  }
0xcb: {  	(ifvalue) =	ssetifvalue $0xFFFFFFFF  }
0xcc: {  	[hbm4b:s1+s16] =	stream.indirect_vreg.scatter [tilespmem:s26], [sflag:$0x9], $0x1, v3, vm0, $0x4038;
	[tilespmem:$0x900] =	vst v63  }
.LBB2_10:
0xcd: {  	_ =	sfence.sel $0x180000  }
0xce: {  	s0 =	simm.s32 $0x7;
	[bflag:$0x0] =	sbarrier.arrive $0xFFFF  }
0xcf: {  	s26 =	simm.s32 $0x8;
	[sflag:s0] =	ssyncpa.u1 $0x1  }
0xd0: {  	s28 =	simm.s32 $0x9;
	[sflag:s26] =	ssyncpa.u1 $0x1  }
0xd1: {  	[sflag:s28] =	ssyncpa.u1 $0x1  }
0xd2: {  	_ =	sfence.stream.spmem  }
0xd3: {  	s29 =	simm.s32 $0x3;
	[bflag:$0x0] =	sbarrier.arrive $0xFFFF  }
0xd4: {  	s30 =	simm.s32 $0x4;
	[sflag:s29] =	ssyncpa.u1 $0x1  }
0xd5: {  	s31 =	simm.s32 $0x3C;
	s2 =	stileid.u32;
	[sflag:s30] =	ssyncpa.u1 $0x1  }
0xd6: {  	p0 =	sne.s32 s2, $0x0;
	[sflag:s31] =	ssyncpa.u1 $0x1  }
0xd7: {  	s0 =	simm.s32 @p0 $0x1;
	_ =	sfence @p0  }
0xd8: {  	[sflag:s0] =	ssyncpa.u1 @p0 $0x1;
	s0 =	simm.s32 @p0 $0x2  }
0xd9: {  	[sflag:s0] =	ssyncpa.u1 @p0 $0x1  }
0xda: {  	_ =	strace @p0 $0x90000047  }
0xdb: {  	[bflag:$0x2] =	sbarrier.arrive @p0 $0xFFFF  }
0xdc: {  	_ =	shalt @p0  }
.LBB2_11:
0xdd: {  	_ =	sfence.stream.spmem;
	s0 =	simm.s32 $0x5  }
0xde: {  	s2 =	simm.s32 $0x80;
	s3 =	simm.s32 $0xC0;
	[sflag:s0] =	ssyncpa.u1 $0x0  }
0xdf: {  	[tilespmem:s3], [sflag:$0x5] =	stream.linear.gather [spmem:s2], $0x20, $0x38;
	[tilespmem:$0x900] =	vst v63  }
0xe0: {  	s2 =	simm.s32 $0x0;
	s3 =	simm.s32 $0xE0  }
0xe1: {  	[tilespmem:s3], [sflag:$0x5] =	stream.linear.gather [spmem:s2], $0x20, $0x38;
	[tilespmem:$0x900] =	vst v63  }
.Ltmp7:
0xe2: {  	_ = 	snop;
	(pc) =	sbr.rel .LBB2_12-.Ltmp7, $4  }
0xe3: {  	_ =	swait.ge [sflag:s0], $0x40  }
0xe4: {  	[sflag:s0] =	ssyncset.done $0x0  }
0xe5: {  	s31 =	simm.s32 $0x6;
	[sflag:s0] =	ssyncadd.s32 $0xFFFFFFC0  }
0xe6: {  	s4 =	simm.s32 $0x0;
	[sflag:s31] =	ssyncpa.u1 $0x0  }
.LBB2_17:
0xe7: {  	p0 =	sgt.u32 s5, $0x1BFF  }
0xe8: {  	s0 =	sshrl.u32 @!p0 s5, $0x3  }
0xe9: {  	s5 =	sand.u32 @!p0 $0x7, s5;
	s6 =	simm.s32 @!p0 $0xB0;
	s0 =	sadd.s32 @!p0 s1, s0  }
0xea: {  	[tilespmem:s6], [sflag:$0x6] =	stream.linear.gather @!p0 [hbm4b:s0+s5], $0x1, $0x38;
	[tilespmem:$0x900] =	vst v63  }
0xeb: {  	s0 =	simm.s32 @!p0 $0x6  }
0xec: {  	_ =	swait.ge @!p0 [sflag:s0], $0x1  }
0xed: {  	[sflag:s0] =	ssyncset.done @!p0 $0x0  }
0xee: {  	[sflag:s0] =	ssyncadd.s32 @!p0 $0xFFFFFFFF  }
0xef: {  	v2 =	vmov @!p0 s4;
	v1 =	vld.msk @!p0 [tilespmem:$0xB0], $0x1;
	_ =	sdelay $0x3  }
0xf0: {  	s0 =	simm.s32 @!p0 $0xE0  }
0xf1: {  	[tilespmem:v2+s0+$0x0], v1 =	vst.idx.ret.add.f32.msk @!p0 $0x1, v1  }
0xf2: {  	[tilespmem:s2+$0xC0] =	vst.msk $0x1, v0  }
0xf3: {  	v0 =	vld.msk [tilespmem:s4+$0xE0], $0x1;
	_ =	sdelay $0x4  }
0xf4: {  	[tilespmem:s2+$0xE0] =	vst.msk $0x1, v0;
	s2 =	sadd.s32 $0x1, s2  }
.LBB2_19:
0xf5: {  	s4 =	sadd.s32 $0x1, s4  }
0xf6: {  	p0 =	sne.s32 s4, $0x20  }
.Ltmp8:
0xf7: {  	_ = 	snop;
	(pc) =	sbr.rel @!p0 .LBB2_20-.Ltmp8, $1  }
0xf8: {  	_ =	sdelay $0x3  }
.LBB2_12:
0xf9: {  	v0 =	vld.msk [tilespmem:s4+$0xC0], $0x1;
	_ =	sdelay $0x4  }
0xfa: {  	(v2sf) =	vpush v0, $0x0;
	_ =	sdelay $0xe  }
0xfb: {  	s5 =	spop (v2sf)  }
0xfc: {  	p0 =	seq.s32 s5, $0xFFFFFFFF  }
.Ltmp9:
0xfd: {  	_ = 	snop;
	(pc) =	sbr.rel @p0 .LBB2_19-.Ltmp9, $1  }
0xfe: {  	_ =	sdelay $0x3  }
0xff: {  	p0 =	slt.s32 s2, $0x1  }
.Ltmp10:
0x100: {  	_ = 	snop;
	(pc) =	sbr.rel @p0 .LBB2_17-.Ltmp10, $1  }
0x101: {  	_ =	sdelay $0x3  }
0x102: {  	s0 =	simm.s32 $0xC0;
	p0 =	por $0x0, $0x0  }
0x103: {  	v1 =	vld.msk @!p0 [tilespmem:s0+$0x0], $0x1;
	_ =	sdelay $0x4  }
0x104: {  	(v2sf) =	vpush @!p0 v1, $0x0;
	_ =	sdelay $0xd  }
0x105: {  	p2 =	sne.s32 s2, $0x1  }
.Ltmp11:
0x106: {  	s6 =	spop @!p0 (v2sf);
	(pc) =	sbr.rel @!p2 .LBB2_16-.Ltmp11, $4  }
0x107: {  	p1 =	seq.s32 @!p0 s5, s6  }
0x108: {  	s6 =	simm.s32 $0x0;
	p1 =	por !p1, p0  }
0x109: {  	s8 =	simm.s32 $0xFFFFFFFF;
	s6 =	simm.s32 @p1 $0xFFFFFFFF  }
0x10a: {  	s7 =	simm.s32 $0x1;
	s6 =	smov.u32 @p0 s8  }
.LBB2_15:
0x10b: {  	s8 =	smov.u32 s6;
	p0 =	sne.s32 s6, $0xFFFFFFFF  }
0x10c: {  	s0 =	sadd.s32 $0x1, s0;
	s6 =	smov.u32 s7;
	s7 =	sadd.s32 $0x1, s7  }
0x10d: {  	p1 =	sne.s32 s2, s7;
	v1 =	vld.msk @!p0 [tilespmem:s0+$0x0], $0x1;
	_ =	sdelay $0x4  }
0x10e: {  	(v2sf) =	vpush @!p0 v1, $0x0;
	_ =	sdelay $0xe  }
.Ltmp12:
0x10f: {  	s9 =	spop @!p0 (v2sf);
	(pc) =	sbr.rel @p1 .LBB2_15-.Ltmp12, $4  }
0x110: {  	p2 =	seq.s32 @!p0 s5, s9  }
0x111: {  	p2 =	por !p2, p0  }
0x112: {  	s6 =	simm.s32 @p2 $0xFFFFFFFF  }
0x113: {  	s6 =	smov.u32 @p0 s8  }
.LBB2_16:
0x114: {  	p0 =	sne.s32 s6, $0xFFFFFFFF  }
.Ltmp13:
0x115: {  	_ = 	snop;
	(pc) =	sbr.rel @!p0 .LBB2_17-.Ltmp13, $1  }
0x116: {  	_ =	sdelay $0x3  }
0x117: {  	v0 =	vld.msk [tilespmem:s4+$0xE0], $0x1;
	v1 =	vmov s6  }
.Ltmp14:
0x118: {  	_ = 	snop;
	(pc) =	sbr.rel .LBB2_19-.Ltmp14, $2  }
0x119: {  	_ =	sdelay $0x2  }
0x11a: {  	[tilespmem:v1+s3+$0x0], v0 =	vst.idx.ret.add.f32.msk $0x1, v0  }
.LBB2_20:
0x11b: {  	p0 =	slt.s32 s2, $0x1  }
.Ltmp15:
0x11c: {  	_ = 	snop;
	(pc) =	sbr.rel @p0 .LBB2_24-.Ltmp15, $3  }
0x11d: {  	_ =	sdelay $0x1  }
0x11e: {  	s0 =	simm.s32 $0x6  }
0x11f: {  	s3 =	simm.s32 $0x0;
	[sflag:s0] =	ssyncpa.u1 $0x1  }
0x120: {  	s0 =	simm.s32 $0xC0  }
0x121: {  	v0 =	vld.msk [tilespmem:s0+$0x0], $0x1;
	_ =	sdelay $0x4  }
0x122: {  	(v2sf) =	vpush v0, $0x0;
	_ =	sdelay $0xe  }
0x123: {  	s2 =	sadd.s32 $0xFFFFFFFF, s2;
	s4 =	spop (v2sf)  }
0x124: {  	p1 =	sne.s32 s2, $0x0;
	p0 =	sgt.u32 s4, $0x1BFF  }
.Ltmp16:
0x125: {  	s5 =	sshrl.u32 @!p0 s4, $0x3;
	(pc) =	sbr.rel @!p1 .LBB2_23-.Ltmp16, $4  }
0x126: {  	s0 =	simm.s32 $0xE0;
	s4 =	sand.u32 @!p0 $0x7, s4;
	s5 =	sadd.s32 @!p0 s1, s5  }
0x127: {  	[hbm4b:s5+s4] =	stream.linear.scatter @!p0 [tilespmem:s0], [sflag:$0x5], $0x1, $0x38;
	[tilespmem:$0x900] =	vst v63  }
0x128: {  	s5 =	simm.s32 $0x0  }
0x129: {  	s4 =	simm.s32 $0xC1;
	s5 =	simm.s32 @!p0 $0x4  }
.LBB2_22:
0x12a: {  	v0 =	vld.msk [tilespmem:s4+$0x0], $0x1;
	s2 =	sadd.s32 $0xFFFFFFFF, s2;
	s3 =	sadd.s32 s3, s5  }
0x12b: {  	p0 =	sne.s32 s2, $0x0;
	_ =	sdelay $0x3  }
0x12c: {  	(v2sf) =	vpush v0, $0x0;
	_ =	sdelay $0xe  }
.Ltmp17:
0x12d: {  	s6 =	spop (v2sf);
	(pc) =	sbr.rel @p0 .LBB2_22-.Ltmp17, $4  }
0x12e: {  	s5 =	simm.s32 $0x0;
	p1 =	sgt.u32 s6, $0x1BFF  }
0x12f: {  	s0 =	sadd.s32 $0x1, s0;
	s5 =	simm.s32 @!p1 $0x4;
	s7 =	sshrl.u32 @!p1 s6, $0x3  }
0x130: {  	s4 =	sadd.s32 $0x1, s4;
	s6 =	sand.u32 @!p1 $0x7, s6;
	s7 =	sadd.s32 @!p1 s1, s7  }
0x131: {  	[hbm4b:s7+s6] =	stream.linear.scatter @!p1 [tilespmem:s0], [sflag:$0x5], $0x1, $0x38;
	[tilespmem:$0x900] =	vst v63  }
.LBB2_23:
0x132: {  	s0 =	sadd.s32 s3, s5  }
0x133: {  	s3 =	sshrl.u32 s0, $0x2  }
.LBB2_24:
0x134: {  	s0 =	simm.s32 $0x5  }
0x135: {  	_ =	swait.ge [sflag:s0], s3  }
0x136: {  	s1 =	ssub.s32 $0x0, s3;
	[sflag:s0] =	ssyncset.done $0x0  }
0x137: {  	[sflag:s0] =	ssyncadd.s32 s1  }
0x138: {  	[sflag:s0] =	ssyncpa.u1 $0x1  }
0x139: {  	s29 =	simm.s32 $0x1;
	_ =	sfence  }
0x13a: {  	s30 =	simm.s32 $0x2;
	[sflag:s29] =	ssyncpa.u1 $0x1  }
0x13b: {  	[sflag:s30] =	ssyncpa.u1 $0x1  }
0x13c: {  	_ =	strace $0x90000047  }
0x13d: {  	[bflag:$0x2] =	sbarrier.arrive $0xFFFF  }
0x13e: {  	s31 =	rddreg [dreg:$0x1]  }
0x13f: {  	s0 =	sadd.s32 $0x100000, s31  }
0x140: {  	[sflag:s0] =	ssyncadd.tile.s32 $0x1;
	_ =	shalt  }
.Lfunc_end2:
_tile_overlayer_lowered:
.L_overlay_start_2:
0x141: {  	(tag) =	ssettag $0x2  }
0x142: {  	s0 =	rddreg [dreg:$0x0];
	s2 =	stileid.u32  }
0x143: {  	s1 =	rddreg [dreg:$0x1];
	p0 =	sne.s32 s2, $0x0  }
0x144: {  	s3 =	rddreg [dreg:$0x2];
	[bflag:$0x3] =	sbarrier.arrive $0xFFFF;
	s2 =	simm.s32 @!p0 $0x1C01  }
0x145: {  	[timem:s3], [sflag:s2] =	dma.local @!p0 [hbm:s0], s1  }
0x146: {  	s0 =	simm.s32 @!p0 $0x1  }
0x147: {  	_ =	swait.ge @!p0 [sflag:s0], s1  }
0x148: {  	s1 =	ssub.s32 @!p0 $0x0, s1;
	[sflag:s0] =	ssyncset.done @!p0 $0x0  }
0x149: {  	[sflag:s0] =	ssyncadd.s32 @!p0 s1  }
0x14a: {  	[bflag:$0x3] =	sbarrier.arrive $0xFFFF  }
0x14b: {  	_ =	shalt  }

// kernel: scatter_offload_async_start
scs
__scs_entry_jumppad:
0x0: {  	(pc) =	sbr.rel $0x88, $3  }
0x1: {  	(tag) =	ssettag $0x0;
	lr =	simm.s32 $0x1  }
0x2: {  	[smem:$0x3F96] =	sst lr;
	_ =	strace $0xD0000000  }
0x3: {  	_ = 	snop  }
0x4: {  	_ = 	snop  }
0x5: {  	_ = 	snop  }
0x6: {  	_ = 	snop  }
0x7: {  	_ = 	snop  }
__scs_overlays_trampoline_lowered:
0x8: {  	[smem:$0x3FA5] =	sst s0  }
0x9: {  	[smem:$0x3FA6] =	sst s1  }
0xa: {  	[smem:$0x3FA7] =	sst s2  }
0xb: {  	[smem:$0x3FA8] =	sst s3  }
0xc: {  	[smem:$0x3FA9] =	sst s4  }
0xd: {  	[smem:$0x3FAA] =	sst s5  }
0xe: {  	[smem:$0x3FAB] =	sst s6  }
0xf: {  	[smem:$0x3FAC] =	sst s7  }
0x10: {  	[smem:$0x3FAD] =	sst s8  }
0x11: {  	[smem:$0x3FAE] =	sst s9;
	s0 =	simm.s32 @!p0 $0x0  }
0x12: {  	s1 =	sld [smem:$0x3F94];
	s0 =	simm.s32 @p0 $0x1  }
0x13: {  	[smem:$0x3FAF] =	sst s0;
	s0 =	simm.s32 @!p1 $0x0  }
0x14: {  	s2 =	sld [smem:$0x3F93];
	s0 =	simm.s32 @p1 $0x1  }
0x15: {  	[smem:$0x3FB0] =	sst s0;
	s0 =	simm.s32 @!p2 $0x0  }
0x16: {  	s3 =	sld [smem:$0x3FDB];
	s0 =	simm.s32 @p2 $0x1  }
0x17: {  	s4 =	simm.s32 $0x1BF5;
	[smem:$0x3FB2] =	sst s0  }
0x18: {  	s0 =	sld [smem:$0x3F95];
	_ =	swait.ge [sflag:s4], $0x0  }
0x19: {  	s7 =	sld [smem:$0x3F96]  }
0x1a: {  	s8 =	sadd.s32 $0xFFFFE003, lr  }
0x1b: {  	s9 =	sadd.s32 $0xFFFFFEF7, lr;
	s5 =	simm.s32 $0xFFFFFFFF;
	p2 =	slt.u32 s8, $0xFFFFF086  }
0x1c: {  	p1 =	slt.u32 s9, $0xF7A;
	s5 =	simm.s32 @!p2 $0x0  }
0x1d: {  	s5 =	simm.s32 @p1 $0x1;
	p0 =	seq.s32 s7, s2  }
0x1e: {  	s7 =	smul.u32 @!p0 $0xF7A, s2;
	p2 =	seq.s32 @!p0 s5, $0x0  }
0x1f: {  	s9 =	smul.u32 $0xF7A, s1;
	s8 =	simm.s32 @!p0 $0x1BF5;
	p2 =	por !p2, p0  }
0x20: {  	[sflag:s8] =	ssyncset.s32 @!p0 $0xFFFFF086;
	s6 =	sadd.s32 @!p0 s3, s7;
	s7 =	simm.s32 @!p0 $0x108  }
0x21: {  	s3 =	sadd.s32 s3, s9;
	s6 =	sadd.s32 @!p0 $0x88, s6;
	s7 =	simm.s32 @p2 $0x1082  }
0x22: {  	[simem:s7], [sflag:s8] =	dma.local @!p0 [hbm:s6], $0xF7A  }
0x23: {  	s9 =	sor.u32 $0xD0000000, s2;
	s6 =	simm.s32 $0x108;
	_ =	swait.ge @!p0 [sflag:s8], $0x0  }
0x24: {  	s3 =	sadd.s32 $0x88, s3;
	s6 =	simm.s32 @!p1 $0x1082;
	[sflag:s4] =	ssyncset.s32 $0xFFFFF086  }
0x25: {  	[simem:s6], [sflag:s4] =	dma.local [hbm:s3], $0xF7A  }
0x26: {  	[smem:$0x3F96] =	sst s1;
	(tag) =	ssettag s2;
	_ =	strace s9  }
0x27: {  	s1 =	sld [smem:$0x3FA6]  }
0x28: {  	s2 =	sld [smem:$0x3FA7]  }
0x29: {  	s4 =	sld [smem:$0x3FA9]  }
0x2a: {  	p0 =	seq.s32 s5, $0x0;
	s5 =	sld [smem:$0x3FAA]  }
0x2b: {  	s6 =	sld [smem:$0x3FAB]  }
0x2c: {  	s7 =	sld [smem:$0x3FAC]  }
0x2d: {  	s3 =	simm.s32 $0x108;
	s8 =	sld [smem:$0x3FAD]  }
0x2e: {  	s3 =	simm.s32 @!p0 $0x1082;
	s9 =	sld [smem:$0x3FAE]  }
0x2f: {  	lr =	sadd.s32 s0, s3;
	s0 =	sld [smem:$0x3FA5]  }
0x30: {  	s3 =	sld [smem:$0x3FA8]  }
0x31: {  	[smem:$0x3FB1] =	sst s10  }
0x32: {  	s10 =	sld [smem:$0x3FAF];
	_ =	sdelay $0x3  }
0x33: {  	p0 =	seq.s32 s10, $0x1;
	s10 =	sld [smem:$0x3FB1];
	_ =	sdelay $0x3  }
0x34: {  	[smem:$0x3FB1] =	sst s10  }
0x35: {  	s10 =	sld [smem:$0x3FB0];
	_ =	sdelay $0x3  }
0x36: {  	p1 =	seq.s32 s10, $0x1;
	s10 =	sld [smem:$0x3FB1];
	_ =	sdelay $0x3  }
0x37: {  	[smem:$0x3FB1] =	sst s10  }
0x38: {  	s10 =	sld [smem:$0x3FB2]  }
0x39: {  	_ = 	snop;
	(pc) =	sbr.ind lr, $3  }
0x3a: {  	_ = 	snop  }
0x3b: {  	_ = 	snop  }
0x3c: {  	p2 =	seq.s32 s10, $0x1;
	s10 =	sld [smem:$0x3FB1]  }
0x3d: {  	_ =	shalt  }
0x3e: {  	_ =	shalt  }
0x3f: {  	_ =	shalt  }
0x40: {  	_ =	shalt  }
0x41: {  	_ =	shalt  }
0x42: {  	_ =	shalt  }
0x43: {  	_ =	shalt  }
0x44: {  	_ =	shalt  }
0x45: {  	_ =	shalt  }
0x46: {  	_ =	shalt  }
0x47: {  	_ =	shalt  }
0x48: {  	_ =	shalt  }
0x49: {  	_ =	shalt  }
0x4a: {  	_ =	shalt  }
0x4b: {  	_ =	shalt  }
0x4c: {  	_ =	shalt  }
0x4d: {  	_ =	shalt  }
0x4e: {  	_ =	shalt  }
0x4f: {  	_ =	shalt  }
0x50: {  	_ =	shalt  }
0x51: {  	_ =	shalt  }
0x52: {  	_ =	shalt  }
0x53: {  	_ =	shalt  }
0x54: {  	_ =	shalt  }
0x55: {  	_ =	shalt  }
0x56: {  	_ =	shalt  }
0x57: {  	_ =	shalt  }
0x58: {  	_ =	shalt  }
0x59: {  	_ =	shalt  }
0x5a: {  	_ =	shalt  }
0x5b: {  	_ =	shalt  }
0x5c: {  	_ =	shalt  }
0x5d: {  	_ =	shalt  }
0x5e: {  	_ =	shalt  }
0x5f: {  	_ =	shalt  }
0x60: {  	_ =	shalt  }
0x61: {  	_ =	shalt  }
0x62: {  	_ =	shalt  }
0x63: {  	_ =	shalt  }
0x64: {  	_ =	shalt  }
0x65: {  	_ =	shalt  }
0x66: {  	_ =	shalt  }
0x67: {  	_ =	shalt  }
0x68: {  	_ =	shalt  }
0x69: {  	_ =	shalt  }
0x6a: {  	_ =	shalt  }
0x6b: {  	_ =	shalt  }
0x6c: {  	_ =	shalt  }
0x6d: {  	_ =	shalt  }
0x6e: {  	_ =	shalt  }
0x6f: {  	_ =	shalt  }
0x70: {  	_ =	shalt  }
0x71: {  	_ =	shalt  }
0x72: {  	_ =	shalt  }
0x73: {  	_ =	shalt  }
0x74: {  	_ =	shalt  }
0x75: {  	_ =	shalt  }
0x76: {  	_ =	shalt  }
0x77: {  	_ =	shalt  }
0x78: {  	_ =	shalt  }
0x79: {  	_ =	shalt  }
0x7a: {  	_ =	shalt  }
0x7b: {  	_ =	shalt  }
0x7c: {  	_ =	shalt  }
0x7d: {  	_ =	shalt  }
0x7e: {  	_ =	shalt  }
0x7f: {  	_ =	shalt  }
0x80: {  	_ =	shalt  }
0x81: {  	_ =	shalt  }
0x82: {  	_ =	shalt  }
0x83: {  	_ =	shalt  }
0x84: {  	_ =	shalt  }
0x85: {  	_ =	shalt  }
0x86: {  	_ =	shalt  }
0x87: {  	_ =	shalt  }
.Lfunc_end0:
.L_simem_size_0:
called_computation_lowered:
.L_overlay_start_0:
0x88: {  	s2 =	sld [smem:$0x3FD9]  }
0x89: {  	s3 =	sld [smem:$0x3FFE];
	_ =	sdelay $0x1  }
0x8a: {  	s1 =	srdreg.scid  }
0x8b: {  	s0 =	sand.u32 $0x1, s1  }
0x8c: {  	s15 =	sshll.u32 s0, $0xA;
	s2 =	sadd.s32 s3, s2  }
0x8d: {  	s2 =	sadd.s32 s2, s15  }
0x8e: {  	[smem:$0x3FBD] =	sst s2  }
0x8f: {  	_ = 	snop  }
0x90: {  	s2 =	sld [smem:$0x3FD0];
	_ =	sdelay $0x2  }
0x91: {  	s16 =	simm.s32 $0xB;
	s4 =	simm.s32 $0x10  }
0x92: {  	[smem:s4], [sflag:s16] =	dma.local [hbm:s2], $0x1  }
0x93: {  	_ =	swait.eq [sflag:s16], $0x1  }
0x94: {  	[sflag:s16] =	ssyncset.done $0x0  }
0x95: {  	[sflag:s16] =	ssyncadd.s32 $0xFFFFFFFF  }
0x96: {  	s17 =	sld [smem:$0x10];
	(tm) =	ssettm $0x1  }
0x97: {  	s18 =	sld [smem:$0x3FFB];
	_ =	sdelay $0x3  }
0x98: {  	_ =	strace s18  }
0x99: {  	s2 =	sld [smem:$0x3FFC];
	_ =	sdelay $0x3  }
0x9a: {  	_ =	strace s2  }
0x9b: {  	s2 =	sld [smem:$0x3FFD];
	_ =	sdelay $0x3  }
0x9c: {  	_ =	strace s2  }
0x9d: {  	_ =	strace $0x8FFFFFFF  }
0x9e: {  	s19 =	sld [smem:$0x3FDB];
	_ =	sdelay $0x1  }
0x9f: {  	s20 =	simm.s32 $_scs_section_size  }
0xa0: {  	s5 =	simm.s32 $_size__tile_overlayer_lowered;
	s6 =	simm.s32 $_tile_overlayer_lowered  }
0xa1: {  	s7 =	simm.s32 $0x1BFF;
	s21 =	sshll.u32 s6, $0x1;
	s4 =	sadd.s32 s20, s19  }
0xa2: {  	s22 =	simm.s32 $0x0;
	s5 =	sshll.u32 s5, $0x1;
	s6 =	sadd.s32 s21, s4  }
0xa3: {  	[timem:s22], [sflag:s7] =	dma.local [hbm:s6], s5  }
0xa4: {  	_ =	swait.ge [sflag:s7], s5  }
0xa5: {  	s5 =	ssub.s32 $0x0, s5;
	[sflag:s7] =	ssyncset.done $0x0  }
0xa6: {  	[sflag:s7] =	ssyncadd.s32 s5;
	_ =	sdelay $0x1  }
0xa7: {  	s23 =	simm.s32 $0x1B8B  }
0xa8: {  	_ =	swait.ge [sflag:s23], $0x1  }
0xa9: {  	[sflag:s23] =	ssyncset.done $0x0  }
0xaa: {  	[sflag:s23] =	ssyncadd.s32 $0xFFFFFFFF  }
0xab: {  	s5 =	sld [smem:$0x0]  }
0xac: {  	s6 =	sand.u32 $0xFFFFFFFE, s1  }
0xad: {  	p0 =	sne.s32 s1, s6  }
0xae: {  	s6 =	sshll.u32 @p0 s6, $0xE  }
0xaf: {  	s6 =	sadd.s32 @p0 $0x11B8D, s6;
	s7 =	sshll.u32 @p0 s5, $0x11  }
0xb0: {  	s6 =	sor.u32 @p0 s7, s6  }
0xb1: {  	[sflag:s6] =	ssyncadd.remote.s32 @p0 $0x1;
	_ =	sdelay $0x1  }
0xb2: {  	s6 =	simm.s32 @p0 $0x1B8D  }
0xb3: {  	_ =	swait.eq @p0 [sflag:s6], $0x1  }
0xb4: {  	[sflag:s6] =	ssyncadd.s32 @p0 $0xFFFFFFFF  }
0xb5: {  	s7 =	sshll.u32 @!p0 s1, $0xE  }
0xb6: {  	s7 =	sor.u32 @!p0 $0x4000, s7;
	s6 =	simm.s32 @!p0 $0x1B8D  }
0xb7: {  	s8 =	sshll.u32 @!p0 s5, $0x11;
	s7 =	sadd.s32 @!p0 $0x11B8D, s7;
	_ =	swait.eq @!p0 [sflag:s6], $0x1  }
0xb8: {  	[sflag:s6] =	ssyncadd.s32 @!p0 $0xFFFFFFFF;
	s6 =	sor.u32 @!p0 s8, s7  }
0xb9: {  	s25 =	simm.s32 $0x1B8E;
	s24 =	sld [smem:$0x3FFE];
	[sflag:s6] =	ssyncadd.remote.s32 @!p0 $0x1  }
0xba: {  	s26 =	simm.s32 $execute0_lowered;
	[smem:$0x3FD2] =	sst s25  }
0xbb: {  	s7 =	sshll.u32 s26, $0x1;
	_ =	strace $0x80000049;
	[dreg:$0x1] =	wrdreg $0xFFFFFFFF  }
0xbc: {  	s28 =	simm.s32 $_size_execute0_lowered;
	s4 =	sadd.s32 s4, s7;
	[dreg:$0x0] =	wrdreg $0x0  }
0xbd: {  	s7 =	sshll.u32 s28, $0x1;
	[dreg:$0x2] =	wrdreg s4  }
0xbe: {  	[dreg:$0x3] =	wrdreg s7  }
0xbf: {  	[dreg:$0x4] =	wrdreg $0xC0  }
0xc0: {  	_ =	task [dreg:s22], $0x5FFFF  }
0xc1: {  	[dreg:$0x1] =	wrdreg $0xFFFFFFFF  }
0xc2: {  	[dreg:$0x0] =	wrdreg $0x60  }
0xc3: {  	[dreg:$0x2] =	wrdreg s24  }
0xc4: {  	[dreg:$0x3] =	wrdreg s17  }
0xc5: {  	[dreg:$0x4] =	wrdreg s1  }
0xc6: {  	[dreg:$0x5] =	wrdreg s5  }
0xc7: {  	[dreg:$0x6] =	wrdreg $0x9  }
0xc8: {  	_ =	task.clear_ibuf [dreg:s22], $0x7FFFF;
	_ =	strace $0x90000049  }
0xc9: {  	s29 =	simm.s32 $0x9;
	_ =	strace $0x8000004B  }
0xca: {  	_ =	swait.ge [sflag:s29], $0x1  }
0xcb: {  	[sflag:s29] =	ssyncadd.s32 $0xFFFFFFFF  }
0xcc: {  	_ =	strace $0x9000004B  }
0xcd: {  	_ =	sfence  }
0xce: {  	s30 =	sld [smem:$0x0];
	_ =	sdelay $0x2  }
0xcf: {  	s31 =	sshll.u32 s1, $0xD;
	s1 =	sshrl.u32 s1, $0x2  }
0xd0: {  	s4 =	sand.u32 $0x4000, s31;
	s1 =	sadd.s32 s1, s30  }
0xd1: {  	s0 =	sor.u32 s4, s0;
	s1 =	sshll.u32 s1, $0x11  }
0xd2: {  	s0 =	sor.u32 s1, s0  }
0xd3: {  	s0 =	sadd.s32 $0x8F2B, s0  }
0xd4: {  	[sflag:s0] =	ssyncadd.remote.s32 $0x1  }
0xd5: {  	_ =	sfence.sel $0xFFFF  }
0xd6: {  	[dreg:$0x0] =	wrdreg $0xFFFFFFFF;
	(pc) =	sbr.abs _section_cstart, $3  }
0xd7: {  	[dreg:$0x1] =	wrdreg $0xFFFFFFFF  }
0xd8: {  	_ =	task.clear_ibuf [dreg:s22], $0x2FFFF;
	_ =	strace $0x9FFFFFFF  }
0xd9: {  	(tm) =	ssettm $0x7FFFFFFF  }
tec
execute0_lowered:
.L_overlay_start_1:
0x0: {  	(tag) =	ssettag $0x1  }
0x1: {  	s2 =	rddreg [dreg:$0x0]  }
0x2: {  	s0 =	rddreg [dreg:$0x1]  }
0x3: {  	s3 =	rddreg [dreg:$0x2];
	_ =	strace $0x8000004A;
	s1 =	simm.s32 $0x1  }
0x4: {  	s4 =	simm.s32 $0x208;
	v0 =	vimm.s32 $0x0;
	[sflag:s1] =	ssyncpa.u1 $0x0  }
0x5: {  	[tilespmem:s4+$0x70] =	vst v0  }
0x6: {  	[tilespmem:s4+$0x60] =	vst v0  }
0x7: {  	[tilespmem:s4+$0x50] =	vst v0  }
0x8: {  	[tilespmem:s4+$0x40] =	vst v0  }
0x9: {  	[tilespmem:s4+$0x30] =	vst v0  }
0xa: {  	s1 =	sadd.s32 $0x32000, s2;
	[tilespmem:s4+$0x20] =	vst v0  }
0xb: {  	s6 =	sadd.s32 $0xC00, s2;
	s9 =	sand.u32 $0x1, s3;
	s3 =	simm.s32 $0x40;
	[tilespmem:s4+$0x10] =	vst v0  }
.LBB2_1:
0xc: {  	s3 =	sadd.s32 $0x40, s3;
	[tilespmem:s4+$0x0] =	vst v0;
	s4 =	sadd.s32 $0x80, s4  }
0xd: {  	p0 =	slt.u32 s3, $0x3880;
	[tilespmem:s4+$0x70] =	vst v0  }
0xe: {  	[tilespmem:s4+$0x60] =	vst v0  }
.Ltmp0:
0xf: {  	[tilespmem:s4+$0x50] =	vst v0;
	(pc) =	sbr.rel @p0 .LBB2_1-.Ltmp0, $4  }
0x10: {  	[tilespmem:s4+$0x40] =	vst v0  }
0x11: {  	[tilespmem:s4+$0x30] =	vst v0  }
0x12: {  	[tilespmem:s4+$0x20] =	vst v0  }
0x13: {  	[tilespmem:s4+$0x10] =	vst v0  }
0x14: {  	s10 =	stileid.u32  }
0x15: {  	s3 =	smin.u32 s10, $0xC  }
0x16: {  	s3 =	sadd.s32 s10, s3  }
0x17: {  	p0 =	slt.u32 s10, $0xC;
	s7 =	smul.u32 $0x70, s3;
	s3 =	simm.s32 $0xE0  }
0x18: {  	s3 =	simm.s32 @!p0 $0x70  }
0x19: {  	s3 =	sadd.s32 s3, s7  }
0x1a: {  	s8 =	smin.u32 s3, $0xC40  }
0x1b: {  	s3 =	ssub.s32 s8, s7  }
0x1c: {  	p0 =	sgt.s32 s3, $0x0  }
0x1d: {  	s26 =	simm.s32 $0x2;
	s11 =	simm.s32 $0x9;
	s3 =	simm.s32 @!p0 $0x0  }
0x1e: {  	s29 =	simm.s32 $0xA;
	s30 =	simm.s32 $0xB;
	s5 =	sand.u32 $0xFFF0, s3  }
0x1f: {  	[dreg:$0x5] =	wrdreg s9;
	s31 =	smul.u32 $0x188, s9;
	s5 =	sshrl.u32 s5, $0x4  }
0x20: {  	s13 =	simm.s32 $0x1;
	s25 =	simm.s32 $0x0;
	s5 =	smul.u32 $0x2493, s5  }
0x21: {  	p1 =	por $0x0, $0x0;
	s19 =	simm.s32 $0x80;
	s20 =	simm.s32 $0x400  }
0x22: {  	s21 =	simm.s32 $0xC;
	s22 =	simm.s32 $0x0;
	s28 =	sshrl.u32 s5, $0x10  }
0x23: {  	[tilespmem:s4+$0x0] =	vst v0;
	v0 =	vimm.s32 $0xFFFFFFFF;
	s24 =	simm.s32 $0x0;
	[sflag:s26] =	ssyncpa.u1 $0x0;
	s5 =	smul.u32 $0x70, s28  }
.Ltmp1:
0x24: {  	s17 =	sshll.u32 s10, $0x9;
	[tilespmem:$0xE408] =	vst v0;
	[sflag:s11] =	ssyncpa.u1 $0x0;
	(pc) =	sbr.rel .LBB2_3-.Ltmp1, $4  }
0x25: {  	s15 =	sadd.s32 s31, s2;
	p0 =	sne.s32 s3, s5;
	s3 =	simm.s32 $0x1  }
0x26: {  	s0 =	sadd.s32 s31, s0;
	[sflag:s29] =	ssyncpa.u1 $0x0;
	s3 =	simm.s32 @!p0 $0x0  }
0x27: {  	[dreg:$0x6] =	wrdreg s0;
	[sflag:s30] =	ssyncpa.u1 $0x0;
	s14 =	sadd.s32 s28, s3  }
0x28: {  	v0 =	vlaneseq.u32;
	s23 =	smov.u32 s7;
	p0 =	por $0x1, $0x1;
	s18 =	sadd.s32 $0x1, s14  }
.LBB2_34:
0x29: {  	s2 =	sshrl.u32 s5, $0x2  }
.LBB2_36:
0x2a: {  	_ =	swait.ge [sflag:s21], s2  }
0x2b: {  	s0 =	ssub.s32 $0x0, s2;
	v1 =	vmov s29;
	vm0 =	veq.s32 v0, $0x0;
	[sflag:s21] =	ssyncset.done $0x0  }
0x2c: {  	vm15 =	veq.s32 v0, $0x2;
	v1 =	vsel vm0, s4, v1;
	[sflag:s21] =	ssyncadd.s32 s0  }
0x2d: {  	v1 =	vsel vm15, s25, v1;
	[sflag:s21] =	ssyncpa.u1 $0x1  }
0x2e: {  	[tilespmem:$0xE408] =	vst v1  }
.LBB2_37:
0x2f: {  	s0 =	sadd.s32 $0x70, s23  }
0x30: {  	s2 =	smov.u32 s7;
	p2 =	slt.s32 s0, s8  }
0x31: {  	s2 =	smov.u32 @p2 s0;
	p2 =	sne.s32 s24, s18  }
.Ltmp2:
0x32: {  	_ = 	snop;
	(pc) =	sbr.rel @!p2 .LBB2_38-.Ltmp2, $4  }
0x33: {  	_ = 	snop  }
0x34: {  	s25 =	smov.u32 s22  }
0x35: {  	s31 =	sadd.s32 $0x1, s24;
	s22 =	smov.u32 s23;
	p0 =	por !p0, !p0  }
0x36: {  	p1 =	por !p1, !p1;
	s24 =	smov.u32 s31;
	s23 =	smov.u32 s2  }
.LBB2_3:
0x37: {  	p2 =	sge.u32 s24, s14  }
0x38: {  	s0 =	smulhi.u32 @!p2 $0xAAAAAAAB, s24  }
0x39: {  	s2 =	smov.u32 s23;
	p3 =	sgt.s32 @!p2 s23, $0xBD0  }
0x3a: {  	s3 =	sshra.s32 @!p2 s23, $0x1F;
	p3 =	por !p3, p2;
	s0 =	sshrl.u32 @!p2 s0, $0x1  }
0x3b: {  	s3 =	sand.u32 @!p2 s3, s23;
	s2 =	simm.s32 @p3 $0xBD0;
	s0 =	smul.u32 @!p2 $0x3, s0  }
0x3c: {  	s2 =	ssub.s32 @!p2 s2, s3  }
0x3d: {  	s2 =	sadd.s32 @!p2 $0xFFFFF430, s2;
	s0 =	ssub.s32 @!p2 s24, s0  }
0x3e: {  	s3 =	sshll.u32 @!p2 s2, $0x2;
	p3 =	sgt.s32 @!p2 s2, $0x6F;
	s0 =	smul.u32 @!p2 $0x1C0, s0  }
0x3f: {  	s4 =	sand.u32 @!p2 $0x7, s23;
	s2 =	ssub.s32 @!p2 $0x1C0, s3;
	p3 =	por !p3, p2  }
0x40: {  	s3 =	sshrl.u32 @!p2 s23, $0x3;
	s2 =	sshrl.u32 @!p2 s2, $0x2;
	s0 =	sshrl.u32 @!p2 s0, $0x2  }
0x41: {  	s3 =	sadd.s32 @!p2 s3, s15;
	s2 =	simm.s32 @!p3 $0x0;
	s0 =	sadd.s32 @!p2 $0x10448, s0  }
0x42: {  	[tilespmem:s0], [sflag:$0xA] =	stream.linear.gather @!p2 [hbm4b:s3+s4], s2, $0x38;
	[tilespmem:$0x1E678] =	vst v63  }
0x43: {  	s0 =	sadd.s32 $0xFFFFFFFF, s24  }
0x44: {  	p2 =	sge.u32 s0, s14  }
.Ltmp3:
0x45: {  	_ = 	snop;
	(pc) =	sbr.rel @p2 .LBB2_19-.Ltmp3, $1  }
0x46: {  	_ =	sdelay $0x3  }
0x47: {  	p2 =	sgt.s32 s22, $0xBD0;
	s3 =	smov.u32 s22;
	s4 =	sshra.s32 s22, $0x1F  }
0x48: {  	s3 =	simm.s32 @!p2 $0xBD0;
	s4 =	sand.u32 s4, s22  }
0x49: {  	s3 =	ssub.s32 s3, s4  }
0x4a: {  	s10 =	smulhi.u32 $0xAAAAAAAB, s0;
	s3 =	sadd.s32 $0xFFFFF430, s3  }
0x4b: {  	s11 =	sand.u32 $0x1, s0;
	s5 =	sshll.u32 s3, $0x2  }
0x4c: {  	s12 =	smul.u32 $0x1C0, s11;
	s4 =	sshrl.u32 s10, $0x1;
	s5 =	ssub.s32 $0x1C0, s5  }
0x4d: {  	s4 =	smul.u32 $0x3, s4;
	p2 =	sgt.s32 s3, $0x6F;
	s3 =	sshrl.u32 s5, $0x2  }
0x4e: {  	s9 =	sshrl.u32 s22, $0x3;
	s10 =	simm.s32 $0xA;
	s3 =	simm.s32 @p2 $0x0  }
0x4f: {  	s0 =	ssub.s32 s0, s4;
	s4 =	sshrl.u32 s12, $0x2;
	_ =	swait.ge [sflag:s10], s3  }
0x50: {  	s12 =	smul.u32 $0x1C0, s0;
	s16 =	ssub.s32 $0x0, s3;
	[sflag:s10] =	ssyncset.done $0x0  }
0x51: {  	s11 =	sand.u32 $0x7, s22;
	[sflag:s10] =	ssyncadd.s32 s16;
	s10 =	rddreg [dreg:$0x6]  }
0x52: {  	s4 =	sadd.s32 $0x10598, s4;
	s29 =	sshrl.u32 s12, $0x2;
	s5 =	sadd.s32 s9, s10  }
0x53: {  	[tilespmem:s4], [sflag:$0xB] =	stream.linear.gather [hbm4b:s5+s11], s3, $0x38;
	[tilespmem:$0x1E678] =	vst v63  }
0x54: {  	v1 =	vld.msk [tilespmem:s29+$0x10448], $0xffff;
	_ =	sdelay $0x3  }
0x55: {  	s16 =	simm.s32 $0x0  }
0x56: {  	(v2sf) =	vpush v1, s16;
	_ =	sdelay $0x5  }
0x57: {  	s5 =	simm.s32 $0x1  }
0x58: {  	(v2sf) =	vpush v1, s5;
	_ =	sdelay $0x4  }
0x59: {  	s11 =	simm.s32 $0x2  }
0x5a: {  	s2 =	simm.s32 $0x1;
	(v2sf) =	vpush v1, s11  }
0x5b: {  	s2 =	simm.s32 @!p0 $0x0;
	s12 =	simm.s32 $0x3  }
0x5c: {  	s2 =	smul.u32 $0x1C000, s2;
	s9 =	spop (v2sf);
	(v2sf) =	vpush v1, s12  }
0x5d: {  	_ = 	snop  }
0x5e: {  	s2 =	sshrl.u32 s2, $0x2  }
0x5f: {  	s26 =	sadd.s32 $0x16678, s2;
	s10 =	sshll.u32 s9, $0x8;
	s3 =	sshll.u32 s9, $0x7  }
0x60: {  	s28 =	sadd.s32 $0x15678, s2;
	s5 =	sand.u32 $0xFFFFF800, s10;
	s3 =	sand.u32 $0x380, s3  }
0x61: {  	s30 =	sadd.s32 $0x14678, s2;
	s31 =	sadd.s32 $0x13678, s2;
	s3 =	sor.u32 s3, s5  }
0x62: {  	s0 =	sadd.s32 $0x12678, s2;
	s4 =	sadd.s32 $0x11678, s2;
	s3 =	sshrl.u32 s3, $0x3  }
0x63: {  	s2 =	sor.u32 $0x10678, s2;
	s16 =	spop (v2sf);
	s3 =	sadd.s32 s6, s3  }
0x64: {  	[tilespmem:s2], [sflag:$0x9] =	stream.strided.gather [hbm4b:s3+s19], $0x100, s20, s19, $0x38;
	[tilespmem:$0x1E678] =	vst v63  }
0x65: {  	s9 =	sshll.u32 s16, $0x7;
	s5 =	sshll.u32 s16, $0x8;
	s3 =	simm.s32 $0x4  }
.LBB2_5:
0x66: {  	(v2sf) =	vpush v1, s3;
	s5 =	sand.u32 $0xFFFFF800, s5;
	s9 =	sand.u32 $0x380, s9;
	p2 =	seq.s32 s3, $0xF  }
.Ltmp4:
0x67: {  	s3 =	sadd.s32 $0x1, s3;
	s5 =	sor.u32 s9, s5;
	(pc) =	sbr.rel @!p2 .LBB2_5-.Ltmp4, $4  }
0x68: {  	s5 =	sshrl.u32 s5, $0x3  }
0x69: {  	s2 =	sadd.s32 $0x100, s2;
	s9 =	spop (v2sf);
	s5 =	sadd.s32 s6, s5  }
0x6a: {  	[tilespmem:s2], [sflag:$0x9] =	stream.strided.gather [hbm4b:s5+s19], $0x100, s20, s19, $0x38;
	[tilespmem:$0x1E678] =	vst v63  }
0x6b: {  	s5 =	sshll.u32 s9, $0x8;
	s9 =	sshll.u32 s9, $0x7  }
0x6c: {  	s3 =	sand.u32 $0xFFFFF800, s5;
	s9 =	sand.u32 $0x380, s9  }
0x6d: {  	s3 =	sor.u32 s9, s3  }
0x6e: {  	s10 =	spop (v2sf);
	s2 =	sadd.s32 $0x100, s2;
	s3 =	sshrl.u32 s3, $0x3  }
0x6f: {  	s11 =	sshll.u32 s10, $0x8;
	s5 =	sshll.u32 s10, $0x7;
	s3 =	sadd.s32 s6, s3  }
0x70: {  	[tilespmem:s2], [sflag:$0x9] =	stream.strided.gather [hbm4b:s3+s19], $0x100, s20, s19, $0x38;
	[tilespmem:$0x1E678] =	vst v63  }
0x71: {  	s5 =	sand.u32 $0x380, s5;
	s3 =	sand.u32 $0xFFFFF800, s11  }
0x72: {  	s3 =	sor.u32 s5, s3  }
0x73: {  	s3 =	sshrl.u32 s3, $0x3  }
0x74: {  	s2 =	sadd.s32 $0x100, s2;
	s3 =	sadd.s32 s6, s3  }
0x75: {  	[tilespmem:s2], [sflag:$0x9] =	stream.strided.gather [hbm4b:s3+s19], $0x100, s20, s19, $0x38;
	[tilespmem:$0x1E678] =	vst v63  }
0x76: {  	s12 =	spop (v2sf)  }
0x77: {  	s16 =	sshll.u32 s12, $0x8;
	s5 =	sshll.u32 s12, $0x7  }
0x78: {  	s3 =	sand.u32 $0xFFFFF800, s16;
	s5 =	sand.u32 $0x380, s5  }
0x79: {  	s3 =	sor.u32 s5, s3  }
0x7a: {  	s3 =	sshrl.u32 s3, $0x3  }
0x7b: {  	s2 =	sadd.s32 $0x100, s2;
	s3 =	sadd.s32 s6, s3  }
0x7c: {  	[tilespmem:s2], [sflag:$0x9] =	stream.strided.gather [hbm4b:s3+s19], $0x100, s20, s19, $0x38;
	[tilespmem:$0x1E678] =	vst v63  }
0x7d: {  	v1 =	vld.msk [tilespmem:s29+$0x10458], $0xffff;
	_ =	sdelay $0x3  }
0x7e: {  	s3 =	simm.s32 $0x0  }
0x7f: {  	(v2sf) =	vpush v1, s3;
	_ =	sdelay $0x7  }
0x80: {  	s5 =	simm.s32 $0x1  }
0x81: {  	(v2sf) =	vpush v1, s5;
	_ =	sdelay $0x4  }
0x82: {  	s11 =	simm.s32 $0x2  }
0x83: {  	s9 =	spop (v2sf);
	(v2sf) =	vpush v1, s11  }
0x84: {  	s12 =	simm.s32 $0x3  }
0x85: {  	(v2sf) =	vpush v1, s12;
	_ =	sdelay $0x2  }
0x86: {  	s10 =	sshll.u32 s9, $0x8;
	s2 =	sshll.u32 s9, $0x7  }
0x87: {  	s3 =	sand.u32 $0xFFFFF800, s10;
	s2 =	sand.u32 $0x380, s2  }
0x88: {  	s2 =	sor.u32 s2, s3  }
0x89: {  	s2 =	sshrl.u32 s2, $0x3  }
0x8a: {  	s16 =	spop (v2sf);
	s2 =	sadd.s32 s6, s2  }
0x8b: {  	[tilespmem:s4], [sflag:$0x9] =	stream.strided.gather [hbm4b:s2+s19], $0x100, s20, s19, $0x38;
	[tilespmem:$0x1E678] =	vst v63  }
0x8c: {  	s5 =	sshll.u32 s16, $0x7;
	s3 =	sshll.u32 s16, $0x8;
	s2 =	simm.s32 $0x4  }
.LBB2_7:
0x8d: {  	(v2sf) =	vpush v1, s2;
	s3 =	sand.u32 $0xFFFFF800, s3;
	s5 =	sand.u32 $0x380, s5;
	p2 =	sne.s32 s2, $0xF  }
.Ltmp5:
0x8e: {  	s2 =	sadd.s32 $0x1, s2;
	s3 =	sor.u32 s5, s3;
	(pc) =	sbr.rel @p2 .LBB2_7-.Ltmp5, $4  }
0x8f: {  	s3 =	sshrl.u32 s3, $0x3  }
0x90: {  	s4 =	sadd.s32 $0x100, s4;
	s5 =	spop (v2sf);
	s3 =	sadd.s32 s6, s3  }
0x91: {  	[tilespmem:s4], [sflag:$0x9] =	stream.strided.gather [hbm4b:s3+s19], $0x100, s20, s19, $0x38;
	[tilespmem:$0x1E678] =	vst v63  }
0x92: {  	s3 =	sshll.u32 s5, $0x8;
	s5 =	sshll.u32 s5, $0x7  }
0x93: {  	s2 =	sand.u32 $0xFFFFF800, s3;
	s5 =	sand.u32 $0x380, s5  }
0x94: {  	s2 =	sor.u32 s5, s2  }
0x95: {  	s9 =	spop (v2sf);
	s4 =	sadd.s32 $0x100, s4;
	s2 =	sshrl.u32 s2, $0x3  }
0x96: {  	s10 =	sshll.u32 s9, $0x8;
	s3 =	sshll.u32 s9, $0x7;
	s2 =	sadd.s32 s6, s2  }
0x97: {  	[tilespmem:s4], [sflag:$0x9] =	stream.strided.gather [hbm4b:s2+s19], $0x100, s20, s19, $0x38;
	[tilespmem:$0x1E678] =	vst v63  }
0x98: {  	s3 =	sand.u32 $0x380, s3;
	s2 =	sand.u32 $0xFFFFF800, s10  }
0x99: {  	s2 =	sor.u32 s3, s2  }
0x9a: {  	s2 =	sshrl.u32 s2, $0x3  }
0x9b: {  	s4 =	sadd.s32 $0x100, s4;
	s2 =	sadd.s32 s6, s2  }
0x9c: {  	[tilespmem:s4], [sflag:$0x9] =	stream.strided.gather [hbm4b:s2+s19], $0x100, s20, s19, $0x38;
	[tilespmem:$0x1E678] =	vst v63  }
0x9d: {  	s11 =	spop (v2sf)  }
0x9e: {  	s12 =	sshll.u32 s11, $0x8;
	s3 =	sshll.u32 s11, $0x7  }
0x9f: {  	s2 =	sand.u32 $0xFFFFF800, s12;
	s3 =	sand.u32 $0x380, s3  }
0xa0: {  	s2 =	sor.u32 s3, s2  }
0xa1: {  	s2 =	sshrl.u32 s2, $0x3  }
0xa2: {  	s16 =	sadd.s32 $0x100, s4;
	s2 =	sadd.s32 s6, s2  }
0xa3: {  	[tilespmem:s16], [sflag:$0x9] =	stream.strided.gather [hbm4b:s2+s19], $0x100, s20, s19, $0x38;
	[tilespmem:$0x1E678] =	vst v63  }
0xa4: {  	v1 =	vld.msk [tilespmem:s29+$0x10468], $0xffff;
	_ =	sdelay $0x3  }
0xa5: {  	s4 =	simm.s32 $0x0  }
0xa6: {  	(v2sf) =	vpush v1, s4;
	_ =	sdelay $0x7  }
0xa7: {  	s5 =	simm.s32 $0x1  }
0xa8: {  	(v2sf) =	vpush v1, s5;
	_ =	sdelay $0x4  }
0xa9: {  	s11 =	simm.s32 $0x2  }
0xaa: {  	s9 =	spop (v2sf);
	(v2sf) =	vpush v1, s11  }
0xab: {  	s12 =	simm.s32 $0x3  }
0xac: {  	(v2sf) =	vpush v1, s12;
	_ =	sdelay $0x2  }
0xad: {  	s10 =	sshll.u32 s9, $0x8;
	s2 =	sshll.u32 s9, $0x7  }
0xae: {  	s3 =	sand.u32 $0xFFFFF800, s10;
	s2 =	sand.u32 $0x380, s2  }
0xaf: {  	s2 =	sor.u32 s2, s3  }
0xb0: {  	s2 =	sshrl.u32 s2, $0x3  }
0xb1: {  	s16 =	spop (v2sf);
	s2 =	sadd.s32 s6, s2  }
0xb2: {  	[tilespmem:s0], [sflag:$0x9] =	stream.strided.gather [hbm4b:s2+s19], $0x100, s20, s19, $0x38;
	[tilespmem:$0x1E678] =	vst v63  }
0xb3: {  	s4 =	sshll.u32 s16, $0x7;
	s3 =	sshll.u32 s16, $0x8;
	s2 =	simm.s32 $0x4  }
.LBB2_9:
0xb4: {  	(v2sf) =	vpush v1, s2;
	s3 =	sand.u32 $0xFFFFF800, s3;
	s4 =	sand.u32 $0x380, s4;
	p2 =	sne.s32 s2, $0xF  }
.Ltmp6:
0xb5: {  	s2 =	sadd.s32 $0x1, s2;
	s3 =	sor.u32 s4, s3;
	(pc) =	sbr.rel @p2 .LBB2_9-.Ltmp6, $4  }
0xb6: {  	s3 =	sshrl.u32 s3, $0x3  }
0xb7: {  	s0 =	sadd.s32 $0x100, s0;
	s4 =	spop (v2sf);
	s3 =	sadd.s32 s6, s3  }
0xb8: {  	[tilespmem:s0], [sflag:$0x9] =	stream.strided.gather [hbm4b:s3+s19], $0x100, s20, s19, $0x38;
	[tilespmem:$0x1E678] =	vst v63  }
0xb9: {  	s3 =	sshll.u32 s4, $0x8;
	s4 =	sshll.u32 s4, $0x7  }
0xba: {  	s2 =	sand.u32 $0xFFFFF800, s3;
	s9 =	sand.u32 $0x380, s4  }
0xbb: {  	s2 =	sor.u32 s9, s2  }
0xbc: {  	s10 =	spop (v2sf);
	s0 =	sadd.s32 $0x100, s0;
	s2 =	sshrl.u32 s2, $0x3  }
0xbd: {  	s11 =	sshll.u32 s10, $0x8;
	s3 =	sshll.u32 s10, $0x7;
	s2 =	sadd.s32 s6, s2  }
0xbe: {  	[tilespmem:s0], [sflag:$0x9] =	stream.strided.gather [hbm4b:s2+s19], $0x100, s20, s19, $0x38;
	[tilespmem:$0x1E678] =	vst v63  }
0xbf: {  	s3 =	sand.u32 $0x380, s3;
	s2 =	sand.u32 $0xFFFFF800, s11  }
0xc0: {  	s2 =	sor.u32 s3, s2  }
0xc1: {  	s2 =	sshrl.u32 s2, $0x3  }
0xc2: {  	s0 =	sadd.s32 $0x100, s0;
	s2 =	sadd.s32 s6, s2  }
0xc3: {  	[tilespmem:s0], [sflag:$0x9] =	stream.strided.gather [hbm4b:s2+s19], $0x100, s20, s19, $0x38;
	[tilespmem:$0x1E678] =	vst v63  }
0xc4: {  	s12 =	spop (v2sf)  }
0xc5: {  	s16 =	sshll.u32 s12, $0x8;
	s3 =	sshll.u32 s12, $0x7  }
0xc6: {  	s2 =	sand.u32 $0xFFFFF800, s16;
	s3 =	sand.u32 $0x380, s3  }
0xc7: {  	s2 =	sor.u32 s3, s2  }
0xc8: {  	s2 =	sshrl.u32 s2, $0x3  }
0xc9: {  	s0 =	sadd.s32 $0x100, s0;
	s2 =	sadd.s32 s6, s2  }
0xca: {  	[tilespmem:s0], [sflag:$0x9] =	stream.strided.gather [hbm4b:s2+s19], $0x100, s20, s19, $0x38;
	[tilespmem:$0x1E678] =	vst v63  }
0xcb: {  	v1 =	vld.msk [tilespmem:s29+$0x10478], $0xffff;
	_ =	sdelay $0x3  }
0xcc: {  	s4 =	simm.s32 $0x0  }
0xcd: {  	(v2sf) =	vpush v1, s4;
	_ =	sdelay $0x7  }
0xce: {  	s5 =	simm.s32 $0x1  }
0xcf: {  	(v2sf) =	vpush v1, s5;
	_ =	sdelay $0x4  }
0xd0: {  	s11 =	simm.s32 $0x2  }
0xd1: {  	s9 =	spop (v2sf);
	(v2sf) =	vpush v1, s11  }
0xd2: {  	s12 =	simm.s32 $0x3  }
0xd3: {  	(v2sf) =	vpush v1, s12;
	_ =	sdelay $0x2  }
0xd4: {  	s10 =	sshll.u32 s9, $0x8;
	s0 =	sshll.u32 s9, $0x7  }
0xd5: {  	s2 =	sand.u32 $0xFFFFF800, s10;
	s0 =	sand.u32 $0x380, s0  }
0xd6: {  	s0 =	sor.u32 s0, s2  }
0xd7: {  	s0 =	sshrl.u32 s0, $0x3  }
0xd8: {  	s16 =	spop (v2sf);
	s0 =	sadd.s32 s6, s0  }
0xd9: {  	[tilespmem:s31], [sflag:$0x9] =	stream.strided.gather [hbm4b:s0+s19], $0x100, s20, s19, $0x38;
	[tilespmem:$0x1E678] =	vst v63  }
0xda: {  	s3 =	sshll.u32 s16, $0x7;
	s2 =	sshll.u32 s16, $0x8;
	s0 =	simm.s32 $0x4  }
.LBB2_11:
0xdb: {  	(v2sf) =	vpush v1, s0;
	s2 =	sand.u32 $0xFFFFF800, s2;
	s3 =	sand.u32 $0x380, s3;
	p2 =	sne.s32 s0, $0xF  }
.Ltmp7:
0xdc: {  	s0 =	sadd.s32 $0x1, s0;
	s2 =	sor.u32 s3, s2;
	(pc) =	sbr.rel @p2 .LBB2_11-.Ltmp7, $4  }
0xdd: {  	s2 =	sshrl.u32 s2, $0x3  }
0xde: {  	s31 =	sadd.s32 $0x100, s31;
	s3 =	spop (v2sf);
	s2 =	sadd.s32 s6, s2  }
0xdf: {  	[tilespmem:s31], [sflag:$0x9] =	stream.strided.gather [hbm4b:s2+s19], $0x100, s20, s19, $0x38;
	[tilespmem:$0x1E678] =	vst v63  }
0xe0: {  	s2 =	sshll.u32 s3, $0x8;
	s3 =	sshll.u32 s3, $0x7  }
0xe1: {  	s0 =	sand.u32 $0xFFFFF800, s2;
	s9 =	sand.u32 $0x380, s3  }
0xe2: {  	s0 =	sor.u32 s9, s0  }
0xe3: {  	s10 =	spop (v2sf);
	s11 =	sadd.s32 $0x100, s31;
	s0 =	sshrl.u32 s0, $0x3  }
0xe4: {  	s12 =	sshll.u32 s10, $0x8;
	s2 =	sshll.u32 s10, $0x7;
	s0 =	sadd.s32 s6, s0  }
0xe5: {  	[tilespmem:s11], [sflag:$0x9] =	stream.strided.gather [hbm4b:s0+s19], $0x100, s20, s19, $0x38;
	[tilespmem:$0x1E678] =	vst v63  }
0xe6: {  	s2 =	sand.u32 $0x380, s2;
	s0 =	sand.u32 $0xFFFFF800, s12  }
0xe7: {  	s0 =	sor.u32 s2, s0  }
0xe8: {  	s0 =	sshrl.u32 s0, $0x3  }
0xe9: {  	s3 =	sadd.s32 $0x100, s11;
	s0 =	sadd.s32 s6, s0  }
0xea: {  	[tilespmem:s3], [sflag:$0x9] =	stream.strided.gather [hbm4b:s0+s19], $0x100, s20, s19, $0x38;
	[tilespmem:$0x1E678] =	vst v63  }
0xeb: {  	s16 =	spop (v2sf)  }
0xec: {  	s31 =	sshll.u32 s16, $0x8;
	s2 =	sshll.u32 s16, $0x7  }
0xed: {  	s0 =	sand.u32 $0xFFFFF800, s31;
	s2 =	sand.u32 $0x380, s2  }
0xee: {  	s0 =	sor.u32 s2, s0  }
0xef: {  	s0 =	sshrl.u32 s0, $0x3  }
0xf0: {  	s4 =	sadd.s32 $0x100, s3;
	s0 =	sadd.s32 s6, s0  }
0xf1: {  	[tilespmem:s4], [sflag:$0x9] =	stream.strided.gather [hbm4b:s0+s19], $0x100, s20, s19, $0x38;
	[tilespmem:$0x1E678] =	vst v63  }
0xf2: {  	v1 =	vld.msk [tilespmem:s29+$0x10488], $0xffff;
	_ =	sdelay $0x3  }
0xf3: {  	s5 =	simm.s32 $0x0  }
0xf4: {  	(v2sf) =	vpush v1, s5;
	_ =	sdelay $0x7  }
0xf5: {  	s9 =	simm.s32 $0x1  }
0xf6: {  	(v2sf) =	vpush v1, s9;
	_ =	sdelay $0x4  }
0xf7: {  	s12 =	simm.s32 $0x2  }
0xf8: {  	s10 =	spop (v2sf);
	(v2sf) =	vpush v1, s12  }
0xf9: {  	s16 =	simm.s32 $0x3  }
0xfa: {  	(v2sf) =	vpush v1, s16;
	_ =	sdelay $0x2  }
0xfb: {  	s11 =	sshll.u32 s10, $0x8;
	s0 =	sshll.u32 s10, $0x7  }
0xfc: {  	s2 =	sand.u32 $0xFFFFF800, s11;
	s0 =	sand.u32 $0x380, s0  }
0xfd: {  	s0 =	sor.u32 s0, s2  }
0xfe: {  	s0 =	sshrl.u32 s0, $0x3  }
0xff: {  	s31 =	spop (v2sf);
	s0 =	sadd.s32 s6, s0  }
0x100: {  	[tilespmem:s30], [sflag:$0x9] =	stream.strided.gather [hbm4b:s0+s19], $0x100, s20, s19, $0x38;
	[tilespmem:$0x1E678] =	vst v63  }
0x101: {  	s3 =	sshll.u32 s31, $0x7;
	s2 =	sshll.u32 s31, $0x8;
	s0 =	simm.s32 $0x4  }
.LBB2_13:
0x102: {  	(v2sf) =	vpush v1, s0;
	s2 =	sand.u32 $0xFFFFF800, s2;
	s3 =	sand.u32 $0x380, s3;
	p2 =	sne.s32 s0, $0xF  }
.Ltmp8:
0x103: {  	s0 =	sadd.s32 $0x1, s0;
	s2 =	sor.u32 s3, s2;
	(pc) =	sbr.rel @p2 .LBB2_13-.Ltmp8, $4  }
0x104: {  	s2 =	sshrl.u32 s2, $0x3  }
0x105: {  	s30 =	sadd.s32 $0x100, s30;
	s3 =	spop (v2sf);
	s2 =	sadd.s32 s6, s2  }
0x106: {  	[tilespmem:s30], [sflag:$0x9] =	stream.strided.gather [hbm4b:s2+s19], $0x100, s20, s19, $0x38;
	[tilespmem:$0x1E678] =	vst v63  }
0x107: {  	s2 =	sshll.u32 s3, $0x8;
	s3 =	sshll.u32 s3, $0x7  }
0x108: {  	s0 =	sand.u32 $0xFFFFF800, s2;
	s11 =	sand.u32 $0x380, s3  }
0x109: {  	s0 =	sor.u32 s11, s0  }
0x10a: {  	s12 =	spop (v2sf);
	s16 =	sadd.s32 $0x100, s30;
	s0 =	sshrl.u32 s0, $0x3  }
0x10b: {  	s30 =	sshll.u32 s12, $0x8;
	s2 =	sshll.u32 s12, $0x7;
	s0 =	sadd.s32 s6, s0  }
0x10c: {  	[tilespmem:s16], [sflag:$0x9] =	stream.strided.gather [hbm4b:s0+s19], $0x100, s20, s19, $0x38;
	[tilespmem:$0x1E678] =	vst v63  }
0x10d: {  	s2 =	sand.u32 $0x380, s2;
	s0 =	sand.u32 $0xFFFFF800, s30  }
0x10e: {  	s0 =	sor.u32 s2, s0  }
0x10f: {  	s0 =	sshrl.u32 s0, $0x3  }
0x110: {  	s3 =	sadd.s32 $0x100, s16;
	s0 =	sadd.s32 s6, s0  }
0x111: {  	[tilespmem:s3], [sflag:$0x9] =	stream.strided.gather [hbm4b:s0+s19], $0x100, s20, s19, $0x38;
	[tilespmem:$0x1E678] =	vst v63  }
0x112: {  	s31 =	spop (v2sf)  }
0x113: {  	s4 =	sshll.u32 s31, $0x8;
	s2 =	sshll.u32 s31, $0x7  }
0x114: {  	s0 =	sand.u32 $0xFFFFF800, s4;
	s2 =	sand.u32 $0x380, s2  }
0x115: {  	s0 =	sor.u32 s2, s0  }
0x116: {  	s0 =	sshrl.u32 s0, $0x3  }
0x117: {  	s5 =	sadd.s32 $0x100, s3;
	s0 =	sadd.s32 s6, s0  }
0x118: {  	[tilespmem:s5], [sflag:$0x9] =	stream.strided.gather [hbm4b:s0+s19], $0x100, s20, s19, $0x38;
	[tilespmem:$0x1E678] =	vst v63  }
0x119: {  	v1 =	vld.msk [tilespmem:s29+$0x10498], $0xffff;
	_ =	sdelay $0x3  }
0x11a: {  	s9 =	simm.s32 $0x0  }
0x11b: {  	(v2sf) =	vpush v1, s9;
	_ =	sdelay $0x7  }
0x11c: {  	s10 =	simm.s32 $0x1  }
0x11d: {  	(v2sf) =	vpush v1, s10;
	_ =	sdelay $0x4  }
0x11e: {  	s16 =	simm.s32 $0x2  }
0x11f: {  	s11 =	spop (v2sf);
	(v2sf) =	vpush v1, s16  }
0x120: {  	s30 =	simm.s32 $0x3  }
0x121: {  	(v2sf) =	vpush v1, s30;
	_ =	sdelay $0x2  }
0x122: {  	s12 =	sshll.u32 s11, $0x8;
	s0 =	sshll.u32 s11, $0x7  }
0x123: {  	s2 =	sand.u32 $0xFFFFF800, s12;
	s0 =	sand.u32 $0x380, s0  }
0x124: {  	s0 =	sor.u32 s0, s2  }
0x125: {  	s0 =	sshrl.u32 s0, $0x3  }
0x126: {  	s31 =	spop (v2sf);
	s0 =	sadd.s32 s6, s0  }
0x127: {  	[tilespmem:s28], [sflag:$0x9] =	stream.strided.gather [hbm4b:s0+s19], $0x100, s20, s19, $0x38;
	[tilespmem:$0x1E678] =	vst v63  }
0x128: {  	s3 =	sshll.u32 s31, $0x7;
	s2 =	sshll.u32 s31, $0x8;
	s0 =	simm.s32 $0x4  }
.LBB2_15:
0x129: {  	(v2sf) =	vpush v1, s0;
	s2 =	sand.u32 $0xFFFFF800, s2;
	s3 =	sand.u32 $0x380, s3;
	p2 =	sne.s32 s0, $0xF  }
.Ltmp9:
0x12a: {  	s0 =	sadd.s32 $0x1, s0;
	s2 =	sor.u32 s3, s2;
	(pc) =	sbr.rel @p2 .LBB2_15-.Ltmp9, $4  }
0x12b: {  	s2 =	sshrl.u32 s2, $0x3  }
0x12c: {  	s28 =	sadd.s32 $0x100, s28;
	s3 =	spop (v2sf);
	s2 =	sadd.s32 s6, s2  }
0x12d: {  	[tilespmem:s28], [sflag:$0x9] =	stream.strided.gather [hbm4b:s2+s19], $0x100, s20, s19, $0x38;
	[tilespmem:$0x1E678] =	vst v63  }
0x12e: {  	s2 =	sshll.u32 s3, $0x8;
	s3 =	sshll.u32 s3, $0x7  }
0x12f: {  	s0 =	sand.u32 $0xFFFFF800, s2;
	s16 =	sand.u32 $0x380, s3  }
0x130: {  	s0 =	sor.u32 s16, s0  }
0x131: {  	s30 =	spop (v2sf);
	s31 =	sadd.s32 $0x100, s28;
	s0 =	sshrl.u32 s0, $0x3  }
0x132: {  	s4 =	sshll.u32 s30, $0x8;
	s2 =	sshll.u32 s30, $0x7;
	s0 =	sadd.s32 s6, s0  }
0x133: {  	[tilespmem:s31], [sflag:$0x9] =	stream.strided.gather [hbm4b:s0+s19], $0x100, s20, s19, $0x38;
	[tilespmem:$0x1E678] =	vst v63  }
0x134: {  	s2 =	sand.u32 $0x380, s2;
	s0 =	sand.u32 $0xFFFFF800, s4  }
0x135: {  	s0 =	sor.u32 s2, s0  }
0x136: {  	s0 =	sshrl.u32 s0, $0x3  }
0x137: {  	s3 =	sadd.s32 $0x100, s31;
	s0 =	sadd.s32 s6, s0  }
0x138: {  	[tilespmem:s3], [sflag:$0x9] =	stream.strided.gather [hbm4b:s0+s19], $0x100, s20, s19, $0x38;
	[tilespmem:$0x1E678] =	vst v63  }
0x139: {  	s5 =	spop (v2sf)  }
0x13a: {  	s9 =	sshll.u32 s5, $0x8;
	s2 =	sshll.u32 s5, $0x7  }
0x13b: {  	s0 =	sand.u32 $0xFFFFF800, s9;
	s2 =	sand.u32 $0x380, s2  }
0x13c: {  	s0 =	sor.u32 s2, s0  }
0x13d: {  	s0 =	sshrl.u32 s0, $0x3  }
0x13e: {  	s10 =	sadd.s32 $0x100, s3;
	s0 =	sadd.s32 s6, s0  }
0x13f: {  	[tilespmem:s10], [sflag:$0x9] =	stream.strided.gather [hbm4b:s0+s19], $0x100, s20, s19, $0x38;
	[tilespmem:$0x1E678] =	vst v63  }
0x140: {  	v1 =	vld.msk [tilespmem:s29+$0x104A8], $0xffff;
	_ =	sdelay $0x3  }
0x141: {  	s11 =	simm.s32 $0x0  }
0x142: {  	(v2sf) =	vpush v1, s11;
	_ =	sdelay $0x7  }
0x143: {  	s12 =	simm.s32 $0x1  }
0x144: {  	(v2sf) =	vpush v1, s12;
	_ =	sdelay $0x4  }
0x145: {  	s29 =	simm.s32 $0x2  }
0x146: {  	s16 =	spop (v2sf);
	(v2sf) =	vpush v1, s29  }
0x147: {  	s30 =	simm.s32 $0x3  }
0x148: {  	(v2sf) =	vpush v1, s30;
	_ =	sdelay $0x2  }
0x149: {  	s28 =	sshll.u32 s16, $0x8;
	s0 =	sshll.u32 s16, $0x7  }
0x14a: {  	s2 =	sand.u32 $0xFFFFF800, s28;
	s0 =	sand.u32 $0x380, s0  }
0x14b: {  	s0 =	sor.u32 s0, s2  }
0x14c: {  	s0 =	sshrl.u32 s0, $0x3  }
0x14d: {  	s31 =	spop (v2sf);
	s0 =	sadd.s32 s6, s0  }
0x14e: {  	[tilespmem:s26], [sflag:$0x9] =	stream.strided.gather [hbm4b:s0+s19], $0x100, s20, s19, $0x38;
	[tilespmem:$0x1E678] =	vst v63  }
0x14f: {  	s3 =	sshll.u32 s31, $0x7;
	s2 =	sshll.u32 s31, $0x8;
	s0 =	simm.s32 $0x4  }
.LBB2_17:
0x150: {  	(v2sf) =	vpush v1, s0;
	s2 =	sand.u32 $0xFFFFF800, s2;
	s3 =	sand.u32 $0x380, s3;
	p2 =	seq.s32 s0, $0xF  }
.Ltmp10:
0x151: {  	s0 =	sadd.s32 $0x1, s0;
	s2 =	sor.u32 s3, s2;
	(pc) =	sbr.rel @!p2 .LBB2_17-.Ltmp10, $4  }
0x152: {  	s2 =	sshrl.u32 s2, $0x3  }
0x153: {  	s26 =	sadd.s32 $0x100, s26;
	s3 =	spop (v2sf);
	s2 =	sadd.s32 s6, s2  }
0x154: {  	[tilespmem:s26], [sflag:$0x9] =	stream.strided.gather [hbm4b:s2+s19], $0x100, s20, s19, $0x38;
	[tilespmem:$0x1E678] =	vst v63  }
0x155: {  	s2 =	sshll.u32 s3, $0x8;
	s3 =	sshll.u32 s3, $0x7  }
0x156: {  	s0 =	sand.u32 $0xFFFFF800, s2;
	s12 =	sand.u32 $0x380, s3  }
0x157: {  	s0 =	sor.u32 s12, s0  }
0x158: {  	s16 =	spop (v2sf);
	s26 =	sadd.s32 $0x100, s26;
	s0 =	sshrl.u32 s0, $0x3  }
0x159: {  	s28 =	sshll.u32 s16, $0x8;
	s2 =	sshll.u32 s16, $0x7;
	s0 =	sadd.s32 s6, s0  }
0x15a: {  	[tilespmem:s26], [sflag:$0x9] =	stream.strided.gather [hbm4b:s0+s19], $0x100, s20, s19, $0x38;
	[tilespmem:$0x1E678] =	vst v63  }
0x15b: {  	s2 =	sand.u32 $0x380, s2;
	s0 =	sand.u32 $0xFFFFF800, s28  }
0x15c: {  	s0 =	sor.u32 s2, s0  }
0x15d: {  	s0 =	sshrl.u32 s0, $0x3  }
0x15e: {  	s3 =	sadd.s32 $0x100, s26;
	s0 =	sadd.s32 s6, s0  }
0x15f: {  	[tilespmem:s3], [sflag:$0x9] =	stream.strided.gather [hbm4b:s0+s19], $0x100, s20, s19, $0x38;
	[tilespmem:$0x1E678] =	vst v63  }
0x160: {  	s29 =	spop (v2sf)  }
0x161: {  	s30 =	sshll.u32 s29, $0x8;
	s2 =	sshll.u32 s29, $0x7  }
0x162: {  	s0 =	sand.u32 $0xFFFFF800, s30;
	s2 =	sand.u32 $0x380, s2  }
0x163: {  	s0 =	sor.u32 s2, s0  }
0x164: {  	s0 =	sshrl.u32 s0, $0x3  }
0x165: {  	s31 =	sadd.s32 $0x100, s3;
	s0 =	sadd.s32 s6, s0  }
0x166: {  	[tilespmem:s31], [sflag:$0x9] =	stream.strided.gather [hbm4b:s0+s19], $0x100, s20, s19, $0x38;
	[tilespmem:$0x1E678] =	vst v63  }
.LBB2_19:
0x167: {  	p2 =	slt.u32 s24, $0x2  }
.Ltmp11:
0x168: {  	_ = 	snop;
	(pc) =	sbr.rel @p2 .LBB2_37-.Ltmp11, $1  }
0x169: {  	_ =	sdelay $0x3  }
0x16a: {  	p2 =	sgt.s32 s25, $0xBD0;
	s0 =	smov.u32 s25;
	s2 =	sshra.s32 s25, $0x1F  }
0x16b: {  	s0 =	simm.s32 @!p2 $0xBD0;
	s2 =	sand.u32 s2, s25  }
0x16c: {  	s0 =	ssub.s32 s0, s2  }
0x16d: {  	s0 =	sadd.s32 $0xFFFFF430, s0  }
0x16e: {  	s3 =	simm.s32 $0x9;
	s29 =	sshll.u32 s0, $0x2  }
0x16f: {  	_ =	swait.ge [sflag:s3], $0x7000;
	s2 =	ssub.s32 $0x1C0, s29  }
0x170: {  	[sflag:s3] =	ssyncset.done $0x0;
	p2 =	sgt.s32 s0, $0x6F;
	s0 =	sshrl.u32 s2, $0x2  }
0x171: {  	s30 =	simm.s32 $0xB;
	[sflag:s3] =	ssyncadd.s32 $0xFFFF9000;
	s0 =	simm.s32 @p2 $0x0  }
0x172: {  	_ =	swait.ge [sflag:s30], s0  }
0x173: {  	s0 =	ssub.s32 $0x0, s0;
	[sflag:s30] =	ssyncset.done $0x0  }
0x174: {  	[sflag:s30] =	ssyncadd.s32 s0  }
0x175: {  	v1 =	vld [tilespmem:$0xE408];
	_ =	sdelay $0x4  }
0x176: {  	(v2sf) =	vpush v1, $0x0  }
0x177: {  	(v2sf) =	vpush v1, $0x1  }
0x178: {  	(v2sf) =	vpush v1, $0x2;
	_ =	sdelay $0x3  }
0x179: {  	s0 =	sadd.s32 $0x70, s25  }
0x17a: {  	s3 =	ssub.s32 $0x1880, s25;
	p2 =	slt.s32 s8, s0  }
0x17b: {  	s0 =	smov.u32 @p2 s8;
	p2 =	sgt.s32 s3, $0x0  }
0x17c: {  	s26 =	ssub.s32 s0, s25;
	s3 =	simm.s32 @!p2 $0x0  }
0x17d: {  	p2 =	slt.s32 s3, s26  }
0x17e: {  	s26 =	smov.u32 @p2 s3  }
0x17f: {  	s2 =	simm.s32 $0x1;
	p2 =	slt.s32 s26, $0x1  }
.Ltmp12:
0x180: {  	s2 =	simm.s32 @!p1 $0x0;
	(pc) =	sbr.rel @p2 .LBB2_24-.Ltmp12, $4  }
0x181: {  	s31 =	smul.u32 $0x1C0, s2  }
0x182: {  	s4 =	spop (v2sf)  }
0x183: {  	s0 =	sshrl.u32 s31, $0x2;
	s5 =	spop (v2sf)  }
0x184: {  	s28 =	sadd.s32 $0x10598, s0;
	s25 =	spop (v2sf)  }
0x185: {  	s0 =	smin.u32 s26, $0x10  }
0x186: {  	v1 =	vmov s0  }
0x187: {  	vm1 =	vgt.u32 v1, v0  }
0x188: {  	p3 =	sgt.s32 s26, $0x10  }
.Ltmp13:
0x189: {  	_ = 	snop;
	(pc) =	sbr.rel @!p3 .LBB2_23-.Ltmp13, $2  }
0x18a: {  	_ =	sdelay $0x2  }
0x18b: {  	s3 =	simm.s32 $0x10;
	s29 =	sadd.s32 $0xFFFFFFF0, s26;
	s0 =	smov.u32 s28;
	vm0 =	vmmov vm1;
	v1 =	vld.msk [tilespmem:s28+$0x0 ss:$0x1], vm1  }
.LBB2_22:
0x18c: {  	s9 =	smin.u32 s29, $0x10;
	s3 =	sadd.s32 $0x10, s3  }
0x18d: {  	v2 =	vmov s9;
	p3 =	slt.s32 s3, s26  }
0x18e: {  	vm1 =	vgt.u32 v2, v0;
	_ =	sdelay $0x1  }
0x18f: {  	v2 =	vshll.u32 v1, $0x5;
	v1 =	vshll.u32 v1, $0x4  }
.Ltmp14:
0x190: {  	v2 =	vand.u32 $0xFFFFFF00, v2;
	v1 =	vand.u32 $0x70, v1;
	(pc) =	sbr.rel @p3 .LBB2_22-.Ltmp14, $4  }
0x191: {  	v1 =	vor.u32 v1, v2  }
0x192: {  	[tilespmem:s0+$0x0] =	vst.msk vm0, v1;
	s0 =	sadd.s32 $0x10, s0;
	vm0 =	vmmov vm1  }
0x193: {  	v1 =	vld.msk [tilespmem:s0+$0x0 ss:$0x1], vm1  }
0x194: {  	s29 =	sadd.s32 $0xFFFFFFF0, s29  }
.LBB2_23:
0x195: {  	_ =	sdelay $0x3  }
0x196: {  	v2 =	vshll.u32 v1, $0x5;
	v1 =	vshll.u32 v1, $0x4  }
0x197: {  	v2 =	vand.u32 $0xFFFFFF00, v2;
	v1 =	vand.u32 $0x70, v1  }
0x198: {  	v1 =	vor.u32 v1, v2  }
0x199: {  	[tilespmem:s0+$0x0] =	vst.msk vm0, v1  }
.LBB2_24:
0x19a: {  	s0 =	sand.u32 $0x1, s24  }
0x19b: {  	s0 =	smul.u32 $0x70, s0  }
0x19c: {  	p3 =	sne.s32 s5, $0xFFFFFFFF  }
0x19d: {  	v1 =	vld.msk @!p3 [tilespmem:s0+$0x10598], $0x1;
	_ =	sdelay $0x4  }
0x19e: {  	(v2sf) =	vpush @!p3 v1, $0x0;
	_ =	sdelay $0xc  }
.Ltmp15:
0x19f: {  	_ = 	snop;
	(pc) =	sbr.rel @p2 .LBB2_35-.Ltmp15, $4  }
0x1a0: {  	_ = 	snop  }
0x1a1: {  	s0 =	spop @!p3 (v2sf)  }
0x1a2: {  	s25 =	simm.s32 @!p3 $0x0;
	s29 =	smov.u32 s0  }
0x1a3: {  	[sflag:s21] =	ssyncpa.u1 $0x0;
	s0 =	smov.u32 @p3 s4;
	s29 =	smov.u32 @p3 s5  }
0x1a4: {  	v1 =	vld.msk [tilespmem:s28+$0x0], $0x1;
	_ =	sdelay $0x4  }
0x1a5: {  	(v2sf) =	vpush v1, $0x0;
	_ =	sdelay $0xe  }
0x1a6: {  	s2 =	smul.u32 $0x1C000, s2;
	s4 =	spop (v2sf)  }
0x1a7: {  	s3 =	smov.u32 s0;
	p2 =	seq.s32 s0, s4  }
0x1a8: {  	s31 =	simm.s32 $0x0;
	s2 =	sshrl.u32 s2, $0x2;
	p3 =	sgt.s32 @!p2 s0, $0x0  }
0x1a9: {  	s30 =	sor.u32 $0x106F8, s2;
	s2 =	sadd.s32 $0xFFFFFFFF, s26;
	p3 =	por !p3, p2  }
0x1aa: {  	s10 =	simm.s32 @!p2 $0x7308;
	s3 =	simm.s32 @p3 $0x0;
	p3 =	sne.s32 s2, $0x0  }
.Ltmp16:
0x1ab: {  	s5 =	smin.u32 @!p2 s3, $0x30F70;
	s3 =	simm.s32 @!p2 $0x1;
	(pc) =	sbr.rel @!p3 .LBB2_27-.Ltmp16, $4  }
0x1ac: {  	s9 =	sand.u32 @!p2 $0x3FFF8, s5;
	s16 =	sadd.s32 @!p2 $0x80, s5;
	s3 =	smov.u32 @p2 s31  }
0x1ad: {  	s11 =	sadd.s32 @!p2 s1, s9;
	s9 =	sand.u32 @!p2 $0x7, s5;
	s5 =	sand.u32 @!p2 $0x7FFF8, s16  }
0x1ae: {  	[tilespmem:s10], [sflag:$0x2] =	stream.linear.gather @!p2 [hbm4b:s11+s9], $0x80, $0x38;
	[tilespmem:$0x1E678] =	vst v63  }
0x1af: {  	s16 =	simm.s32 @!p2 $0x7388;
	s10 =	sadd.s32 @!p2 s1, s5;
	s5 =	sadd.s32 $0x1, s28  }
.LBB2_26:
0x1b0: {  	s11 =	smov.u32 s3  }
0x1b1: {  	[tilespmem:s16], [sflag:$0x2] =	stream.linear.gather @!p2 [hbm4b:s10+s9], $0x80, $0x38;
	[tilespmem:$0x1E678] =	vst v63  }
0x1b2: {  	s2 =	sadd.s32 $0xFFFFFFFF, s2;
	s9 =	smov.u32 s4;
	v1 =	vld.msk [tilespmem:s5+$0x0], $0x1  }
0x1b3: {  	p3 =	sne.s32 s2, $0x0;
	_ =	sdelay $0x3  }
0x1b4: {  	(v2sf) =	vpush v1, $0x0;
	_ =	sdelay $0xe  }
0x1b5: {  	s4 =	spop (v2sf)  }
0x1b6: {  	p2 =	seq.s32 s9, s4  }
0x1b7: {  	p4 =	sgt.s32 @!p2 s9, $0x0;
	s10 =	sshll.u32 @!p2 s3, $0xA;
	s3 =	sadd.s32 @!p2 $0x1, s3  }
0x1b8: {  	p4 =	por !p4, p2;
	s10 =	sshra.s32 @!p2 s10, $0x2;
	s3 =	smov.u32 @p2 s11  }
0x1b9: {  	s9 =	simm.s32 @p4 $0x0;
	s11 =	sadd.s32 @!p2 $0x7308, s10;
	s16 =	sadd.s32 @!p2 $0x7388, s10  }
.Ltmp17:
0x1ba: {  	s9 =	smin.u32 @!p2 s9, $0x30F70;
	(pc) =	sbr.rel @p3 .LBB2_26-.Ltmp17, $4  }
0x1bb: {  	s10 =	sand.u32 @!p2 $0x3FFF8, s9;
	s12 =	sadd.s32 @!p2 $0x80, s9  }
0x1bc: {  	s9 =	sand.u32 @!p2 $0x7, s9;
	s10 =	sadd.s32 @!p2 s1, s10;
	s12 =	sand.u32 @!p2 $0x7FFF8, s12  }
0x1bd: {  	[tilespmem:s11], [sflag:$0x2] =	stream.linear.gather @!p2 [hbm4b:s10+s9], $0x80, $0x38;
	[tilespmem:$0x1E678] =	vst v63  }
0x1be: {  	s5 =	sadd.s32 $0x1, s5;
	s10 =	sadd.s32 @!p2 s1, s12  }
.LBB2_27:
0x1bf: {  	[tilespmem:s16], [sflag:$0x2] =	stream.linear.gather @!p2 [hbm4b:s10+s9], $0x80, $0x38;
	[tilespmem:$0x1E678] =	vst v63  }
.Ltmp18:
0x1c0: {  	s2 =	sshll.u32 s3, $0x8;
	(pc) =	sbr.rel .LBB2_28-.Ltmp18, $4  }
0x1c1: {  	s16 =	simm.s32 $0x2;
	s2 =	sand.u32 $0x3FFFFF00, s2  }
0x1c2: {  	_ =	swait.ge [sflag:s16], s2  }
0x1c3: {  	s2 =	ssub.s32 $0x0, s2;
	[sflag:s16] =	ssyncset.done $0x0  }
0x1c4: {  	s5 =	simm.s32 $0x0;
	[sflag:s16] =	ssyncadd.s32 s2  }
.LBB2_29:
0x1c5: {  	v1 =	vld [tilespmem:s30+$0xFFFFFF80];
	_ =	sdelay $0x4  }
0x1c6: {  	[tilespmem:s2+$0x208] =	vst.add.f32.msk $0xffff, v1  }
0x1c7: {  	v1 =	vld [tilespmem:s30+$0xFFFFFF90];
	_ =	sdelay $0x4  }
0x1c8: {  	[tilespmem:s2+$0x218] =	vst.add.f32.msk $0xffff, v1  }
0x1c9: {  	v1 =	vld [tilespmem:s30+$0xFFFFFFA0];
	_ =	sdelay $0x4  }
0x1ca: {  	[tilespmem:s2+$0x228] =	vst.add.f32.msk $0xffff, v1  }
0x1cb: {  	v1 =	vld [tilespmem:s30+$0xFFFFFFB0];
	_ =	sdelay $0x4  }
0x1cc: {  	[tilespmem:s2+$0x238] =	vst.add.f32.msk $0xffff, v1  }
0x1cd: {  	v1 =	vld [tilespmem:s30+$0xFFFFFFC0];
	_ =	sdelay $0x4  }
0x1ce: {  	[tilespmem:s2+$0x248] =	vst.add.f32.msk $0xffff, v1  }
0x1cf: {  	v1 =	vld [tilespmem:s30+$0xFFFFFFD0];
	_ =	sdelay $0x4  }
0x1d0: {  	[tilespmem:s2+$0x258] =	vst.add.f32.msk $0xffff, v1  }
0x1d1: {  	v1 =	vld [tilespmem:s30+$0xFFFFFFE0];
	_ =	sdelay $0x4  }
0x1d2: {  	[tilespmem:s2+$0x268] =	vst.add.f32.msk $0xffff, v1  }
0x1d3: {  	v1 =	vld [tilespmem:s30+$0xFFFFFFF0];
	_ =	sdelay $0x4  }
0x1d4: {  	[tilespmem:s2+$0x278] =	vst.add.f32.msk $0xffff, v1  }
0x1d5: {  	v1 =	vld [tilespmem:s30+$0x0];
	_ =	sdelay $0x4  }
0x1d6: {  	[tilespmem:s2+$0x288] =	vst.add.f32.msk $0xffff, v1  }
0x1d7: {  	v1 =	vld [tilespmem:s30+$0x10];
	_ =	sdelay $0x4  }
0x1d8: {  	[tilespmem:s2+$0x298] =	vst.add.f32.msk $0xffff, v1  }
0x1d9: {  	v1 =	vld [tilespmem:s30+$0x20];
	_ =	sdelay $0x4  }
0x1da: {  	[tilespmem:s2+$0x2A8] =	vst.add.f32.msk $0xffff, v1  }
0x1db: {  	v1 =	vld [tilespmem:s30+$0x30];
	_ =	sdelay $0x4  }
0x1dc: {  	[tilespmem:s2+$0x2B8] =	vst.add.f32.msk $0xffff, v1  }
0x1dd: {  	v1 =	vld [tilespmem:s30+$0x40];
	_ =	sdelay $0x4  }
0x1de: {  	[tilespmem:s2+$0x2C8] =	vst.add.f32.msk $0xffff, v1  }
0x1df: {  	v1 =	vld [tilespmem:s30+$0x50];
	_ =	sdelay $0x4  }
0x1e0: {  	[tilespmem:s2+$0x2D8] =	vst.add.f32.msk $0xffff, v1  }
0x1e1: {  	v1 =	vld [tilespmem:s30+$0x60];
	_ =	sdelay $0x4  }
0x1e2: {  	[tilespmem:s2+$0x2E8] =	vst.add.f32.msk $0xffff, v1  }
0x1e3: {  	v1 =	vld [tilespmem:s30+$0x70];
	_ =	sdelay $0x4  }
0x1e4: {  	[tilespmem:s2+$0x2F8] =	vst.add.f32.msk $0xffff, v1  }
.LBB2_33:
0x1e5: {  	s26 =	sadd.s32 $0xFFFFFFFF, s26  }
0x1e6: {  	p2 =	sne.s32 s26, $0x0  }
.Ltmp19:
0x1e7: {  	_ = 	snop;
	(pc) =	sbr.rel @!p2 .LBB2_34-.Ltmp19, $2  }
0x1e8: {  	_ =	sdelay $0x2  }
0x1e9: {  	s28 =	sadd.s32 $0x1, s28;
	s30 =	sadd.s32 $0x100, s30;
	s0 =	smov.u32 s4  }
.LBB2_28:
0x1ea: {  	v1 =	vld.msk [tilespmem:s28+$0x0], $0x1;
	_ =	sdelay $0x4  }
0x1eb: {  	(v2sf) =	vpush v1, $0x0;
	_ =	sdelay $0xe  }
0x1ec: {  	s4 =	spop (v2sf)  }
0x1ed: {  	p2 =	sne.s32 s0, s4  }
.Ltmp20:
0x1ee: {  	_ = 	snop;
	(pc) =	sbr.rel @!p2 .LBB2_29-.Ltmp20, $3  }
0x1ef: {  	_ =	sdelay $0x1  }
0x1f0: {  	s2 =	sshll.u32 s25, $0xA  }
0x1f1: {  	s2 =	sshra.s32 s2, $0x2  }
0x1f2: {  	p2 =	seq.s32 s0, s29  }
.Ltmp21:
0x1f3: {  	_ = 	snop;
	(pc) =	sbr.rel @!p2 .LBB2_31-.Ltmp21, $1  }
0x1f4: {  	_ =	sdelay $0x3  }
.Ltmp22:
0x1f5: {  	s0 =	sadd.s32 $0x208, s2;
	(pc) =	sbr.rel .LBB2_32-.Ltmp22, $4  }
0x1f6: {  	[spmem:s17] =	stream.linear.scatter [tilespmem:s0], [sflag:$0x1], $0x100, $0x38;
	[tilespmem:$0x1E678] =	vst v63  }
0x1f7: {  	_ =	swait.ge [sflag:s13], $0x100  }
0x1f8: {  	[sflag:s13] =	ssyncset.done $0x0  }
0x1f9: {  	[sflag:s13] =	ssyncadd.s32 $0xFFFFFF00  }
.LBB2_31:
0x1fa: {  	s3 =	sshll.u32 s31, $0xA  }
0x1fb: {  	s3 =	sshra.s32 s3, $0x2  }
0x1fc: {  	v1 =	vld [tilespmem:s3+$0x7308];
	_ =	sdelay $0x4  }
0x1fd: {  	[tilespmem:s2+$0x208] =	vst.add.f32.msk $0xffff, v1  }
0x1fe: {  	v1 =	vld [tilespmem:s3+$0x7318];
	_ =	sdelay $0x4  }
0x1ff: {  	[tilespmem:s2+$0x218] =	vst.add.f32.msk $0xffff, v1  }
0x200: {  	v1 =	vld [tilespmem:s3+$0x7328];
	_ =	sdelay $0x4  }
0x201: {  	[tilespmem:s2+$0x228] =	vst.add.f32.msk $0xffff, v1  }
0x202: {  	v1 =	vld [tilespmem:s3+$0x7338];
	_ =	sdelay $0x4  }
0x203: {  	[tilespmem:s2+$0x238] =	vst.add.f32.msk $0xffff, v1  }
0x204: {  	v1 =	vld [tilespmem:s3+$0x7348];
	_ =	sdelay $0x4  }
0x205: {  	[tilespmem:s2+$0x248] =	vst.add.f32.msk $0xffff, v1  }
0x206: {  	v1 =	vld [tilespmem:s3+$0x7358];
	_ =	sdelay $0x4  }
0x207: {  	[tilespmem:s2+$0x258] =	vst.add.f32.msk $0xffff, v1  }
0x208: {  	v1 =	vld [tilespmem:s3+$0x7368];
	_ =	sdelay $0x4  }
0x209: {  	[tilespmem:s2+$0x268] =	vst.add.f32.msk $0xffff, v1  }
0x20a: {  	v1 =	vld [tilespmem:s3+$0x7378];
	_ =	sdelay $0x4  }
0x20b: {  	[tilespmem:s2+$0x278] =	vst.add.f32.msk $0xffff, v1  }
0x20c: {  	v1 =	vld [tilespmem:s3+$0x7388];
	_ =	sdelay $0x4  }
0x20d: {  	[tilespmem:s2+$0x288] =	vst.add.f32.msk $0xffff, v1  }
0x20e: {  	v1 =	vld [tilespmem:s3+$0x7398];
	_ =	sdelay $0x4  }
0x20f: {  	[tilespmem:s2+$0x298] =	vst.add.f32.msk $0xffff, v1  }
0x210: {  	v1 =	vld [tilespmem:s3+$0x73A8];
	_ =	sdelay $0x4  }
0x211: {  	[tilespmem:s2+$0x2A8] =	vst.add.f32.msk $0xffff, v1  }
0x212: {  	v1 =	vld [tilespmem:s3+$0x73B8];
	_ =	sdelay $0x4  }
0x213: {  	[tilespmem:s2+$0x2B8] =	vst.add.f32.msk $0xffff, v1  }
0x214: {  	v1 =	vld [tilespmem:s3+$0x73C8];
	_ =	sdelay $0x4  }
0x215: {  	[tilespmem:s2+$0x2C8] =	vst.add.f32.msk $0xffff, v1  }
0x216: {  	v1 =	vld [tilespmem:s3+$0x73D8];
	_ =	sdelay $0x4  }
0x217: {  	[tilespmem:s2+$0x2D8] =	vst.add.f32.msk $0xffff, v1  }
0x218: {  	v1 =	vld [tilespmem:s3+$0x73E8];
	_ =	sdelay $0x4  }
0x219: {  	[tilespmem:s2+$0x2E8] =	vst.add.f32.msk $0xffff, v1  }
0x21a: {  	v1 =	vld [tilespmem:s3+$0x73F8];
	_ =	sdelay $0x2  }
0x21b: {  	p2 =	sgt.u32 s0, $0x30F70  }
0x21c: {  	s10 =	sand.u32 @!p2 $0x7, s0;
	s3 =	sand.u32 @!p2 $0x3FFF8, s0;
	s0 =	sadd.s32 @!p2 $0x80, s0  }
0x21d: {  	s9 =	sadd.s32 $0x208, s2;
	s3 =	sadd.s32 @!p2 s1, s3;
	s0 =	sand.u32 @!p2 $0x7FFF8, s0;
	[tilespmem:s2+$0x2F8] =	vst.add.f32.msk $0xffff, v1  }
0x21e: {  	[hbm4b:s3+s10] =	stream.linear.scatter @!p2 [tilespmem:s9], [sflag:$0xC], $0x80, $0x38;
	[tilespmem:$0x1E678] =	vst v63  }
0x21f: {  	s0 =	sadd.s32 @!p2 s1, s0;
	s2 =	sadd.s32 $0x288, s2  }
0x220: {  	[hbm4b:s0+s10] =	stream.linear.scatter @!p2 [tilespmem:s2], [sflag:$0xC], $0x80, $0x38;
	[tilespmem:$0x1E678] =	vst v63  }
0x221: {  	s0 =	simm.s32 $0x0  }
0x222: {  	s0 =	simm.s32 @!p2 $0x400  }
0x223: {  	s5 =	sadd.s32 s0, s5  }
.LBB2_32:
0x224: {  	s0 =	sadd.s32 $0x1, s25  }
0x225: {  	s2 =	sshrl.u32 s0, $0x4  }
0x226: {  	s2 =	smulhi.u32 $0x24924925, s2  }
0x227: {  	v1 =	vld [tilespmem:s30+$0xFFFFFF80]  }
0x228: {  	s2 =	smul.u32 $0x70, s2;
	_ =	sdelay $0x1  }
0x229: {  	s25 =	ssub.s32 s0, s2  }
0x22a: {  	s0 =	sshll.u32 s25, $0x8  }
0x22b: {  	[tilespmem:s0+$0x208] =	vst v1  }
0x22c: {  	v1 =	vld [tilespmem:s30+$0xFFFFFF90];
	_ =	sdelay $0x4  }
0x22d: {  	[tilespmem:s0+$0x218] =	vst v1  }
0x22e: {  	v1 =	vld [tilespmem:s30+$0xFFFFFFA0];
	_ =	sdelay $0x4  }
0x22f: {  	[tilespmem:s0+$0x228] =	vst v1  }
0x230: {  	v1 =	vld [tilespmem:s30+$0xFFFFFFB0];
	_ =	sdelay $0x4  }
0x231: {  	[tilespmem:s0+$0x238] =	vst v1  }
0x232: {  	v1 =	vld [tilespmem:s30+$0xFFFFFFC0];
	_ =	sdelay $0x4  }
0x233: {  	[tilespmem:s0+$0x248] =	vst v1  }
0x234: {  	v1 =	vld [tilespmem:s30+$0xFFFFFFD0];
	_ =	sdelay $0x4  }
0x235: {  	[tilespmem:s0+$0x258] =	vst v1  }
0x236: {  	v1 =	vld [tilespmem:s30+$0xFFFFFFE0];
	_ =	sdelay $0x4  }
0x237: {  	[tilespmem:s0+$0x268] =	vst v1  }
0x238: {  	v1 =	vld [tilespmem:s30+$0xFFFFFFF0];
	_ =	sdelay $0x4  }
0x239: {  	[tilespmem:s0+$0x278] =	vst v1  }
0x23a: {  	v1 =	vld [tilespmem:s30+$0x0];
	_ =	sdelay $0x4  }
0x23b: {  	[tilespmem:s0+$0x288] =	vst v1  }
0x23c: {  	v1 =	vld [tilespmem:s30+$0x10];
	_ =	sdelay $0x4  }
0x23d: {  	[tilespmem:s0+$0x298] =	vst v1  }
0x23e: {  	v1 =	vld [tilespmem:s30+$0x20];
	_ =	sdelay $0x4  }
0x23f: {  	[tilespmem:s0+$0x2A8] =	vst v1  }
0x240: {  	v1 =	vld [tilespmem:s30+$0x30];
	_ =	sdelay $0x4  }
0x241: {  	[tilespmem:s0+$0x2B8] =	vst v1  }
0x242: {  	v1 =	vld [tilespmem:s30+$0x40];
	_ =	sdelay $0x4  }
0x243: {  	[tilespmem:s0+$0x2C8] =	vst v1  }
0x244: {  	v1 =	vld [tilespmem:s30+$0x50];
	_ =	sdelay $0x4  }
0x245: {  	[tilespmem:s0+$0x2D8] =	vst v1  }
0x246: {  	v1 =	vld [tilespmem:s30+$0x60];
	_ =	sdelay $0x4  }
0x247: {  	[tilespmem:s0+$0x2E8] =	vst v1  }
0x248: {  	v1 =	vld [tilespmem:s30+$0x70]  }
.Ltmp23:
0x249: {  	_ = 	snop;
	(pc) =	sbr.rel .LBB2_33-.Ltmp23, $2  }
0x24a: {  	_ =	sdelay $0x2  }
0x24b: {  	s31 =	sadd.s32 $0x1, s31;
	[tilespmem:s0+$0x2F8] =	vst v1  }
.LBB2_35:
.Ltmp24:
0x24c: {  	(pc) =	sbr.rel .LBB2_36-.Ltmp24, $4  }
0x24d: {  	_ = 	snop  }
0x24e: {  	s2 =	simm.s32 $0x2  }
0x24f: {  	_ =	swait.ge [sflag:s2], $0x0  }
0x250: {  	s4 =	smov.u32 s0;
	[sflag:s2] =	ssyncset.done $0x0;
	s2 =	simm.s32 $0x0  }
.LBB2_38:
0x251: {  	_ =	sfence.sel $0x180000  }
0x252: {  	s0 =	simm.s32 $0x9;
	[bflag:$0x0] =	sbarrier.arrive $0xFFFF  }
0x253: {  	s24 =	simm.s32 $0xA;
	[sflag:s0] =	ssyncpa.u1 $0x1  }
0x254: {  	s25 =	simm.s32 $0xB;
	[sflag:s24] =	ssyncpa.u1 $0x1  }
0x255: {  	s26 =	simm.s32 $0x2;
	[sflag:s25] =	ssyncpa.u1 $0x1  }
0x256: {  	[sflag:s26] =	ssyncpa.u1 $0x1  }
0x257: {  	v0 =	vld [tilespmem:$0xE408];
	_ =	sdelay $0x4  }
0x258: {  	(v2sf) =	vpush v0, $0x0  }
0x259: {  	(v2sf) =	vpush v0, $0x1;
	_ =	sdelay $0x1  }
0x25a: {  	(v2sf) =	vpush v0, $0x2;
	_ =	sdelay $0xb  }
0x25b: {  	s0 =	spop (v2sf)  }
0x25c: {  	s2 =	spop (v2sf)  }
0x25d: {  	s3 =	smov.u32 s0;
	p0 =	sne.s32 s0, s2  }
0x25e: {  	s4 =	spop (v2sf);
	s3 =	simm.s32 @!p0 $0xFFFFFFFF  }
0x25f: {  	v2 =	vimm.s32 $0x1;
	v3 =	vlaneseq.u32;
	p0 =	seq.s32 s4, $0xFFFFFFFF;
	v1 =	vmov s3  }
0x260: {  	s15 =	stileid.u32;
	v0 =	vperm.xlane v0, v2;
	p1 =	sne.s32 @!p0 s0, s2;
	v1 =	vperm.xlane v1, v3  }
0x261: {  	vm0 =	vcmask $0x3F04;
	s6 =	simm.s32 $0xE408;
	s0 =	simm.s32 @!p0 $0x1;
	p1 =	por !p1, p0  }
0x262: {  	s3 =	sshll.u32 s15, $0x1;
	s2 =	sshll.u32 @!p0 s4, $0xA;
	s0 =	simm.s32 @p1 $0x0;
	v0 =	vsel vm0, v1, v0  }
0x263: {  	s5 =	sor.u32 $0x2000, s3;
	s2 =	sshra.s32 @!p0 s2, $0x2;
	s0 =	sor.u32 @!p0 s0, s3;
	[tilespmem:$0xE408] =	vst v0  }
0x264: {  	[spmem:s5] =	stream.linear.scatter [tilespmem:s6], [sflag:$0x1], $0x2, $0x38;
	[tilespmem:$0x1E678] =	vst v63  }
0x265: {  	s2 =	sadd.s32 @!p0 $0x208, s2;
	s0 =	sshll.u32 @!p0 s0, $0x8  }
0x266: {  	[spmem:s0] =	stream.linear.scatter @!p0 [tilespmem:s2], [sflag:$0x1], $0x100, $0x38;
	[tilespmem:$0x1E678] =	vst v63  }
0x267: {  	s0 =	simm.s32 @!p0 $0x102  }
0x268: {  	s28 =	simm.s32 $0x1;
	s0 =	simm.s32 @p0 $0x2  }
0x269: {  	_ =	swait.ge [sflag:s28], s0  }
0x26a: {  	s0 =	ssub.s32 $0x0, s0;
	[sflag:s28] =	ssyncset.done $0x0  }
0x26b: {  	p0 =	sne.s32 s15, $0x0;
	[sflag:s28] =	ssyncadd.s32 s0  }
.Ltmp25:
0x26c: {  	_ =	sfence.stream.spmem;
	(pc) =	sbr.rel @p0 .LBB2_55-.Ltmp25, $4  }
0x26d: {  	s29 =	simm.s32 $0x3;
	[bflag:$0x0] =	sbarrier.arrive $0xFFFF  }
0x26e: {  	s30 =	simm.s32 $0x4;
	[sflag:s29] =	ssyncpa.u1 $0x1  }
0x26f: {  	s31 =	simm.s32 $0x3C;
	[sflag:s30] =	ssyncpa.u1 $0x1  }
0x270: {  	s14 =	rddreg [dreg:$0x5];
	[sflag:s31] =	ssyncpa.u1 $0x1  }
0x271: {  	_ =	sfence.stream.spmem;
	s0 =	simm.s32 $0x5  }
0x272: {  	s2 =	simm.s32 $0x2000;
	s3 =	simm.s32 $0xE418;
	[sflag:s0] =	ssyncpa.u1 $0x0  }
0x273: {  	[tilespmem:s3], [sflag:$0x5] =	stream.linear.gather [spmem:s2], $0x20, $0x38;
	[tilespmem:$0x1E678] =	vst v63  }
0x274: {  	s26 =	simm.s32 $0x0;
	s28 =	simm.s32 $0xE438  }
0x275: {  	[tilespmem:s28], [sflag:$0x5] =	stream.linear.gather [spmem:s26], $0x2000, $0x38;
	[tilespmem:$0x1E678] =	vst v63  }
0x276: {  	_ =	swait.ge [sflag:s0], $0x2020  }
0x277: {  	[sflag:s0] =	ssyncset.done $0x0  }
0x278: {  	s29 =	simm.s32 $0x0;
	[sflag:s0] =	ssyncadd.s32 $0xFFFFDFE0  }
0x279: {  	v0 =	vld.msk [tilespmem:s29+$0xE418], $0x1;
	_ =	sdelay $0x1  }
0x27a: {  	s30 =	simm.s32 $0x1  }
0x27b: {  	v1 =	vld.msk [tilespmem:s30+$0xE418], $0x1;
	_ =	sdelay $0x1  }
0x27c: {  	(v2sf) =	vpush v0, $0x0;
	_ =	sdelay $0x2  }
0x27d: {  	(v2sf) =	vpush v1, $0x0;
	_ =	sdelay $0x2  }
0x27e: {  	s31 =	simm.s32 $0x2  }
0x27f: {  	v0 =	vld.msk [tilespmem:s31+$0xE418], $0x1;
	_ =	sdelay $0x2  }
0x280: {  	s2 =	simm.s32 $0xFFFFFFFF;
	s3 =	simm.s32 $0xFFFFFFFF;
	s0 =	simm.s32 $0xC  }
.LBB2_40:
0x281: {  	s4 =	smov.u32 s3;
	s5 =	smov.u32 s2  }
0x282: {  	s2 =	sshra.s32 s0, $0x2;
	p1 =	sne.s32 s0, $0x7C;
	s0 =	sadd.s32 $0x4, s0;
	(v2sf) =	vpush v0, $0x0  }
0x283: {  	v0 =	vld.msk [tilespmem:s2+$0xE418], $0x1  }
.Ltmp26:
0x284: {  	(pc) =	sbr.rel @p1 .LBB2_40-.Ltmp26, $4  }
0x285: {  	s3 =	spop (v2sf)  }
0x286: {  	p2 =	sne.s32 s5, $0xFFFFFFFF;
	s2 =	smov.u32 s3  }
0x287: {  	p3 =	seq.s32 s3, $0xFFFFFFFF;
	s2 =	smov.u32 @p2 s5  }
0x288: {  	s3 =	smov.u32 @p3 s4;
	s2 =	smov.u32 @p3 s5  }
0x289: {  	(v2sf) =	vpush v0, $0x0;
	_ =	sdelay $0x8  }
0x28a: {  	s0 =	spop (v2sf)  }
0x28b: {  	p1 =	sne.s32 s2, $0xFFFFFFFF;
	s9 =	simm.s32 $0x6;
	s4 =	smov.u32 s0  }
0x28c: {  	s6 =	simm.s32 $0x0;
	p2 =	seq.s32 s0, $0xFFFFFFFF;
	s4 =	smov.u32 @p1 s2  }
0x28d: {  	s10 =	simm.s32 $0xE308;
	s4 =	smov.u32 @p2 s2;
	s2 =	spop (v2sf)  }
0x28e: {  	s0 =	smov.u32 @p2 s3;
	p1 =	sne.s32 s4, $0xFFFFFFFF;
	s5 =	smov.u32 s2  }
.Ltmp27:
0x28f: {  	p2 =	seq.s32 s2, $0xFFFFFFFF;
	s5 =	smov.u32 @p1 s4;
	(pc) =	sbr.rel .LBB2_42-.Ltmp27, $4  }
0x290: {  	s11 =	simm.s32 $0xE388;
	s5 =	smov.u32 @p2 s4;
	s7 =	spop (v2sf)  }
0x291: {  	s12 =	simm.s32 $0x0;
	p1 =	sne.s32 s5, $0xFFFFFFFF;
	s8 =	smov.u32 s7  }
0x292: {  	s2 =	smov.u32 @p2 s0;
	p2 =	seq.s32 s7, $0xFFFFFFFF;
	s8 =	smov.u32 @p1 s5  }
0x293: {  	[sflag:s9] =	ssyncpa.u1 $0x0;
	s7 =	smov.u32 @p2 s2;
	s8 =	smov.u32 @p2 s5  }
.LBB2_48:
0x294: {  	p1 =	sgt.u32 s0, $0x30F70  }
0x295: {  	p2 =	seq.s32 @!p1 s0, s8  }
0x296: {  	p1 =	por p1, p2  }
0x297: {  	p2 =	sne.s32 @!p1 s0, s7  }
0x298: {  	p1 =	por p1, !p2  }
0x299: {  	s0 =	sshll.u32 @p1 s12, $0xA  }
0x29a: {  	s2 =	sand.u32 @!p1 $0x3FFF8, s0;
	s3 =	sand.u32 @!p1 $0x7, s0;
	s0 =	sadd.s32 @!p1 $0x80, s0  }
0x29b: {  	s2 =	sadd.s32 @!p1 s1, s2;
	s0 =	sand.u32 @!p1 $0x7FFF8, s0  }
0x29c: {  	[tilespmem:s10], [sflag:$0x6] =	stream.linear.gather @!p1 [hbm4b:s2+s3], $0x80, $0x38;
	[tilespmem:$0x1E678] =	vst v63  }
0x29d: {  	s0 =	sadd.s32 @!p1 s1, s0  }
0x29e: {  	[tilespmem:s11], [sflag:$0x6] =	stream.linear.gather @!p1 [hbm4b:s0+s3], $0x80, $0x38;
	[tilespmem:$0x1E678] =	vst v63  }
0x29f: {  	_ =	swait.ge @!p1 [sflag:s9], $0x100  }
0x2a0: {  	[sflag:s9] =	ssyncset.done @!p1 $0x0  }
0x2a1: {  	[sflag:s9] =	ssyncadd.s32 @!p1 $0xFFFFFF00  }
0x2a2: {  	v1 =	vld @!p1 [tilespmem:$0xE308];
	_ =	sdelay $0x2  }
0x2a3: {  	s0 =	sshll.u32 @!p1 s12, $0xA  }
0x2a4: {  	s2 =	sshrl.u32 @!p1 s0, $0x2  }
0x2a5: {  	[tilespmem:s2+$0xE438] =	vst.add.f32.msk @!p1 $0xffff, v1  }
0x2a6: {  	v1 =	vld @!p1 [tilespmem:$0xE318];
	_ =	sdelay $0x4  }
0x2a7: {  	[tilespmem:s2+$0xE448] =	vst.add.f32.msk @!p1 $0xffff, v1  }
0x2a8: {  	v1 =	vld @!p1 [tilespmem:$0xE328];
	_ =	sdelay $0x4  }
0x2a9: {  	[tilespmem:s2+$0xE458] =	vst.add.f32.msk @!p1 $0xffff, v1  }
0x2aa: {  	v1 =	vld @!p1 [tilespmem:$0xE338];
	_ =	sdelay $0x4  }
0x2ab: {  	[tilespmem:s2+$0xE468] =	vst.add.f32.msk @!p1 $0xffff, v1  }
0x2ac: {  	v1 =	vld @!p1 [tilespmem:$0xE348];
	_ =	sdelay $0x4  }
0x2ad: {  	[tilespmem:s2+$0xE478] =	vst.add.f32.msk @!p1 $0xffff, v1  }
0x2ae: {  	v1 =	vld @!p1 [tilespmem:$0xE358];
	_ =	sdelay $0x4  }
0x2af: {  	[tilespmem:s2+$0xE488] =	vst.add.f32.msk @!p1 $0xffff, v1  }
0x2b0: {  	v1 =	vld @!p1 [tilespmem:$0xE368];
	_ =	sdelay $0x4  }
0x2b1: {  	[tilespmem:s2+$0xE498] =	vst.add.f32.msk @!p1 $0xffff, v1  }
0x2b2: {  	v1 =	vld @!p1 [tilespmem:$0xE378];
	_ =	sdelay $0x4  }
0x2b3: {  	[tilespmem:s2+$0xE4A8] =	vst.add.f32.msk @!p1 $0xffff, v1  }
0x2b4: {  	v1 =	vld @!p1 [tilespmem:$0xE388];
	_ =	sdelay $0x4  }
0x2b5: {  	[tilespmem:s2+$0xE4B8] =	vst.add.f32.msk @!p1 $0xffff, v1  }
0x2b6: {  	v1 =	vld @!p1 [tilespmem:$0xE398];
	_ =	sdelay $0x4  }
0x2b7: {  	[tilespmem:s2+$0xE4C8] =	vst.add.f32.msk @!p1 $0xffff, v1  }
0x2b8: {  	v1 =	vld @!p1 [tilespmem:$0xE3A8];
	_ =	sdelay $0x4  }
0x2b9: {  	[tilespmem:s2+$0xE4D8] =	vst.add.f32.msk @!p1 $0xffff, v1  }
0x2ba: {  	v1 =	vld @!p1 [tilespmem:$0xE3B8];
	_ =	sdelay $0x4  }
0x2bb: {  	[tilespmem:s2+$0xE4E8] =	vst.add.f32.msk @!p1 $0xffff, v1  }
0x2bc: {  	v1 =	vld @!p1 [tilespmem:$0xE3C8];
	_ =	sdelay $0x4  }
0x2bd: {  	[tilespmem:s2+$0xE4F8] =	vst.add.f32.msk @!p1 $0xffff, v1  }
0x2be: {  	v1 =	vld @!p1 [tilespmem:$0xE3D8];
	_ =	sdelay $0x4  }
0x2bf: {  	[tilespmem:s2+$0xE508] =	vst.add.f32.msk @!p1 $0xffff, v1  }
0x2c0: {  	v1 =	vld @!p1 [tilespmem:$0xE3E8];
	_ =	sdelay $0x4  }
0x2c1: {  	[tilespmem:s2+$0xE518] =	vst.add.f32.msk @!p1 $0xffff, v1  }
0x2c2: {  	v1 =	vld @!p1 [tilespmem:$0xE3F8];
	_ =	sdelay $0x4  }
0x2c3: {  	[tilespmem:s2+$0xE528] =	vst.add.f32.msk @!p1 $0xffff, v1  }
0x2c4: {  	s0 =	sshrl.u32 s0, $0x2;
	[tilespmem:s6+$0xE418] =	vst.msk $0x1, v0  }
0x2c5: {  	v0 =	vld [tilespmem:s0+$0xE438];
	_ =	sdelay $0x2  }
0x2c6: {  	s31 =	sshll.u32 s6, $0xA  }
0x2c7: {  	s2 =	sshra.s32 s31, $0x2  }
0x2c8: {  	[tilespmem:s2+$0xE438] =	vst v0  }
0x2c9: {  	v0 =	vld [tilespmem:s0+$0xE448];
	_ =	sdelay $0x4  }
0x2ca: {  	[tilespmem:s2+$0xE448] =	vst v0  }
0x2cb: {  	v0 =	vld [tilespmem:s0+$0xE458];
	_ =	sdelay $0x4  }
0x2cc: {  	[tilespmem:s2+$0xE458] =	vst v0  }
0x2cd: {  	v0 =	vld [tilespmem:s0+$0xE468];
	_ =	sdelay $0x4  }
0x2ce: {  	[tilespmem:s2+$0xE468] =	vst v0  }
0x2cf: {  	v0 =	vld [tilespmem:s0+$0xE478];
	_ =	sdelay $0x4  }
0x2d0: {  	[tilespmem:s2+$0xE478] =	vst v0  }
0x2d1: {  	v0 =	vld [tilespmem:s0+$0xE488];
	_ =	sdelay $0x4  }
0x2d2: {  	[tilespmem:s2+$0xE488] =	vst v0  }
0x2d3: {  	v0 =	vld [tilespmem:s0+$0xE498];
	_ =	sdelay $0x4  }
0x2d4: {  	[tilespmem:s2+$0xE498] =	vst v0  }
0x2d5: {  	v0 =	vld [tilespmem:s0+$0xE4A8];
	_ =	sdelay $0x4  }
0x2d6: {  	[tilespmem:s2+$0xE4A8] =	vst v0  }
0x2d7: {  	v0 =	vld [tilespmem:s0+$0xE4B8];
	_ =	sdelay $0x4  }
0x2d8: {  	[tilespmem:s2+$0xE4B8] =	vst v0  }
0x2d9: {  	v0 =	vld [tilespmem:s0+$0xE4C8];
	_ =	sdelay $0x4  }
0x2da: {  	[tilespmem:s2+$0xE4C8] =	vst v0  }
0x2db: {  	v0 =	vld [tilespmem:s0+$0xE4D8];
	_ =	sdelay $0x4  }
0x2dc: {  	[tilespmem:s2+$0xE4D8] =	vst v0  }
0x2dd: {  	v0 =	vld [tilespmem:s0+$0xE4E8];
	_ =	sdelay $0x4  }
0x2de: {  	[tilespmem:s2+$0xE4E8] =	vst v0  }
0x2df: {  	v0 =	vld [tilespmem:s0+$0xE4F8];
	_ =	sdelay $0x4  }
0x2e0: {  	[tilespmem:s2+$0xE4F8] =	vst v0  }
0x2e1: {  	v0 =	vld [tilespmem:s0+$0xE508];
	_ =	sdelay $0x4  }
0x2e2: {  	[tilespmem:s2+$0xE508] =	vst v0  }
0x2e3: {  	v0 =	vld [tilespmem:s0+$0xE518];
	_ =	sdelay $0x4  }
0x2e4: {  	[tilespmem:s2+$0xE518] =	vst v0  }
0x2e5: {  	v0 =	vld [tilespmem:s0+$0xE528];
	_ =	sdelay $0x4  }
0x2e6: {  	s6 =	sadd.s32 $0x1, s6;
	[tilespmem:s2+$0xE528] =	vst v0  }
.LBB2_49:
0x2e7: {  	s12 =	sadd.s32 $0x1, s12  }
0x2e8: {  	p1 =	sne.s32 s12, $0x20  }
.Ltmp28:
0x2e9: {  	_ = 	snop;
	(pc) =	sbr.rel @!p1 .LBB2_50-.Ltmp28, $1  }
0x2ea: {  	_ =	sdelay $0x3  }
.LBB2_42:
0x2eb: {  	v0 =	vld.msk [tilespmem:s12+$0xE418], $0x1;
	_ =	sdelay $0x4  }
0x2ec: {  	(v2sf) =	vpush v0, $0x0;
	_ =	sdelay $0xe  }
0x2ed: {  	s0 =	spop (v2sf)  }
0x2ee: {  	p1 =	seq.s32 s0, $0xFFFFFFFF  }
.Ltmp29:
0x2ef: {  	_ = 	snop;
	(pc) =	sbr.rel @p1 .LBB2_49-.Ltmp29, $1  }
0x2f0: {  	_ =	sdelay $0x3  }
0x2f1: {  	p1 =	slt.s32 s6, $0x1  }
.Ltmp30:
0x2f2: {  	_ = 	snop;
	(pc) =	sbr.rel @p1 .LBB2_48-.Ltmp30, $1  }
0x2f3: {  	_ =	sdelay $0x3  }
0x2f4: {  	s2 =	simm.s32 $0xE418;
	p1 =	por $0x0, $0x0  }
0x2f5: {  	v1 =	vld.msk @!p1 [tilespmem:s2+$0x0], $0x1;
	_ =	sdelay $0x4  }
0x2f6: {  	(v2sf) =	vpush @!p1 v1, $0x0;
	_ =	sdelay $0xd  }
0x2f7: {  	p3 =	sne.s32 s6, $0x1  }
.Ltmp31:
0x2f8: {  	s3 =	spop @!p1 (v2sf);
	(pc) =	sbr.rel @!p3 .LBB2_46-.Ltmp31, $4  }
0x2f9: {  	p2 =	seq.s32 @!p1 s0, s3  }
0x2fa: {  	s4 =	simm.s32 $0x0;
	p2 =	por !p2, p1  }
0x2fb: {  	s3 =	simm.s32 $0xFFFFFFFF;
	s4 =	simm.s32 @p2 $0xFFFFFFFF  }
0x2fc: {  	s5 =	simm.s32 $0x1;
	s4 =	smov.u32 @p1 s3  }
.LBB2_45:
0x2fd: {  	s3 =	smov.u32 s4;
	p1 =	sne.s32 s4, $0xFFFFFFFF  }
0x2fe: {  	s2 =	sadd.s32 $0x1, s2;
	s4 =	smov.u32 s5;
	s5 =	sadd.s32 $0x1, s5  }
0x2ff: {  	p2 =	sne.s32 s6, s5;
	v1 =	vld.msk @!p1 [tilespmem:s2+$0x0], $0x1;
	_ =	sdelay $0x4  }
0x300: {  	(v2sf) =	vpush @!p1 v1, $0x0;
	_ =	sdelay $0xe  }
.Ltmp32:
0x301: {  	s13 =	spop @!p1 (v2sf);
	(pc) =	sbr.rel @p2 .LBB2_45-.Ltmp32, $4  }
0x302: {  	p3 =	seq.s32 @!p1 s0, s13  }
0x303: {  	p3 =	por !p3, p1  }
0x304: {  	s4 =	simm.s32 @p3 $0xFFFFFFFF  }
0x305: {  	s4 =	smov.u32 @p1 s3  }
.LBB2_46:
0x306: {  	p1 =	seq.s32 s4, $0xFFFFFFFF  }
.Ltmp33:
0x307: {  	_ = 	snop;
	(pc) =	sbr.rel @p1 .LBB2_48-.Ltmp33, $1  }
0x308: {  	_ =	sdelay $0x3  }
0x309: {  	s0 =	sshll.u32 s12, $0x8  }
0x30a: {  	s0 =	sand.u32 $0x3FFFFF00, s0  }
0x30b: {  	v0 =	vld [tilespmem:s0+$0xE438];
	_ =	sdelay $0x2  }
0x30c: {  	s2 =	sshll.u32 s4, $0xA  }
0x30d: {  	s2 =	sshra.s32 s2, $0x2  }
0x30e: {  	[tilespmem:s2+$0xE438] =	vst.add.f32.msk $0xffff, v0  }
0x30f: {  	v0 =	vld [tilespmem:s0+$0xE448];
	_ =	sdelay $0x4  }
0x310: {  	[tilespmem:s2+$0xE448] =	vst.add.f32.msk $0xffff, v0  }
0x311: {  	v0 =	vld [tilespmem:s0+$0xE458];
	_ =	sdelay $0x4  }
0x312: {  	[tilespmem:s2+$0xE458] =	vst.add.f32.msk $0xffff, v0  }
0x313: {  	v0 =	vld [tilespmem:s0+$0xE468];
	_ =	sdelay $0x4  }
0x314: {  	[tilespmem:s2+$0xE468] =	vst.add.f32.msk $0xffff, v0  }
0x315: {  	v0 =	vld [tilespmem:s0+$0xE478];
	_ =	sdelay $0x4  }
0x316: {  	[tilespmem:s2+$0xE478] =	vst.add.f32.msk $0xffff, v0  }
0x317: {  	v0 =	vld [tilespmem:s0+$0xE488];
	_ =	sdelay $0x4  }
0x318: {  	[tilespmem:s2+$0xE488] =	vst.add.f32.msk $0xffff, v0  }
0x319: {  	v0 =	vld [tilespmem:s0+$0xE498];
	_ =	sdelay $0x4  }
0x31a: {  	[tilespmem:s2+$0xE498] =	vst.add.f32.msk $0xffff, v0  }
0x31b: {  	v0 =	vld [tilespmem:s0+$0xE4A8];
	_ =	sdelay $0x4  }
0x31c: {  	[tilespmem:s2+$0xE4A8] =	vst.add.f32.msk $0xffff, v0  }
0x31d: {  	v0 =	vld [tilespmem:s0+$0xE4B8];
	_ =	sdelay $0x4  }
0x31e: {  	[tilespmem:s2+$0xE4B8] =	vst.add.f32.msk $0xffff, v0  }
0x31f: {  	v0 =	vld [tilespmem:s0+$0xE4C8];
	_ =	sdelay $0x4  }
0x320: {  	[tilespmem:s2+$0xE4C8] =	vst.add.f32.msk $0xffff, v0  }
0x321: {  	v0 =	vld [tilespmem:s0+$0xE4D8];
	_ =	sdelay $0x4  }
0x322: {  	[tilespmem:s2+$0xE4D8] =	vst.add.f32.msk $0xffff, v0  }
0x323: {  	v0 =	vld [tilespmem:s0+$0xE4E8];
	_ =	sdelay $0x4  }
0x324: {  	[tilespmem:s2+$0xE4E8] =	vst.add.f32.msk $0xffff, v0  }
0x325: {  	v0 =	vld [tilespmem:s0+$0xE4F8];
	_ =	sdelay $0x4  }
0x326: {  	[tilespmem:s2+$0xE4F8] =	vst.add.f32.msk $0xffff, v0  }
0x327: {  	v0 =	vld [tilespmem:s0+$0xE508];
	_ =	sdelay $0x4  }
0x328: {  	[tilespmem:s2+$0xE508] =	vst.add.f32.msk $0xffff, v0  }
0x329: {  	v0 =	vld [tilespmem:s0+$0xE518];
	_ =	sdelay $0x4  }
0x32a: {  	[tilespmem:s2+$0xE518] =	vst.add.f32.msk $0xffff, v0  }
0x32b: {  	v0 =	vld [tilespmem:s0+$0xE528]  }
.Ltmp34:
0x32c: {  	_ = 	snop;
	(pc) =	sbr.rel .LBB2_49-.Ltmp34, $2  }
0x32d: {  	_ =	sdelay $0x2  }
0x32e: {  	[tilespmem:s2+$0xE528] =	vst.add.f32.msk $0xffff, v0  }
.LBB2_50:
0x32f: {  	s0 =	simm.s32 $0x6;
	p1 =	seq.s32 s6, $0x0  }
0x330: {  	[sflag:s0] =	ssyncpa.u1 $0x1;
	v0 =	vimm.s32 @p1 $0xFFFFFFFF  }
0x331: {  	s0 =	sadd.s32 $0xFFFFFFFF, s6;
	[tilespmem:$0x10438] =	vst @p1 v0  }
0x332: {  	v0 =	vld.msk @!p1 [tilespmem:s0+$0xE418], $0x1;
	_ =	sdelay $0x1  }
0x333: {  	v1 =	vld.msk @!p1 [tilespmem:$0xE418], $0x1;
	_ =	sdelay $0x2  }
0x334: {  	p2 =	seq.s32 @!p1 s0, $0x0;
	v0 =	vbroadcast @!p1 v0, $0x0  }
0x335: {  	vm0 =	vmmov @!p1 $0x1;
	p2 =	por !p2, p1  }
0x336: {  	v1 =	vnsel @!p1 vm0, $0xFFFFFFFF, v1;
	vm0 =	vcmask @!p1 $0x308;
	v0 =	vpsel !p2, $0xFFFFFFFF, v0  }
0x337: {  	p2 =	sne.s32 @!p1 s8, s7;
	v0 =	vsel @!p1 vm0, v1, v0  }
0x338: {  	s2 =	simm.s32 @!p1 $0xE438;
	s3 =	simm.s32 @!p1 $0x0;
	p3 =	por !p2, p1;
	[tilespmem:$0x10438] =	vst @!p1 v0  }
0x339: {  	[spmem:s3] =	stream.linear.scatter @!p1 [tilespmem:s2], [sflag:$0x1], $0x100, $0x38;
	[tilespmem:$0x1E678] =	vst v63  }
0x33a: {  	s2 =	sshll.u32 @!p3 s0, $0xA  }
0x33b: {  	s2 =	sshra.s32 @!p3 s2, $0x2  }
0x33c: {  	s3 =	simm.s32 @!p3 $0x100;
	s2 =	sadd.s32 @!p3 $0xE438, s2  }
0x33d: {  	[spmem:s3] =	stream.linear.scatter @!p3 [tilespmem:s2], [sflag:$0x1], $0x100, $0x38;
	[tilespmem:$0x1E678] =	vst v63  }
0x33e: {  	s2 =	simm.s32 @!p3 $0x1  }
0x33f: {  	_ =	swait.ge @!p3 [sflag:s2], $0x200  }
0x340: {  	p1 =	por p2, p1;
	[sflag:s2] =	ssyncset.done @!p3 $0x0  }
0x341: {  	[sflag:s2] =	ssyncadd.s32 @!p3 $0xFFFFFE00;
	s2 =	simm.s32 @!p1 $0x1  }
0x342: {  	_ =	swait.ge @!p1 [sflag:s2], $0x100  }
0x343: {  	s29 =	simm.s32 $0x10438;
	[sflag:s2] =	ssyncset.done @!p1 $0x0  }
0x344: {  	s30 =	simm.s32 $0x2000;
	s31 =	simm.s32 $0x1;
	[sflag:s2] =	ssyncadd.s32 @!p1 $0xFFFFFF00  }
0x345: {  	[spmem:s30] =	stream.linear.scatter [tilespmem:s29], [sflag:$0x1], $0x10, $0x38;
	[tilespmem:$0x1E678] =	vst v63  }
0x346: {  	_ =	swait.ge [sflag:s31], $0x10  }
0x347: {  	[sflag:s31] =	ssyncset.done $0x0  }
0x348: {  	p1 =	seq.s32 s14, $0x0;
	s9 =	rddreg [dreg:$0x2];
	[sflag:s31] =	ssyncadd.s32 $0xFFFFFFF0  }
0x349: {  	s3 =	sshll.u32 @p1 s9, $0xE;
	s8 =	rddreg [dreg:$0x3]  }
0x34a: {  	s2 =	sadd.s32 @p1 $0x15C3C, s3;
	s3 =	sshll.u32 @p1 s8, $0x11  }
0x34b: {  	_ =	sfence.stream.spmem;
	s2 =	sor.u32 @p1 s3, s2  }
0x34c: {  	[sflag:s2] =	ssyncadd.remote.s32 @p1 $0x1;
	s2 =	simm.s32 @p1 $0x4  }
0x34d: {  	s4 =	simm.s32 @!p1 $0x3C;
	s3 =	sand.u32 $0xFFFFFFFE, s9;
	_ =	swait.ge @p1 [sflag:s2], $0x42  }
0x34e: {  	s5 =	simm.s32 @!p1 $0x0;
	s3 =	sadd.s32 @!p1 $0x4, s3;
	[sflag:s2] =	ssyncset.done @p1 $0x0  }
0x34f: {  	s7 =	simm.s32 @!p1 $0x200;
	[sflag:s2] =	ssyncadd.s32 @p1 $0xFFFFFFBE;
	s2 =	sshll.u32 @!p1 s3, $0x1A  }
0x350: {  	s3 =	sshll.u32 @!p1 s3, $0xD;
	s2 =	sor.u32 @!p1 s2, s8;
	_ =	swait.eq @!p1 [sflag:s4], $0x1  }
0x351: {  	s3 =	sor.u32 @!p1 $0x1C04, s3;
	s4 =	simm.s32 @!p1 $0x1C03;
	s2 =	sor.u32 @!p1 $0x80004000, s2  }
0x352: {  	[spmem:s7], [sflag:s3] =	dma.general @!p1 [spmem:s5], [sflag:s4], length:$0x40, [dreg:$0x0], stride_count:$0x0, ici_dest:s2, dma_misc:DstOpCode:WRITE  }
0x353: {  	p2 =	slt.s32 s0, $0x2;
	s5 =	simm.s32 @!p1 $0x400;
	s7 =	simm.s32 @!p1 $0x402  }
0x354: {  	[spmem:s7], [sflag:s3] =	dma.general @!p1 [spmem:s5], [sflag:s4], length:$0x2, [dreg:$0x0], stride_count:$0x0, ici_dest:s2, dma_misc:DstOpCode:WRITE  }
.Ltmp35:
0x355: {  	s2 =	simm.s32 @!p1 $0x3;
	(pc) =	sbr.rel @p2 .LBB2_54-.Ltmp35, $4  }
0x356: {  	s3 =	sshll.u32 @!p1 s9, $0xE;
	_ =	swait.ge @!p1 [sflag:s2], $0x42  }
0x357: {  	s4 =	sshll.u32 @!p1 s8, $0x11;
	s3 =	sadd.s32 @!p1 $0x11C3C, s3;
	[sflag:s2] =	ssyncset.done @!p1 $0x0  }
0x358: {  	[sflag:s2] =	ssyncadd.s32 @!p1 $0xFFFFFFBE;
	s2 =	sor.u32 @!p1 s4, s3  }
0x359: {  	s0 =	simm.s32 $0x0;
	[sflag:s2] =	ssyncadd.remote.s32 @!p1 $0xFFFFFFFF  }
0x35a: {  	s0 =	simm.s32 $0xE419  }
0x35b: {  	v0 =	vld.msk [tilespmem:s0+$0x0], $0x1;
	_ =	sdelay $0x4  }
0x35c: {  	(v2sf) =	vpush v0, $0x0;
	_ =	sdelay $0xd  }
0x35d: {  	s31 =	sadd.s32 $0xFFFFFFFE, s6  }
0x35e: {  	s5 =	simm.s32 $0x0;
	s0 =	sadd.s32 $0xFFFFFFFF, s31;
	s3 =	spop (v2sf)  }
0x35f: {  	s4 =	simm.s32 $0xE538;
	p1 =	sne.s32 s0, $0x0;
	p2 =	sgt.u32 s3, $0x30F70  }
.Ltmp36:
0x360: {  	s2 =	simm.s32 $0xE638;
	s6 =	sand.u32 @!p2 $0x3FFF8, s3;
	(pc) =	sbr.rel @!p1 .LBB2_53-.Ltmp36, $4  }
0x361: {  	s7 =	sadd.s32 @!p2 $0x80, s3;
	s3 =	sand.u32 @!p2 $0x7, s3;
	s5 =	simm.s32 @!p2 $0x400  }
0x362: {  	s6 =	sadd.s32 @!p2 s1, s6;
	s7 =	sand.u32 @!p2 $0x7FFF8, s7;
	s5 =	sadd.s32 $0x0, s5  }
0x363: {  	[hbm4b:s6+s3] =	stream.linear.scatter @!p2 [tilespmem:s4], [sflag:$0x5], $0x80, $0x38;
	[tilespmem:$0x1E678] =	vst v63  }
0x364: {  	s4 =	simm.s32 $0xE41A;
	s6 =	simm.s32 @!p2 $0xE5B8;
	s7 =	sadd.s32 @!p2 s1, s7  }
.LBB2_52:
0x365: {  	[hbm4b:s7+s3] =	stream.linear.scatter @!p2 [tilespmem:s6], [sflag:$0x5], $0x80, $0x38;
	[tilespmem:$0x1E678] =	vst v63  }
0x366: {  	s0 =	sadd.s32 $0xFFFFFFFF, s0;
	s6 =	smov.u32 s2;
	v0 =	vld.msk [tilespmem:s4+$0x0], $0x1  }
0x367: {  	p1 =	sne.s32 s0, $0x0;
	_ =	sdelay $0x3  }
0x368: {  	(v2sf) =	vpush v0, $0x0;
	_ =	sdelay $0xe  }
0x369: {  	s2 =	sadd.s32 $0x100, s2;
	s8 =	simm.s32 $0x0;
	s3 =	spop (v2sf)  }
.Ltmp37:
0x36a: {  	s4 =	sadd.s32 $0x1, s4;
	p2 =	sgt.u32 s3, $0x30F70;
	(pc) =	sbr.rel @p1 .LBB2_52-.Ltmp37, $4  }
0x36b: {  	s8 =	simm.s32 @!p2 $0x400;
	s7 =	sand.u32 @!p2 $0x3FFF8, s3;
	s9 =	sadd.s32 @!p2 $0x80, s3  }
0x36c: {  	s3 =	sand.u32 @!p2 $0x7, s3;
	s7 =	sadd.s32 @!p2 s1, s7;
	s9 =	sand.u32 @!p2 $0x7FFF8, s9  }
0x36d: {  	[hbm4b:s7+s3] =	stream.linear.scatter @!p2 [tilespmem:s6], [sflag:$0x5], $0x80, $0x38;
	[tilespmem:$0x1E678] =	vst v63  }
0x36e: {  	s5 =	sadd.s32 s5, s8;
	s6 =	sadd.s32 @!p2 $0x80, s6;
	s7 =	sadd.s32 @!p2 s1, s9  }
.LBB2_53:
0x36f: {  	[hbm4b:s7+s3] =	stream.linear.scatter @!p2 [tilespmem:s6], [sflag:$0x5], $0x80, $0x38;
	[tilespmem:$0x1E678] =	vst v63  }
0x370: {  	s0 =	sshrl.u32 s5, $0x2  }
.LBB2_54:
0x371: {  	s2 =	simm.s32 $0x5  }
0x372: {  	_ =	swait.ge [sflag:s2], s0  }
0x373: {  	s31 =	ssub.s32 $0x0, s0;
	[sflag:s2] =	ssyncset.done $0x0  }
0x374: {  	[sflag:s2] =	ssyncadd.s32 s31  }
0x375: {  	[sflag:s2] =	ssyncpa.u1 $0x1  }
.LBB2_55:
0x376: {  	s0 =	sor.u32 s14, s15  }
0x377: {  	p1 =	sne.s32 s0, $0x0  }
.Ltmp38:
0x378: {  	_ = 	snop;
	(pc) =	sbr.rel @p1 .LBB2_70-.Ltmp38, $3  }
0x379: {  	_ =	sdelay $0x1  }
0x37a: {  	[bflag:$0x0] =	sbarrier.arrive $0xFFFF  }
0x37b: {  	_ =	sfence  }
0x37c: {  	s0 =	simm.s32 $0x7  }
0x37d: {  	s2 =	simm.s32 $0x2000;
	s3 =	simm.s32 $0xE418;
	[sflag:s0] =	ssyncpa.u1 $0x0  }
0x37e: {  	[tilespmem:s3], [sflag:$0x7] =	stream.linear.gather [spmem:s2], $0x20, $0x38;
	[tilespmem:$0x1E678] =	vst v63  }
0x37f: {  	s30 =	simm.s32 $0xE438;
	s2 =	simm.s32 $0x0  }
0x380: {  	[tilespmem:s30], [sflag:$0x7] =	stream.linear.gather [spmem:s2], $0x2000, $0x38;
	[tilespmem:$0x1E678] =	vst v63  }
.Ltmp39:
0x381: {  	_ = 	snop;
	(pc) =	sbr.rel .LBB2_57-.Ltmp39, $4  }
0x382: {  	_ =	swait.ge [sflag:s0], $0x2020  }
0x383: {  	[sflag:s0] =	ssyncset.done $0x0  }
0x384: {  	s31 =	simm.s32 $0x8;
	[sflag:s0] =	ssyncadd.s32 $0xFFFFDFE0  }
0x385: {  	s0 =	simm.s32 $0x0;
	[sflag:s31] =	ssyncpa.u1 $0x0  }
.LBB2_63:
0x386: {  	p1 =	slt.u32 s3, $0x30F71  }
0x387: {  	s4 =	sand.u32 @p1 $0x3FFF8, s3;
	s5 =	sand.u32 @p1 $0x7, s3;
	s3 =	sadd.s32 @p1 $0x80, s3  }
0x388: {  	s6 =	simm.s32 @p1 $0xE308;
	s4 =	sadd.s32 @p1 s1, s4;
	s3 =	sand.u32 @p1 $0x7FFF8, s3  }
0x389: {  	[tilespmem:s6], [sflag:$0x8] =	stream.linear.gather @p1 [hbm4b:s4+s5], $0x80, $0x38;
	[tilespmem:$0x1E678] =	vst v63  }
0x38a: {  	s3 =	sadd.s32 @p1 s1, s3;
	s4 =	simm.s32 @p1 $0xE388  }
0x38b: {  	[tilespmem:s4], [sflag:$0x8] =	stream.linear.gather @p1 [hbm4b:s3+s5], $0x80, $0x38;
	[tilespmem:$0x1E678] =	vst v63  }
0x38c: {  	s3 =	simm.s32 @p1 $0x8  }
0x38d: {  	_ =	swait.ge @p1 [sflag:s3], $0x100  }
0x38e: {  	[sflag:s3] =	ssyncset.done @p1 $0x0  }
0x38f: {  	[sflag:s3] =	ssyncadd.s32 @p1 $0xFFFFFF00  }
0x390: {  	v1 =	vld @p1 [tilespmem:$0xE308];
	_ =	sdelay $0x2  }
0x391: {  	s3 =	sshll.u32 @p1 s0, $0xA  }
0x392: {  	s4 =	sshrl.u32 @p1 s3, $0x2  }
0x393: {  	[tilespmem:s4+$0xE438] =	vst.add.f32.msk @p1 $0xffff, v1  }
0x394: {  	v1 =	vld @p1 [tilespmem:$0xE318];
	_ =	sdelay $0x4  }
0x395: {  	[tilespmem:s4+$0xE448] =	vst.add.f32.msk @p1 $0xffff, v1  }
0x396: {  	v1 =	vld @p1 [tilespmem:$0xE328];
	_ =	sdelay $0x4  }
0x397: {  	[tilespmem:s4+$0xE458] =	vst.add.f32.msk @p1 $0xffff, v1  }
0x398: {  	v1 =	vld @p1 [tilespmem:$0xE338];
	_ =	sdelay $0x4  }
0x399: {  	[tilespmem:s4+$0xE468] =	vst.add.f32.msk @p1 $0xffff, v1  }
0x39a: {  	v1 =	vld @p1 [tilespmem:$0xE348];
	_ =	sdelay $0x4  }
0x39b: {  	[tilespmem:s4+$0xE478] =	vst.add.f32.msk @p1 $0xffff, v1  }
0x39c: {  	v1 =	vld @p1 [tilespmem:$0xE358];
	_ =	sdelay $0x4  }
0x39d: {  	[tilespmem:s4+$0xE488] =	vst.add.f32.msk @p1 $0xffff, v1  }
0x39e: {  	v1 =	vld @p1 [tilespmem:$0xE368];
	_ =	sdelay $0x4  }
0x39f: {  	[tilespmem:s4+$0xE498] =	vst.add.f32.msk @p1 $0xffff, v1  }
0x3a0: {  	v1 =	vld @p1 [tilespmem:$0xE378];
	_ =	sdelay $0x4  }
0x3a1: {  	[tilespmem:s4+$0xE4A8] =	vst.add.f32.msk @p1 $0xffff, v1  }
0x3a2: {  	v1 =	vld @p1 [tilespmem:$0xE388];
	_ =	sdelay $0x4  }
0x3a3: {  	[tilespmem:s4+$0xE4B8] =	vst.add.f32.msk @p1 $0xffff, v1  }
0x3a4: {  	v1 =	vld @p1 [tilespmem:$0xE398];
	_ =	sdelay $0x4  }
0x3a5: {  	[tilespmem:s4+$0xE4C8] =	vst.add.f32.msk @p1 $0xffff, v1  }
0x3a6: {  	v1 =	vld @p1 [tilespmem:$0xE3A8];
	_ =	sdelay $0x4  }
0x3a7: {  	[tilespmem:s4+$0xE4D8] =	vst.add.f32.msk @p1 $0xffff, v1  }
0x3a8: {  	v1 =	vld @p1 [tilespmem:$0xE3B8];
	_ =	sdelay $0x4  }
0x3a9: {  	[tilespmem:s4+$0xE4E8] =	vst.add.f32.msk @p1 $0xffff, v1  }
0x3aa: {  	v1 =	vld @p1 [tilespmem:$0xE3C8];
	_ =	sdelay $0x4  }
0x3ab: {  	[tilespmem:s4+$0xE4F8] =	vst.add.f32.msk @p1 $0xffff, v1  }
0x3ac: {  	v1 =	vld @p1 [tilespmem:$0xE3D8];
	_ =	sdelay $0x4  }
0x3ad: {  	[tilespmem:s4+$0xE508] =	vst.add.f32.msk @p1 $0xffff, v1  }
0x3ae: {  	v1 =	vld @p1 [tilespmem:$0xE3E8];
	_ =	sdelay $0x4  }
0x3af: {  	[tilespmem:s4+$0xE518] =	vst.add.f32.msk @p1 $0xffff, v1  }
0x3b0: {  	v1 =	vld @p1 [tilespmem:$0xE3F8];
	_ =	sdelay $0x3  }
0x3b1: {  	s5 =	sshll.u32 @!p1 s0, $0xA  }
0x3b2: {  	s5 =	smov.u32 @p1 s3;
	[tilespmem:s4+$0xE528] =	vst.add.f32.msk @p1 $0xffff, v1  }
0x3b3: {  	s3 =	sshrl.u32 s5, $0x2;
	[tilespmem:s2+$0xE418] =	vst.msk $0x1, v0  }
0x3b4: {  	v0 =	vld [tilespmem:s3+$0xE438];
	_ =	sdelay $0x2  }
0x3b5: {  	s31 =	sshll.u32 s2, $0xA  }
0x3b6: {  	s4 =	sshra.s32 s31, $0x2  }
0x3b7: {  	[tilespmem:s4+$0xE438] =	vst v0  }
0x3b8: {  	v0 =	vld [tilespmem:s3+$0xE448];
	_ =	sdelay $0x4  }
0x3b9: {  	[tilespmem:s4+$0xE448] =	vst v0  }
0x3ba: {  	v0 =	vld [tilespmem:s3+$0xE458];
	_ =	sdelay $0x4  }
0x3bb: {  	[tilespmem:s4+$0xE458] =	vst v0  }
0x3bc: {  	v0 =	vld [tilespmem:s3+$0xE468];
	_ =	sdelay $0x4  }
0x3bd: {  	[tilespmem:s4+$0xE468] =	vst v0  }
0x3be: {  	v0 =	vld [tilespmem:s3+$0xE478];
	_ =	sdelay $0x4  }
0x3bf: {  	[tilespmem:s4+$0xE478] =	vst v0  }
0x3c0: {  	v0 =	vld [tilespmem:s3+$0xE488];
	_ =	sdelay $0x4  }
0x3c1: {  	[tilespmem:s4+$0xE488] =	vst v0  }
0x3c2: {  	v0 =	vld [tilespmem:s3+$0xE498];
	_ =	sdelay $0x4  }
0x3c3: {  	[tilespmem:s4+$0xE498] =	vst v0  }
0x3c4: {  	v0 =	vld [tilespmem:s3+$0xE4A8];
	_ =	sdelay $0x4  }
0x3c5: {  	[tilespmem:s4+$0xE4A8] =	vst v0  }
0x3c6: {  	v0 =	vld [tilespmem:s3+$0xE4B8];
	_ =	sdelay $0x4  }
0x3c7: {  	[tilespmem:s4+$0xE4B8] =	vst v0  }
0x3c8: {  	v0 =	vld [tilespmem:s3+$0xE4C8];
	_ =	sdelay $0x4  }
0x3c9: {  	[tilespmem:s4+$0xE4C8] =	vst v0  }
0x3ca: {  	v0 =	vld [tilespmem:s3+$0xE4D8];
	_ =	sdelay $0x4  }
0x3cb: {  	[tilespmem:s4+$0xE4D8] =	vst v0  }
0x3cc: {  	v0 =	vld [tilespmem:s3+$0xE4E8];
	_ =	sdelay $0x4  }
0x3cd: {  	[tilespmem:s4+$0xE4E8] =	vst v0  }
0x3ce: {  	v0 =	vld [tilespmem:s3+$0xE4F8];
	_ =	sdelay $0x4  }
0x3cf: {  	[tilespmem:s4+$0xE4F8] =	vst v0  }
0x3d0: {  	v0 =	vld [tilespmem:s3+$0xE508];
	_ =	sdelay $0x4  }
0x3d1: {  	[tilespmem:s4+$0xE508] =	vst v0  }
0x3d2: {  	v0 =	vld [tilespmem:s3+$0xE518];
	_ =	sdelay $0x4  }
0x3d3: {  	[tilespmem:s4+$0xE518] =	vst v0  }
0x3d4: {  	v0 =	vld [tilespmem:s3+$0xE528];
	_ =	sdelay $0x4  }
0x3d5: {  	s2 =	sadd.s32 $0x1, s2;
	[tilespmem:s4+$0xE528] =	vst v0  }
.LBB2_64:
0x3d6: {  	s0 =	sadd.s32 $0x1, s0  }
0x3d7: {  	p1 =	sne.s32 s0, $0x20  }
.Ltmp40:
0x3d8: {  	_ = 	snop;
	(pc) =	sbr.rel @!p1 .LBB2_65-.Ltmp40, $1  }
0x3d9: {  	_ =	sdelay $0x3  }
.LBB2_57:
0x3da: {  	v0 =	vld.msk [tilespmem:s0+$0xE418], $0x1;
	_ =	sdelay $0x4  }
0x3db: {  	(v2sf) =	vpush v0, $0x0;
	_ =	sdelay $0xe  }
0x3dc: {  	s3 =	spop (v2sf)  }
0x3dd: {  	p1 =	seq.s32 s3, $0xFFFFFFFF  }
.Ltmp41:
0x3de: {  	_ = 	snop;
	(pc) =	sbr.rel @p1 .LBB2_64-.Ltmp41, $1  }
0x3df: {  	_ =	sdelay $0x3  }
0x3e0: {  	p1 =	slt.s32 s2, $0x1  }
.Ltmp42:
0x3e1: {  	_ = 	snop;
	(pc) =	sbr.rel @p1 .LBB2_63-.Ltmp42, $1  }
0x3e2: {  	_ =	sdelay $0x3  }
0x3e3: {  	s4 =	simm.s32 $0xE418;
	p1 =	por $0x0, $0x0  }
0x3e4: {  	v1 =	vld.msk @!p1 [tilespmem:s4+$0x0], $0x1;
	_ =	sdelay $0x4  }
0x3e5: {  	(v2sf) =	vpush @!p1 v1, $0x0;
	_ =	sdelay $0xd  }
0x3e6: {  	p3 =	sne.s32 s2, $0x1  }
.Ltmp43:
0x3e7: {  	s5 =	spop @!p1 (v2sf);
	(pc) =	sbr.rel @!p3 .LBB2_61-.Ltmp43, $4  }
0x3e8: {  	p2 =	seq.s32 @!p1 s3, s5  }
0x3e9: {  	s5 =	simm.s32 $0x0;
	p2 =	por !p2, p1  }
0x3ea: {  	s7 =	simm.s32 $0xFFFFFFFF;
	s5 =	simm.s32 @p2 $0xFFFFFFFF  }
0x3eb: {  	s6 =	simm.s32 $0x1;
	s5 =	smov.u32 @p1 s7  }
.LBB2_60:
0x3ec: {  	s7 =	smov.u32 s5;
	p1 =	sne.s32 s5, $0xFFFFFFFF  }
0x3ed: {  	s4 =	sadd.s32 $0x1, s4;
	s5 =	smov.u32 s6;
	s6 =	sadd.s32 $0x1, s6  }
0x3ee: {  	p2 =	sne.s32 s2, s6;
	v1 =	vld.msk @!p1 [tilespmem:s4+$0x0], $0x1;
	_ =	sdelay $0x4  }
0x3ef: {  	(v2sf) =	vpush @!p1 v1, $0x0;
	_ =	sdelay $0xe  }
.Ltmp44:
0x3f0: {  	s8 =	spop @!p1 (v2sf);
	(pc) =	sbr.rel @p2 .LBB2_60-.Ltmp44, $4  }
0x3f1: {  	p3 =	seq.s32 @!p1 s3, s8  }
0x3f2: {  	p3 =	por !p3, p1  }
0x3f3: {  	s5 =	simm.s32 @p3 $0xFFFFFFFF  }
0x3f4: {  	s5 =	smov.u32 @p1 s7  }
.LBB2_61:
0x3f5: {  	p1 =	seq.s32 s5, $0xFFFFFFFF  }
.Ltmp45:
0x3f6: {  	_ = 	snop;
	(pc) =	sbr.rel @p1 .LBB2_63-.Ltmp45, $1  }
0x3f7: {  	_ =	sdelay $0x3  }
0x3f8: {  	s3 =	sshll.u32 s0, $0x8  }
0x3f9: {  	s3 =	sand.u32 $0x3FFFFF00, s3  }
0x3fa: {  	v0 =	vld [tilespmem:s3+$0xE438];
	_ =	sdelay $0x2  }
0x3fb: {  	s4 =	sshll.u32 s5, $0xA  }
0x3fc: {  	s4 =	sshra.s32 s4, $0x2  }
0x3fd: {  	[tilespmem:s4+$0xE438] =	vst.add.f32.msk $0xffff, v0  }
0x3fe: {  	v0 =	vld [tilespmem:s3+$0xE448];
	_ =	sdelay $0x4  }
0x3ff: {  	[tilespmem:s4+$0xE448] =	vst.add.f32.msk $0xffff, v0  }
0x400: {  	v0 =	vld [tilespmem:s3+$0xE458];
	_ =	sdelay $0x4  }
0x401: {  	[tilespmem:s4+$0xE458] =	vst.add.f32.msk $0xffff, v0  }
0x402: {  	v0 =	vld [tilespmem:s3+$0xE468];
	_ =	sdelay $0x4  }
0x403: {  	[tilespmem:s4+$0xE468] =	vst.add.f32.msk $0xffff, v0  }
0x404: {  	v0 =	vld [tilespmem:s3+$0xE478];
	_ =	sdelay $0x4  }
0x405: {  	[tilespmem:s4+$0xE478] =	vst.add.f32.msk $0xffff, v0  }
0x406: {  	v0 =	vld [tilespmem:s3+$0xE488];
	_ =	sdelay $0x4  }
0x407: {  	[tilespmem:s4+$0xE488] =	vst.add.f32.msk $0xffff, v0  }
0x408: {  	v0 =	vld [tilespmem:s3+$0xE498];
	_ =	sdelay $0x4  }
0x409: {  	[tilespmem:s4+$0xE498] =	vst.add.f32.msk $0xffff, v0  }
0x40a: {  	v0 =	vld [tilespmem:s3+$0xE4A8];
	_ =	sdelay $0x4  }
0x40b: {  	[tilespmem:s4+$0xE4A8] =	vst.add.f32.msk $0xffff, v0  }
0x40c: {  	v0 =	vld [tilespmem:s3+$0xE4B8];
	_ =	sdelay $0x4  }
0x40d: {  	[tilespmem:s4+$0xE4B8] =	vst.add.f32.msk $0xffff, v0  }
0x40e: {  	v0 =	vld [tilespmem:s3+$0xE4C8];
	_ =	sdelay $0x4  }
0x40f: {  	[tilespmem:s4+$0xE4C8] =	vst.add.f32.msk $0xffff, v0  }
0x410: {  	v0 =	vld [tilespmem:s3+$0xE4D8];
	_ =	sdelay $0x4  }
0x411: {  	[tilespmem:s4+$0xE4D8] =	vst.add.f32.msk $0xffff, v0  }
0x412: {  	v0 =	vld [tilespmem:s3+$0xE4E8];
	_ =	sdelay $0x4  }
0x413: {  	[tilespmem:s4+$0xE4E8] =	vst.add.f32.msk $0xffff, v0  }
0x414: {  	v0 =	vld [tilespmem:s3+$0xE4F8];
	_ =	sdelay $0x4  }
0x415: {  	[tilespmem:s4+$0xE4F8] =	vst.add.f32.msk $0xffff, v0  }
0x416: {  	v0 =	vld [tilespmem:s3+$0xE508];
	_ =	sdelay $0x4  }
0x417: {  	[tilespmem:s4+$0xE508] =	vst.add.f32.msk $0xffff, v0  }
0x418: {  	v0 =	vld [tilespmem:s3+$0xE518];
	_ =	sdelay $0x4  }
0x419: {  	[tilespmem:s4+$0xE518] =	vst.add.f32.msk $0xffff, v0  }
0x41a: {  	v0 =	vld [tilespmem:s3+$0xE528]  }
.Ltmp46:
0x41b: {  	_ = 	snop;
	(pc) =	sbr.rel .LBB2_64-.Ltmp46, $2  }
0x41c: {  	_ =	sdelay $0x2  }
0x41d: {  	[tilespmem:s4+$0xE528] =	vst.add.f32.msk $0xffff, v0  }
.LBB2_65:
0x41e: {  	p1 =	slt.s32 s2, $0x1  }
.Ltmp47:
0x41f: {  	_ = 	snop;
	(pc) =	sbr.rel @p1 .LBB2_69-.Ltmp47, $3  }
0x420: {  	_ =	sdelay $0x1  }
0x421: {  	s0 =	simm.s32 $0x8  }
0x422: {  	s4 =	simm.s32 $0x0;
	[sflag:s0] =	ssyncpa.u1 $0x1  }
0x423: {  	s0 =	simm.s32 $0xE418  }
0x424: {  	v0 =	vld.msk [tilespmem:s0+$0x0], $0x1;
	_ =	sdelay $0x4  }
0x425: {  	(v2sf) =	vpush v0, $0x0;
	_ =	sdelay $0xe  }
0x426: {  	s0 =	sadd.s32 $0xFFFFFFFF, s2;
	s3 =	spop (v2sf)  }
0x427: {  	s6 =	simm.s32 $0xE438;
	p1 =	sne.s32 s0, $0x0;
	p2 =	sgt.u32 s3, $0x30F70  }
.Ltmp48:
0x428: {  	s2 =	simm.s32 $0xE538;
	s5 =	sand.u32 @!p2 $0x3FFF8, s3;
	(pc) =	sbr.rel @!p1 .LBB2_68-.Ltmp48, $4  }
0x429: {  	s7 =	sadd.s32 @!p2 $0x80, s3;
	s4 =	simm.s32 @!p2 $0x400;
	s8 =	sadd.s32 @!p2 s1, s5  }
0x42a: {  	s5 =	sand.u32 @!p2 $0x7, s3;
	s3 =	simm.s32 $0xE419;
	s7 =	sand.u32 @!p2 $0x7FFF8, s7  }
0x42b: {  	[hbm4b:s8+s5] =	stream.linear.scatter @!p2 [tilespmem:s6], [sflag:$0x7], $0x80, $0x38;
	[tilespmem:$0x1E678] =	vst v63  }
0x42c: {  	s4 =	sadd.s32 $0x0, s4;
	s6 =	simm.s32 @!p2 $0xE4B8;
	s7 =	sadd.s32 @!p2 s1, s7  }
.LBB2_67:
0x42d: {  	[hbm4b:s7+s5] =	stream.linear.scatter @!p2 [tilespmem:s6], [sflag:$0x7], $0x80, $0x38;
	[tilespmem:$0x1E678] =	vst v63  }
0x42e: {  	s0 =	sadd.s32 $0xFFFFFFFF, s0;
	s6 =	smov.u32 s2;
	v0 =	vld.msk [tilespmem:s3+$0x0], $0x1  }
0x42f: {  	p1 =	sne.s32 s0, $0x0;
	_ =	sdelay $0x3  }
0x430: {  	(v2sf) =	vpush v0, $0x0;
	_ =	sdelay $0xe  }
0x431: {  	s2 =	sadd.s32 $0x100, s2;
	s8 =	simm.s32 $0x0;
	s5 =	spop (v2sf)  }
.Ltmp49:
0x432: {  	s3 =	sadd.s32 $0x1, s3;
	p2 =	sgt.u32 s5, $0x30F70;
	(pc) =	sbr.rel @p1 .LBB2_67-.Ltmp49, $4  }
0x433: {  	s8 =	simm.s32 @!p2 $0x400;
	s7 =	sand.u32 @!p2 $0x3FFF8, s5;
	s9 =	sadd.s32 @!p2 $0x80, s5  }
0x434: {  	s5 =	sand.u32 @!p2 $0x7, s5;
	s7 =	sadd.s32 @!p2 s1, s7;
	s9 =	sand.u32 @!p2 $0x7FFF8, s9  }
0x435: {  	[hbm4b:s7+s5] =	stream.linear.scatter @!p2 [tilespmem:s6], [sflag:$0x7], $0x80, $0x38;
	[tilespmem:$0x1E678] =	vst v63  }
0x436: {  	s4 =	sadd.s32 s4, s8;
	s6 =	sadd.s32 @!p2 $0x80, s6;
	s7 =	sadd.s32 @!p2 s1, s9  }
.LBB2_68:
0x437: {  	[hbm4b:s7+s5] =	stream.linear.scatter @!p2 [tilespmem:s6], [sflag:$0x7], $0x80, $0x38;
	[tilespmem:$0x1E678] =	vst v63  }
0x438: {  	s4 =	sshrl.u32 s4, $0x2  }
.LBB2_69:
0x439: {  	s0 =	simm.s32 $0x7  }
0x43a: {  	_ =	swait.ge [sflag:s0], s4  }
0x43b: {  	s1 =	ssub.s32 $0x0, s4;
	[sflag:s0] =	ssyncset.done $0x0  }
0x43c: {  	[sflag:s0] =	ssyncadd.s32 s1  }
0x43d: {  	[sflag:s0] =	ssyncpa.u1 $0x1  }
.LBB2_70:
0x43e: {  	_ =	sfence;
	s0 =	simm.s32 $0x1  }
0x43f: {  	[sflag:s0] =	ssyncpa.u1 $0x1  }
0x440: {  	_ =	strace $0x9000004A  }
0x441: {  	[bflag:$0x2] =	sbarrier.arrive $0xFFFF  }
0x442: {  	s0 =	rddreg [dreg:$0x4]  }
0x443: {  	s0 =	sadd.s32 @!p0 $0x100000, s0  }
0x444: {  	[sflag:s0] =	ssyncadd.tile.s32 @!p0 $0x1;
	_ =	shalt  }
.Lfunc_end2:
_tile_overlayer_lowered:
.L_overlay_start_2:
0x445: {  	(tag) =	ssettag $0x2  }
0x446: {  	s0 =	rddreg [dreg:$0x0];
	s2 =	stileid.u32  }
0x447: {  	s1 =	rddreg [dreg:$0x1];
	p0 =	sne.s32 s2, $0x0  }
0x448: {  	s3 =	rddreg [dreg:$0x2];
	[bflag:$0x3] =	sbarrier.arrive $0xFFFF;
	s2 =	simm.s32 @!p0 $0x1C01  }
0x449: {  	[timem:s3], [sflag:s2] =	dma.local @!p0 [hbm:s0], s1  }
0x44a: {  	s0 =	simm.s32 @!p0 $0x1  }
0x44b: {  	_ =	swait.ge @!p0 [sflag:s0], s1  }
0x44c: {  	s1 =	ssub.s32 @!p0 $0x0, s1;
	[sflag:s0] =	ssyncset.done @!p0 $0x0  }
0x44d: {  	[sflag:s0] =	ssyncadd.s32 @!p0 s1  }
0x44e: {  	[bflag:$0x3] =	sbarrier.arrive $0xFFFF  }
0x44f: {  	_ =	shalt  }

</sc_bundles>
